<compile_context>
chip_gen: v7x
topology: tpu7x:2x2x1
jax: 0.10.2.dev20260603
libtpu: 0.0.44.dev20260713+nightly
codegen_flags: <defaults>
</compile_context>

<pallas_src>
import functools
import math

import jax
import jax.numpy as jnp
from jax import lax
from jax.experimental import pallas as pl
from jax.experimental.pallas import tpu as pltpu
from jax.experimental.pallas import tpu_sc as plsc

_NV = 6890
_ND = 8192
_NQ = 7168
_BQ = 1024
_BK = 512

_TH2 = 0.05 * 0.05
_CT = math.cos(math.pi / 12.0)
_VIS2 = 0.5 * 0.5
_IDXM = 0x1FFF
_SENT = 0x7FFFFFFF
_VBIAS = 0x60000000

_NTILES = 32
_S2D_PER = _NQ // _NTILES
_D2S_PER = _ND // _NTILES


def _query_prep(cT, nT, qbf, vhbf, qq):
    c = cT[...]
    qbf[...] = c.astype(jnp.bfloat16)
    qq[...] = jnp.sum(c * c, axis=0, keepdims=True)
    n = nT[...]
    inv = 1.0 / jnp.sqrt(jnp.sum(n * n, axis=0, keepdims=True) + 1e-12)
    vhbf[...] = (n * inv).astype(jnp.bfloat16)


def _key_prep(k, n, kbf, nbf, kk):
    kv = k[...]
    kbf[...] = (-2.0 * kv).astype(jnp.bfloat16)
    kk[...] = jnp.sum(kv * kv, axis=1, keepdims=True)
    nv = n[...]
    inv = 1.0 / jnp.sqrt(jnp.sum(nv * nv, axis=1, keepdims=True) + 1e-12)
    nbf[...] = (nv * inv).astype(jnp.bfloat16)


def _select_loop(nq, nk, kbf, nbf, kk, qbf, vhbf, qq, emit):
    nqb = nq // _BQ
    nkc = nk // _BK

    def qblock(qb, _):
        qs = qb * _BQ
        qsl = pl.ds(qs, _BQ)
        qc = qbf[:, qsl]
        vh = vhbf[:, qsl]
        qqr = qq[0:1, qsl]

        row_m = jnp.full((1, _BQ), _SENT, jnp.int32)
        for kb in range(nkc):
            ks = kb * _BK
            ksl = pl.ds(ks, _BK)
            cross2 = jnp.dot(kbf[ksl, :], qc,
                             preferred_element_type=jnp.float32)
            cos = jnp.dot(nbf[ksl, :], vh,
                          preferred_element_type=jnp.float32)
            d2 = jnp.maximum((cross2 + kk[ksl, :]) + qqr, 0.0)
            valid = (d2 < _TH2) & (cos > _CT)
            bits = lax.bitcast_convert_type(d2, jnp.int32)
            iot = lax.broadcasted_iota(jnp.int32, (_BK, 1), 0) + ks
            packed = (bits & jnp.int32(~_IDXM)) | iot
            pfin = jnp.where(valid, packed - jnp.int32(_VBIAS), packed)
            row_m = jnp.minimum(row_m, jnp.min(pfin, axis=0, keepdims=True))
        emit(qs, row_m)
        return 0

    lax.fori_loop(0, nqb, qblock, 0)


def _s2d_body(lvT, vnT, validq, dvm, dnm, vis_out, corr_out,
              kbf, nbf, kk, qbf, vhbf, qq):
    _key_prep(dvm, dnm, kbf, nbf, kk)
    _query_prep(lvT, vnT, qbf, vhbf, qq)

    def emit(qs, row_m):
        d2min = lax.bitcast_convert_type(
            row_m & jnp.int32(~_IDXM), jnp.float32)
        near = (row_m < 0) | (d2min < _VIS2)
        visb = jnp.where(
            near & (validq[0:1, pl.ds(qs, _BQ)] > 0.5), 1.0, 0.0
        ).astype(jnp.float32)
        vis_out[0:1, pl.ds(qs, _BQ)] = visb
        corr_out[0:1, pl.ds(qs, _BQ)] = row_m & jnp.int32(_IDXM)

    _select_loop(_NQ, _ND, kbf, nbf, kk, qbf, vhbf, qq, emit)


def _d2s_body(dvmT, dnmT, lv, vn, visc, corr_out,
              kbf, nbf, kk, qbf, vhbf, qq):
    m = visc[...] > 0.5
    kv = jnp.where(m, lv[...], 1e6)
    kbf[...] = (-2.0 * kv).astype(jnp.bfloat16)
    kk[...] = jnp.sum(kv * kv, axis=1, keepdims=True)
    nv = vn[...]
    inv = 1.0 / jnp.sqrt(jnp.sum(nv * nv, axis=1, keepdims=True) + 1e-12)
    nbf[...] = (nv * inv).astype(jnp.bfloat16)
    _query_prep(dvmT, dnmT, qbf, vhbf, qq)

    def emit(qs, row_m):
        corr_out[0:1, pl.ds(qs, _BQ)] = row_m & jnp.int32(_IDXM)

    _select_loop(_ND, _NQ, kbf, nbf, kk, qbf, vhbf, qq, emit)


def _gather_side(per, n, tn, tab_hbm, ci_hbm, out_hbm, idx, i3, g, sem):
    wid = lax.axis_index("s") * 2 + lax.axis_index("c")
    base = wid * per
    half = per // 2
    pltpu.sync_copy(ci_hbm.at[pl.ds(base, per)], idx)
    for c in range(3):
        for gi in range(per // 16):
            sl = pl.ds(gi * 16, 16)
            i3[sl] = idx[sl] + c * tn
        pltpu.async_copy(tab_hbm.at[i3.at[pl.ds(0, half)]],
                         g.at[pl.ds(0, half)], sem).wait()
        pltpu.async_copy(tab_hbm.at[i3.at[pl.ds(half, half)]],
                         g.at[pl.ds(half, half)], sem).wait()
        pltpu.sync_copy(g, out_hbm.at[pl.ds(c * n + base, per)])


def _gather_call(per, n, tn, tab_flat, ci):
    return pl.kernel(
        functools.partial(_gather_side, per, n, tn),
        out_type=jax.ShapeDtypeStruct((3 * n,), jnp.float32),
        mesh=plsc.VectorSubcoreMesh(core_axis_name="c", subcore_axis_name="s"),
        compiler_params=pltpu.CompilerParams(use_tc_tiling_on_sc=False),
        scratch_types=[
            pltpu.VMEM((per,), jnp.int32),
            pltpu.VMEM((per,), jnp.int32),
            pltpu.VMEM((per,), jnp.float32),
            pltpu.SemaphoreType.DMA,
        ],
    )(tab_flat, ci)


def _loss_body(lvT, gsT, vis, dvmT, gdT, loss_out):
    def row_d2(aT, bT):
        dx = aT[0:1, :] - bT[0:1, :]
        dy = aT[1:2, :] - bT[1:2, :]
        dz = aT[2:3, :] - bT[2:3, :]
        return dx * dx + dy * dy + dz * dz

    dist = jnp.sqrt(row_d2(lvT, gsT) + 1e-12)
    s = jnp.sum(vis[...] * dist, axis=1, keepdims=True)
    v = jnp.sum(vis[...], axis=1, keepdims=True)
    t = jnp.sum(jnp.sqrt(row_d2(dvmT, gdT) + 1e-12), axis=1, keepdims=True)
    loss_out[:, :] = s / jnp.maximum(v, 1.0) + t / float(_ND)


@jax.jit
def _run(depth_vmap, depth_nmap, live_verts, vert_normals, valid_verts):
    f32 = jnp.float32
    bf16 = jnp.bfloat16
    i32 = jnp.int32
    pad = _NQ - _NV
    lvp = jnp.pad(live_verts, ((0, pad), (0, 0)))
    vnp = jnp.pad(vert_normals, ((0, pad), (0, 0)))
    lvT = lvp.T
    vnT = vnp.T
    validq = jnp.pad(valid_verts, (0, pad)).reshape(1, _NQ)

    vis, corr_s2d = pl.pallas_call(
        _s2d_body,
        out_shape=[
            jax.ShapeDtypeStruct((1, _NQ), f32),
            jax.ShapeDtypeStruct((1, _NQ), i32),
        ],
        scratch_shapes=[
            pltpu.VMEM((_ND, 3), bf16),
            pltpu.VMEM((_ND, 3), bf16),
            pltpu.VMEM((_ND, 1), f32),
            pltpu.VMEM((3, _NQ), bf16),
            pltpu.VMEM((3, _NQ), bf16),
            pltpu.VMEM((1, _NQ), f32),
        ],
    )(lvT, vnT, validq, depth_vmap, depth_nmap)

    visc = vis.reshape(_NQ, 1)
    corr_d2s = pl.pallas_call(
        _d2s_body,
        out_shape=jax.ShapeDtypeStruct((1, _ND), i32),
        scratch_shapes=[
            pltpu.VMEM((_NQ, 3), bf16),
            pltpu.VMEM((_NQ, 3), bf16),
            pltpu.VMEM((_NQ, 1), f32),
            pltpu.VMEM((3, _ND), bf16),
            pltpu.VMEM((3, _ND), bf16),
            pltpu.VMEM((1, _ND), f32),
        ],
    )(depth_vmap.T, depth_nmap.T, lvp, vnp, visc)

    dvmT = depth_vmap.T
    gsf = _gather_call(_S2D_PER, _NQ, _ND, dvmT.reshape(-1),
                       corr_s2d.reshape(-1))
    gdf = _gather_call(_D2S_PER, _ND, _NQ, lvT.reshape(-1),
                       corr_d2s.reshape(-1))

    loss = pl.pallas_call(
        _loss_body,
        out_shape=jax.ShapeDtypeStruct((1, 1), f32),
    )(lvT, gsf.reshape(3, _NQ), vis, dvmT, gdf.reshape(3, _ND))
    return loss.reshape(())


def kernel(depth_vmap, depth_nmap, live_verts, vert_normals, valid_verts):
    return _run(depth_vmap, depth_nmap, live_verts, vert_normals, valid_verts)

# --- scband reference (transcript-rebuilt; emitter-appended) ---
"""Pipeline reference for scband-depth-term-20126216749838 (READ-ONLY COPY).

The authoritative reference and input builder live on the scoring server;
editing this copy changes nothing except your own understanding.
"""

import jax, jax.numpy as jnp
import numpy as np
import math

ICP_NEAR_SIZE = 32
ICP_THETA_THRESH = math.pi / 12.0
ICP_DIST_THRESH = 0.05
VIS_TH = 0.5
VIS_NEAR_SIZE = 4


def _knn(queries, keys, k):
    # brute-force kNN: returns (dists, indices), dists ascending like cKDTree.query
    d2 = (jnp.sum(queries * queries, axis=1, keepdims=True)
          + jnp.sum(keys * keys, axis=1)[None, :]
          - 2.0 * (queries @ keys.T))
    d2 = jnp.maximum(d2, 0.0)
    neg_d2, idx = jax.lax.top_k(-d2, k)
    return jnp.sqrt(-neg_d2 + 1e-12), idx


def _normalize(v):
    return v / jnp.sqrt(jnp.sum(v * v, axis=-1, keepdims=True) + 1e-12)


def setup_inputs(seed: int = 0) -> dict:
    key = jax.random.key(seed)
    k1, k2, k3, k4 = jax.random.split(key, 4)
    depth_vmap = jax.random.normal(k1, (8192, 3), dtype=jnp.float32)
    depth_nmap = jax.random.normal(k2, (8192, 3), dtype=jnp.float32)
    live_verts = jax.random.normal(k3, (6890, 3), dtype=jnp.float32)
    vert_normals = jax.random.normal(k4, (6890, 3), dtype=jnp.float32)
    valid_verts = jnp.ones((6890,), dtype=jnp.float32)
    return {
        'depth_vmap': depth_vmap,
        'depth_nmap': depth_nmap,
        'live_verts': live_verts,
        'vert_normals': vert_normals,
        'valid_verts': valid_verts,
    }


def reference(depth_vmap, depth_nmap, live_verts, vert_normals, valid_verts):
    nmap = _normalize(depth_nmap)
    vnorm = _normalize(vert_normals)

    # --- visibility (stand-in for renderer-based findLiveVisibileVerticesIndex) ---
    d_vis, _ = _knn(live_verts, depth_vmap, VIS_NEAR_SIZE)
    min_d = jnp.min(d_vis, axis=-1)
    vis = ((min_d < VIS_TH) & (valid_verts > 0.5)).astype(jnp.float32)

    cos_th = math.cos(ICP_THETA_THRESH)

    # --- smpl -> depth correspondences ---
    dists_s2d, idx_s2d = _knn(live_verts, depth_vmap, ICP_NEAR_SIZE)
    tar_n_s2d = nmap[idx_s2d.reshape(-1)].reshape(-1, ICP_NEAR_SIZE, 3)
    cos_s2d = jnp.einsum('ijk,ik->ij', tar_n_s2d, vnorm)
    valid_s2d = (dists_s2d < ICP_DIST_THRESH) & (cos_s2d > cos_th)
    sel_s2d = jnp.argmax(valid_s2d, axis=1)
    corr_s2d = idx_s2d[jnp.arange(idx_s2d.shape[0]), sel_s2d]

    # --- depth -> smpl correspondences (invisible verts pushed far away) ---
    masked_verts = jnp.where(vis[:, None] > 0.5, live_verts, 1e6)
    dists_d2s, idx_d2s = _knn(depth_vmap, masked_verts, ICP_NEAR_SIZE)
    tar_n_d2s = vnorm[idx_d2s.reshape(-1)].reshape(-1, ICP_NEAR_SIZE, 3)
    cos_d2s = jnp.einsum('ijk,ik->ij', tar_n_d2s, nmap)
    valid_d2s = (dists_d2s < ICP_DIST_THRESH) & (cos_d2s > cos_th)
    sel_d2s = jnp.argmax(valid_d2s, axis=1)
    corr_d2s = idx_d2s[jnp.arange(idx_d2s.shape[0]), sel_d2s]

    # --- depth loss (calcDepthLoss) ---
    delta_s2d = live_verts - depth_vmap[corr_s2d]
    dist_s2d = jnp.sqrt(jnp.sum(delta_s2d * delta_s2d, axis=-1) + 1e-12)
    loss_s2d = jnp.sum(vis * dist_s2d) / jnp.maximum(jnp.sum(vis), 1.0)

    delta_d2s = depth_vmap - live_verts[corr_d2s]
    dist_d2s = jnp.sqrt(jnp.sum(delta_d2s * delta_d2s, axis=-1) + 1e-12)
    loss_d2s = jnp.mean(dist_d2s)

    return loss_s2d + loss_d2s

if __name__ == "__main__":
    import jax
    _d = setup_inputs()
    print(jax.jit(kernel)(*tuple(_d.values())))

</pallas_src>

<mosaic_0001>
#map = affine_map<(d0, d1) -> (0)>
module attributes {stable_mosaic.version = 14 : i64} {
  func.func @_gather_side(%arg0: i32, %arg1: i32, %arg2: memref<21504xf32, #tpu.memory_space<hbm>>, %arg3: memref<8192xi32, #tpu.memory_space<hbm>>, %arg4: memref<24576xf32, #tpu.memory_space<hbm>>, %arg5: memref<256xi32, #tpu.memory_space<vmem>>, %arg6: memref<256xi32, #tpu.memory_space<vmem>>, %arg7: memref<256xf32, #tpu.memory_space<vmem>>, %arg8: memref<!tpu.dma_semaphore, #tpu.memory_space<semaphore_mem>>) attributes {dimension_semantics = [#tpu.dimension_semantics<core_parallel>, #tpu.dimension_semantics<subcore_parallel>], iteration_bounds = array<i64: 2, 16>, scalar_prefetch = 0 : i64, scratch_operands = 4 : i64, tpu.core_type = #tpu.core_type<sc_vector_subcore>, window_params = [{transform_indices = #map}, {transform_indices = #map}, {transform_indices = #map}]} {
    %mul3A = arith.constant 2 : i32
    %mul3A_0 = arith.muli %arg1, %mul3A : i32
    %add3A = arith.addi %mul3A_0, %arg0 : i32
    %mul3A_1 = arith.constant 256 : i32
    %mul3A_2 = arith.muli %add3A, %mul3A_1 : i32
    "tpu.region"() ({
      %run_scoped3A = tpu.sem_alloc : memref<!tpu.dma_semaphore, #tpu.memory_space<semaphore_mem>>
      %dma_start3A_557 = tpu.memref_slice %arg3[%mul3A_2] : memref<8192xi32, #tpu.memory_space<hbm>> -> memref<256xi32, #tpu.memory_space<hbm>>
      %dma_start3A_558 = tpu.memref_slice %arg3[%mul3A_2] : memref<8192xi32, #tpu.memory_space<hbm>> -> memref<256xi32, #tpu.memory_space<hbm>>
      tpu.enqueue_dma source(%dma_start3A_558 : memref<256xi32, #tpu.memory_space<hbm>>) target(%arg5 : memref<256xi32, #tpu.memory_space<vmem>>) target_semaphore(%run_scoped3A : memref<!tpu.dma_semaphore, #tpu.memory_space<semaphore_mem>>)
      %dma_wait3A_559 = tpu.memref_slice %arg3[%mul3A_2] : memref<8192xi32, #tpu.memory_space<hbm>> -> memref<256xi32, #tpu.memory_space<hbm>>
      %dma_wait3A_560 = tpu.memref_slice %arg3[%mul3A_2] : memref<8192xi32, #tpu.memory_space<hbm>> -> memref<256xi32, #tpu.memory_space<hbm>>
      tpu.wait_dma2 semaphore(%run_scoped3A : memref<!tpu.dma_semaphore, #tpu.memory_space<semaphore_mem>>) src(%dma_wait3A_560 : memref<256xi32, #tpu.memory_space<hbm>>) dst(%arg5 : memref<256xi32, #tpu.memory_space<vmem>>)
      tpu.yield
    }) : () -> ()
    %get3A = arith.constant 0 : index
    %get3A_3 = tpu.vector_load %arg5[%get3A] {strides = array<i32>} : memref<256xi32, #tpu.memory_space<vmem>>, vector<16xi32>,
    %get3A_4 = vector.shape_cast %get3A_3 : vector<16xi32> to vector<16xi32>
    %add3A_5 = arith.constant 0 : i32
    %add3A_6 = vector.broadcast %add3A_5 : i32 to vector<16xi32>
    %add3A_7 = arith.addi %get3A_4, %add3A_6 : vector<16xi32>
    %swap3A = arith.constant 0 : index
    %swap3A_8 = tpu.vector_load %arg6[%swap3A] {strides = array<i32>} : memref<256xi32, #tpu.memory_space<vmem>>, vector<16xi32>,
    %swap3A_9 = vector.shape_cast %swap3A_8 : vector<16xi32> to vector<16xi32>
    %swap3A_10 = vector.shape_cast %add3A_7 : vector<16xi32> to vector<16xi32>
    tpu.vector_store %arg6[%swap3A], %swap3A_10 {strides = array<i32>} : memref<256xi32, #tpu.memory_space<vmem>>, vector<16xi32>,
    %get3A_11 = arith.constant 16 : index
    %get3A_12 = tpu.vector_load %arg5[%get3A_11] {strides = array<i32>} : memref<256xi32, #tpu.memory_space<vmem>>, vector<16xi32>,
    %get3A_13 = vector.shape_cast %get3A_12 : vector<16xi32> to vector<16xi32>
    %add3A_14 = arith.constant 0 : i32
    %add3A_15 = vector.broadcast %add3A_14 : i32 to vector<16xi32>
    %add3A_16 = arith.addi %get3A_13, %add3A_15 : vector<16xi32>
    %swap3A_17 = arith.constant 16 : index
    %swap3A_18 = tpu.vector_load %arg6[%swap3A_17] {strides = array<i32>} : memref<256xi32, #tpu.memory_space<vmem>>, vector<16xi32>,
    %swap3A_19 = vector.shape_cast %swap3A_18 : vector<16xi32> to vector<16xi32>
    %swap3A_20 = vector.shape_cast %add3A_16 : vector<16xi32> to vector<16xi32>
    tpu.vector_store %arg6[%swap3A_17], %swap3A_20 {strides = array<i32>} : memref<256xi32, #tpu.memory_space<vmem>>, vector<16xi32>,
    %get3A_21 = arith.constant 32 : index
    %get3A_22 = tpu.vector_load %arg5[%get3A_21] {strides = array<i32>} : memref<256xi32, #tpu.memory_space<vmem>>, vector<16xi32>,
    %get3A_23 = vector.shape_cast %get3A_22 : vector<16xi32> to vector<16xi32>
    %add3A_24 = arith.constant 0 : i32
    %add3A_25 = vector.broadcast %add3A_24 : i32 to vector<16xi32>
    %add3A_26 = arith.addi %get3A_23, %add3A_25 : vector<16xi32>
    %swap3A_27 = arith.constant 32 : index
    %swap3A_28 = tpu.vector_load %arg6[%swap3A_27] {strides = array<i32>} : memref<256xi32, #tpu.memory_space<vmem>>, vector<16xi32>,
    %swap3A_29 = vector.shape_cast %swap3A_28 : vector<16xi32> to vector<16xi32>
    %swap3A_30 = vector.shape_cast %add3A_26 : vector<16xi32> to vector<16xi32>
    tpu.vector_store %arg6[%swap3A_27], %swap3A_30 {strides = array<i32>} : memref<256xi32, #tpu.memory_space<vmem>>, vector<16xi32>,
    %get3A_31 = arith.constant 48 : index
    %get3A_32 = tpu.vector_load %arg5[%get3A_31] {strides = array<i32>} : memref<256xi32, #tpu.memory_space<vmem>>, vector<16xi32>,
    %get3A_33 = vector.shape_cast %get3A_32 : vector<16xi32> to vector<16xi32>
    %add3A_34 = arith.constant 0 : i32
    %add3A_35 = vector.broadcast %add3A_34 : i32 to vector<16xi32>
    %add3A_36 = arith.addi %get3A_33, %add3A_35 : vector<16xi32>
    %swap3A_37 = arith.constant 48 : index
    %swap3A_38 = tpu.vector_load %arg6[%swap3A_37] {strides = array<i32>} : memref<256xi32, #tpu.memory_space<vmem>>, vector<16xi32>,
    %swap3A_39 = vector.shape_cast %swap3A_38 : vector<16xi32> to vector<16xi32>
    %swap3A_40 = vector.shape_cast %add3A_36 : vector<16xi32> to vector<16xi32>
    tpu.vector_store %arg6[%swap3A_37], %swap3A_40 {strides = array<i32>} : memref<256xi32, #tpu.memory_space<vmem>>, vector<16xi32>,
    %get3A_41 = arith.constant 64 : index
    %get3A_42 = tpu.vector_load %arg5[%get3A_41] {strides = array<i32>} : memref<256xi32, #tpu.memory_space<vmem>>, vector<16xi32>,
    %get3A_43 = vector.shape_cast %get3A_42 : vector<16xi32> to vector<16xi32>
    %add3A_44 = arith.constant 0 : i32
    %add3A_45 = vector.broadcast %add3A_44 : i32 to vector<16xi32>
    %add3A_46 = arith.addi %get3A_43, %add3A_45 : vector<16xi32>
    %swap3A_47 = arith.constant 64 : index
    %swap3A_48 = tpu.vector_load %arg6[%swap3A_47] {strides = array<i32>} : memref<256xi32, #tpu.memory_space<vmem>>, vector<16xi32>,
    %swap3A_49 = vector.shape_cast %swap3A_48 : vector<16xi32> to vector<16xi32>
    %swap3A_50 = vector.shape_cast %add3A_46 : vector<16xi32> to vector<16xi32>
    tpu.vector_store %arg6[%swap3A_47], %swap3A_50 {strides = array<i32>} : memref<256xi32, #tpu.memory_space<vmem>>, vector<16xi32>,
    %get3A_51 = arith.constant 80 : index
    %get3A_52 = tpu.vector_load %arg5[%get3A_51] {strides = array<i32>} : memref<256xi32, #tpu.memory_space<vmem>>, vector<16xi32>,
    %get3A_53 = vector.shape_cast %get3A_52 : vector<16xi32> to vector<16xi32>
    %add3A_54 = arith.constant 0 : i32
    %add3A_55 = vector.broadcast %add3A_54 : i32 to vector<16xi32>
    %add3A_56 = arith.addi %get3A_53, %add3A_55 : vector<16xi32>
    %swap3A_57 = arith.constant 80 : index
    %swap3A_58 = tpu.vector_load %arg6[%swap3A_57] {strides = array<i32>} : memref<256xi32, #tpu.memory_space<vmem>>, vector<16xi32>,
    %swap3A_59 = vector.shape_cast %swap3A_58 : vector<16xi32> to vector<16xi32>
    %swap3A_60 = vector.shape_cast %add3A_56 : vector<16xi32> to vector<16xi32>
    tpu.vector_store %arg6[%swap3A_57], %swap3A_60 {strides = array<i32>} : memref<256xi32, #tpu.memory_space<vmem>>, vector<16xi32>,
    %get3A_61 = arith.constant 96 : index
    %get3A_62 = tpu.vector_load %arg5[%get3A_61] {strides = array<i32>} : memref<256xi32, #tpu.memory_space<vmem>>, vector<16xi32>,
    %get3A_63 = vector.shape_cast %get3A_62 : vector<16xi32> to vector<16xi32>
    %add3A_64 = arith.constant 0 : i32
    %add3A_65 = vector.broadcast %add3A_64 : i32 to vector<16xi32>
    %add3A_66 = arith.addi %get3A_63, %add3A_65 : vector<16xi32>
    %swap3A_67 = arith.constant 96 : index
    %swap3A_68 = tpu.vector_load %arg6[%swap3A_67] {strides = array<i32>} : memref<256xi32, #tpu.memory_space<vmem>>, vector<16xi32>,
    %swap3A_69 = vector.shape_cast %swap3A_68 : vector<16xi32> to vector<16xi32>
    %swap3A_70 = vector.shape_cast %add3A_66 : vector<16xi32> to vector<16xi32>
    tpu.vector_store %arg6[%swap3A_67], %swap3A_70 {strides = array<i32>} : memref<256xi32, #tpu.memory_space<vmem>>, vector<16xi32>,
    %get3A_71 = arith.constant 112 : index
    %get3A_72 = tpu.vector_load %arg5[%get3A_71] {strides = array<i32>} : memref<256xi32, #tpu.memory_space<vmem>>, vector<16xi32>,
    %get3A_73 = vector.shape_cast %get3A_72 : vector<16xi32> to vector<16xi32>
    %add3A_74 = arith.constant 0 : i32
    %add3A_75 = vector.broadcast %add3A_74 : i32 to vector<16xi32>
    %add3A_76 = arith.addi %get3A_73, %add3A_75 : vector<16xi32>
    %swap3A_77 = arith.constant 112 : index
    %swap3A_78 = tpu.vector_load %arg6[%swap3A_77] {strides = array<i32>} : memref<256xi32, #tpu.memory_space<vmem>>, vector<16xi32>,
    %swap3A_79 = vector.shape_cast %swap3A_78 : vector<16xi32> to vector<16xi32>
    %swap3A_80 = vector.shape_cast %add3A_76 : vector<16xi32> to vector<16xi32>
    tpu.vector_store %arg6[%swap3A_77], %swap3A_80 {strides = array<i32>} : memref<256xi32, #tpu.memory_space<vmem>>, vector<16xi32>,
    %get3A_81 = arith.constant 128 : index
    %get3A_82 = tpu.vector_load %arg5[%get3A_81] {strides = array<i32>} : memref<256xi32, #tpu.memory_space<vmem>>, vector<16xi32>,
    %get3A_83 = vector.shape_cast %get3A_82 : vector<16xi32> to vector<16xi32>
    %add3A_84 = arith.constant 0 : i32
    %add3A_85 = vector.broadcast %add3A_84 : i32 to vector<16xi32>
    %add3A_86 = arith.addi %get3A_83, %add3A_85 : vector<16xi32>
    %swap3A_87 = arith.constant 128 : index
    %swap3A_88 = tpu.vector_load %arg6[%swap3A_87] {strides = array<i32>} : memref<256xi32, #tpu.memory_space<vmem>>, vector<16xi32>,
    %swap3A_89 = vector.shape_cast %swap3A_88 : vector<16xi32> to vector<16xi32>
    %swap3A_90 = vector.shape_cast %add3A_86 : vector<16xi32> to vector<16xi32>
    tpu.vector_store %arg6[%swap3A_87], %swap3A_90 {strides = array<i32>} : memref<256xi32, #tpu.memory_space<vmem>>, vector<16xi32>,
    %get3A_91 = arith.constant 144 : index
    %get3A_92 = tpu.vector_load %arg5[%get3A_91] {strides = array<i32>} : memref<256xi32, #tpu.memory_space<vmem>>, vector<16xi32>,
    %get3A_93 = vector.shape_cast %get3A_92 : vector<16xi32> to vector<16xi32>
    %add3A_94 = arith.constant 0 : i32
    %add3A_95 = vector.broadcast %add3A_94 : i32 to vector<16xi32>
    %add3A_96 = arith.addi %get3A_93, %add3A_95 : vector<16xi32>
    %swap3A_97 = arith.constant 144 : index
    %swap3A_98 = tpu.vector_load %arg6[%swap3A_97] {strides = array<i32>} : memref<256xi32, #tpu.memory_space<vmem>>, vector<16xi32>,
    %swap3A_99 = vector.shape_cast %swap3A_98 : vector<16xi32> to vector<16xi32>
    %swap3A_100 = vector.shape_cast %add3A_96 : vector<16xi32> to vector<16xi32>
    tpu.vector_store %arg6[%swap3A_97], %swap3A_100 {strides = array<i32>} : memref<256xi32, #tpu.memory_space<vmem>>, vector<16xi32>,
    %get3A_101 = arith.constant 160 : index
    %get3A_102 = tpu.vector_load %arg5[%get3A_101] {strides = array<i32>} : memref<256xi32, #tpu.memory_space<vmem>>, vector<16xi32>,
    %get3A_103 = vector.shape_cast %get3A_102 : vector<16xi32> to vector<16xi32>
    %add3A_104 = arith.constant 0 : i32
    %add3A_105 = vector.broadcast %add3A_104 : i32 to vector<16xi32>
    %add3A_106 = arith.addi %get3A_103, %add3A_105 : vector<16xi32>
    %swap3A_107 = arith.constant 160 : index
    %swap3A_108 = tpu.vector_load %arg6[%swap3A_107] {strides = array<i32>} : memref<256xi32, #tpu.memory_space<vmem>>, vector<16xi32>,
    %swap3A_109 = vector.shape_cast %swap3A_108 : vector<16xi32> to vector<16xi32>
    %swap3A_110 = vector.shape_cast %add3A_106 : vector<16xi32> to vector<16xi32>
    tpu.vector_store %arg6[%swap3A_107], %swap3A_110 {strides = array<i32>} : memref<256xi32, #tpu.memory_space<vmem>>, vector<16xi32>,
    %get3A_111 = arith.constant 176 : index
    %get3A_112 = tpu.vector_load %arg5[%get3A_111] {strides = array<i32>} : memref<256xi32, #tpu.memory_space<vmem>>, vector<16xi32>,
    %get3A_113 = vector.shape_cast %get3A_112 : vector<16xi32> to vector<16xi32>
    %add3A_114 = arith.constant 0 : i32
    %add3A_115 = vector.broadcast %add3A_114 : i32 to vector<16xi32>
    %add3A_116 = arith.addi %get3A_113, %add3A_115 : vector<16xi32>
    %swap3A_117 = arith.constant 176 : index
    %swap3A_118 = tpu.vector_load %arg6[%swap3A_117] {strides = array<i32>} : memref<256xi32, #tpu.memory_space<vmem>>, vector<16xi32>,
    %swap3A_119 = vector.shape_cast %swap3A_118 : vector<16xi32> to vector<16xi32>
    %swap3A_120 = vector.shape_cast %add3A_116 : vector<16xi32> to vector<16xi32>
    tpu.vector_store %arg6[%swap3A_117], %swap3A_120 {strides = array<i32>} : memref<256xi32, #tpu.memory_space<vmem>>, vector<16xi32>,
    %get3A_121 = arith.constant 192 : index
    %get3A_122 = tpu.vector_load %arg5[%get3A_121] {strides = array<i32>} : memref<256xi32, #tpu.memory_space<vmem>>, vector<16xi32>,
    %get3A_123 = vector.shape_cast %get3A_122 : vector<16xi32> to vector<16xi32>
    %add3A_124 = arith.constant 0 : i32
    %add3A_125 = vector.broadcast %add3A_124 : i32 to vector<16xi32>
    %add3A_126 = arith.addi %get3A_123, %add3A_125 : vector<16xi32>
    %swap3A_127 = arith.constant 192 : index
    %swap3A_128 = tpu.vector_load %arg6[%swap3A_127] {strides = array<i32>} : memref<256xi32, #tpu.memory_space<vmem>>, vector<16xi32>,
    %swap3A_129 = vector.shape_cast %swap3A_128 : vector<16xi32> to vector<16xi32>
    %swap3A_130 = vector.shape_cast %add3A_126 : vector<16xi32> to vector<16xi32>
    tpu.vector_store %arg6[%swap3A_127], %swap3A_130 {strides = array<i32>} : memref<256xi32, #tpu.memory_space<vmem>>, vector<16xi32>,
    %get3A_131 = arith.constant 208 : index
    %get3A_132 = tpu.vector_load %arg5[%get3A_131] {strides = array<i32>} : memref<256xi32, #tpu.memory_space<vmem>>, vector<16xi32>,
    %get3A_133 = vector.shape_cast %get3A_132 : vector<16xi32> to vector<16xi32>
    %add3A_134 = arith.constant 0 : i32
    %add3A_135 = vector.broadcast %add3A_134 : i32 to vector<16xi32>
    %add3A_136 = arith.addi %get3A_133, %add3A_135 : vector<16xi32>
    %swap3A_137 = arith.constant 208 : index
    %swap3A_138 = tpu.vector_load %arg6[%swap3A_137] {strides = array<i32>} : memref<256xi32, #tpu.memory_space<vmem>>, vector<16xi32>,
    %swap3A_139 = vector.shape_cast %swap3A_138 : vector<16xi32> to vector<16xi32>
    %swap3A_140 = vector.shape_cast %add3A_136 : vector<16xi32> to vector<16xi32>
    tpu.vector_store %arg6[%swap3A_137], %swap3A_140 {strides = array<i32>} : memref<256xi32, #tpu.memory_space<vmem>>, vector<16xi32>,
    %get3A_141 = arith.constant 224 : index
    %get3A_142 = tpu.vector_load %arg5[%get3A_141] {strides = array<i32>} : memref<256xi32, #tpu.memory_space<vmem>>, vector<16xi32>,
    %get3A_143 = vector.shape_cast %get3A_142 : vector<16xi32> to vector<16xi32>
    %add3A_144 = arith.constant 0 : i32
    %add3A_145 = vector.broadcast %add3A_144 : i32 to vector<16xi32>
    %add3A_146 = arith.addi %get3A_143, %add3A_145 : vector<16xi32>
    %swap3A_147 = arith.constant 224 : index
    %swap3A_148 = tpu.vector_load %arg6[%swap3A_147] {strides = array<i32>} : memref<256xi32, #tpu.memory_space<vmem>>, vector<16xi32>,
    %swap3A_149 = vector.shape_cast %swap3A_148 : vector<16xi32> to vector<16xi32>
    %swap3A_150 = vector.shape_cast %add3A_146 : vector<16xi32> to vector<16xi32>
    tpu.vector_store %arg6[%swap3A_147], %swap3A_150 {strides = array<i32>} : memref<256xi32, #tpu.memory_space<vmem>>, vector<16xi32>,
    %get3A_151 = arith.constant 240 : index
    %get3A_152 = tpu.vector_load %arg5[%get3A_151] {strides = array<i32>} : memref<256xi32, #tpu.memory_space<vmem>>, vector<16xi32>,
    %get3A_153 = vector.shape_cast %get3A_152 : vector<16xi32> to vector<16xi32>
    %add3A_154 = arith.constant 0 : i32
    %add3A_155 = vector.broadcast %add3A_154 : i32 to vector<16xi32>
    %add3A_156 = arith.addi %get3A_153, %add3A_155 : vector<16xi32>
    %swap3A_157 = arith.constant 240 : index
    %swap3A_158 = tpu.vector_load %arg6[%swap3A_157] {strides = array<i32>} : memref<256xi32, #tpu.memory_space<vmem>>, vector<16xi32>,
    %swap3A_159 = vector.shape_cast %swap3A_158 : vector<16xi32> to vector<16xi32>
    %swap3A_160 = vector.shape_cast %add3A_156 : vector<16xi32> to vector<16xi32>
    tpu.vector_store %arg6[%swap3A_157], %swap3A_160 {strides = array<i32>} : memref<256xi32, #tpu.memory_space<vmem>>, vector<16xi32>,
    %dma_start3A = arith.constant 0 : i32
    %dma_start3A_161 = tpu.memref_slice %arg7[%dma_start3A] : memref<256xf32, #tpu.memory_space<vmem>> -> memref<128xf32, #tpu.memory_space<vmem>>
    %dma_start3A_162 = arith.constant 0 : i32
    %dma_start3A_163 = tpu.memref_slice %arg6[%dma_start3A_162] : memref<256xi32, #tpu.memory_space<vmem>> -> memref<128xi32, #tpu.memory_space<vmem>>
    %dma_start3A_164 = arith.constant 0 : i32
    %dma_start3A_165 = tpu.memref_slice %arg2[%dma_start3A_164] : memref<21504xf32, #tpu.memory_space<hbm>> -> memref<21504xf32, #tpu.memory_space<hbm>>
    tpu.enqueue_indirect_dma source(%dma_start3A_165 : memref<21504xf32, #tpu.memory_space<hbm>>) target(%dma_start3A_161 : memref<128xf32, #tpu.memory_space<vmem>>) offsets(%dma_start3A_163 : memref<128xi32, #tpu.memory_space<vmem>>) semaphore(%arg8 : memref<!tpu.dma_semaphore, #tpu.memory_space<semaphore_mem>>)
    %dma_wait3A = arith.constant 0 : i32
    %dma_wait3A_166 = tpu.memref_slice %arg7[%dma_wait3A] : memref<256xf32, #tpu.memory_space<vmem>> -> memref<128xf32, #tpu.memory_space<vmem>>
    %dma_wait3A_167 = arith.constant 0 : i32
    %dma_wait3A_168 = tpu.memref_slice %arg6[%dma_wait3A_167] : memref<256xi32, #tpu.memory_space<vmem>> -> memref<128xi32, #tpu.memory_space<vmem>>
    %dma_wait3A_169 = arith.constant 0 : i32
    %dma_wait3A_170 = tpu.memref_slice %arg2[%dma_wait3A_169] : memref<21504xf32, #tpu.memory_space<hbm>> -> memref<21504xf32, #tpu.memory_space<hbm>>
    tpu.wait_indirect_dma semaphore(%arg8 : memref<!tpu.dma_semaphore, #tpu.memory_space<semaphore_mem>>) src(%dma_wait3A_170 : memref<21504xf32, #tpu.memory_space<hbm>>) dst(%dma_wait3A_166 : memref<128xf32, #tpu.memory_space<vmem>>)
    %dma_start3A_171 = arith.constant 128 : i32
    %dma_start3A_172 = tpu.memref_slice %arg7[%dma_start3A_171] : memref<256xf32, #tpu.memory_space<vmem>> -> memref<128xf32, #tpu.memory_space<vmem>>
    %dma_start3A_173 = arith.constant 128 : i32
    %dma_start3A_174 = tpu.memref_slice %arg6[%dma_start3A_173] : memref<256xi32, #tpu.memory_space<vmem>> -> memref<128xi32, #tpu.memory_space<vmem>>
    %dma_start3A_175 = arith.constant 0 : i32
    %dma_start3A_176 = tpu.memref_slice %arg2[%dma_start3A_175] : memref<21504xf32, #tpu.memory_space<hbm>> -> memref<21504xf32, #tpu.memory_space<hbm>>
    tpu.enqueue_indirect_dma source(%dma_start3A_176 : memref<21504xf32, #tpu.memory_space<hbm>>) target(%dma_start3A_172 : memref<128xf32, #tpu.memory_space<vmem>>) offsets(%dma_start3A_174 : memref<128xi32, #tpu.memory_space<vmem>>) semaphore(%arg8 : memref<!tpu.dma_semaphore, #tpu.memory_space<semaphore_mem>>)
    %dma_wait3A_177 = arith.constant 128 : i32
    %dma_wait3A_178 = tpu.memref_slice %arg7[%dma_wait3A_177] : memref<256xf32, #tpu.memory_space<vmem>> -> memref<128xf32, #tpu.memory_space<vmem>>
    %dma_wait3A_179 = arith.constant 128 : i32
    %dma_wait3A_180 = tpu.memref_slice %arg6[%dma_wait3A_179] : memref<256xi32, #tpu.memory_space<vmem>> -> memref<128xi32, #tpu.memory_space<vmem>>
    %dma_wait3A_181 = arith.constant 0 : i32
    %dma_wait3A_182 = tpu.memref_slice %arg2[%dma_wait3A_181] : memref<21504xf32, #tpu.memory_space<hbm>> -> memref<21504xf32, #tpu.memory_space<hbm>>
    tpu.wait_indirect_dma semaphore(%arg8 : memref<!tpu.dma_semaphore, #tpu.memory_space<semaphore_mem>>) src(%dma_wait3A_182 : memref<21504xf32, #tpu.memory_space<hbm>>) dst(%dma_wait3A_178 : memref<128xf32, #tpu.memory_space<vmem>>)
    %add3A_183 = arith.constant 0 : i32
    %add3A_184 = arith.addi %add3A_183, %mul3A_2 : i32
    "tpu.region"() ({
      %run_scoped3A = tpu.sem_alloc : memref<!tpu.dma_semaphore, #tpu.memory_space<semaphore_mem>>
      %dma_start3A_557 = tpu.memref_slice %arg4[%add3A_184] : memref<24576xf32, #tpu.memory_space<hbm>> -> memref<256xf32, #tpu.memory_space<hbm>>
      %dma_start3A_558 = tpu.memref_slice %arg4[%add3A_184] : memref<24576xf32, #tpu.memory_space<hbm>> -> memref<256xf32, #tpu.memory_space<hbm>>
      tpu.enqueue_dma source(%arg7 : memref<256xf32, #tpu.memory_space<vmem>>) target(%dma_start3A_558 : memref<256xf32, #tpu.memory_space<hbm>>) target_semaphore(%run_scoped3A : memref<!tpu.dma_semaphore, #tpu.memory_space<semaphore_mem>>)
      %dma_wait3A_559 = tpu.memref_slice %arg4[%add3A_184] : memref<24576xf32, #tpu.memory_space<hbm>> -> memref<256xf32, #tpu.memory_space<hbm>>
      %dma_wait3A_560 = tpu.memref_slice %arg4[%add3A_184] : memref<24576xf32, #tpu.memory_space<hbm>> -> memref<256xf32, #tpu.memory_space<hbm>>
      tpu.wait_dma2 semaphore(%run_scoped3A : memref<!tpu.dma_semaphore, #tpu.memory_space<semaphore_mem>>) src(%arg7 : memref<256xf32, #tpu.memory_space<vmem>>) dst(%dma_wait3A_560 : memref<256xf32, #tpu.memory_space<hbm>>)
      tpu.yield
    }) : () -> ()
    %get3A_185 = arith.constant 0 : index
    %get3A_186 = tpu.vector_load %arg5[%get3A_185] {strides = array<i32>} : memref<256xi32, #tpu.memory_space<vmem>>, vector<16xi32>,
    %get3A_187 = vector.shape_cast %get3A_186 : vector<16xi32> to vector<16xi32>
    %add3A_188 = arith.constant 7168 : i32
    %add3A_189 = vector.broadcast %add3A_188 : i32 to vector<16xi32>
    %add3A_190 = arith.addi %get3A_187, %add3A_189 : vector<16xi32>
    %swap3A_191 = arith.constant 0 : index
    %swap3A_192 = tpu.vector_load %arg6[%swap3A_191] {strides = array<i32>} : memref<256xi32, #tpu.memory_space<vmem>>, vector<16xi32>,
    %swap3A_193 = vector.shape_cast %swap3A_192 : vector<16xi32> to vector<16xi32>
    %swap3A_194 = vector.shape_cast %add3A_190 : vector<16xi32> to vector<16xi32>
    tpu.vector_store %arg6[%swap3A_191], %swap3A_194 {strides = array<i32>} : memref<256xi32, #tpu.memory_space<vmem>>, vector<16xi32>,
    %get3A_195 = arith.constant 16 : index
    %get3A_196 = tpu.vector_load %arg5[%get3A_195] {strides = array<i32>} : memref<256xi32, #tpu.memory_space<vmem>>, vector<16xi32>,
    %get3A_197 = vector.shape_cast %get3A_196 : vector<16xi32> to vector<16xi32>
    %add3A_198 = arith.constant 7168 : i32
    %add3A_199 = vector.broadcast %add3A_198 : i32 to vector<16xi32>
    %add3A_200 = arith.addi %get3A_197, %add3A_199 : vector<16xi32>
    %swap3A_201 = arith.constant 16 : index
    %swap3A_202 = tpu.vector_load %arg6[%swap3A_201] {strides = array<i32>} : memref<256xi32, #tpu.memory_space<vmem>>, vector<16xi32>,
    %swap3A_203 = vector.shape_cast %swap3A_202 : vector<16xi32> to vector<16xi32>
    %swap3A_204 = vector.shape_cast %add3A_200 : vector<16xi32> to vector<16xi32>
    tpu.vector_store %arg6[%swap3A_201], %swap3A_204 {strides = array<i32>} : memref<256xi32, #tpu.memory_space<vmem>>, vector<16xi32>,
    %get3A_205 = arith.constant 32 : index
    %get3A_206 = tpu.vector_load %arg5[%get3A_205] {strides = array<i32>} : memref<256xi32, #tpu.memory_space<vmem>>, vector<16xi32>,
    %get3A_207 = vector.shape_cast %get3A_206 : vector<16xi32> to vector<16xi32>
    %add3A_208 = arith.constant 7168 : i32
    %add3A_209 = vector.broadcast %add3A_208 : i32 to vector<16xi32>
    %add3A_210 = arith.addi %get3A_207, %add3A_209 : vector<16xi32>
    %swap3A_211 = arith.constant 32 : index
    %swap3A_212 = tpu.vector_load %arg6[%swap3A_211] {strides = array<i32>} : memref<256xi32, #tpu.memory_space<vmem>>, vector<16xi32>,
    %swap3A_213 = vector.shape_cast %swap3A_212 : vector<16xi32> to vector<16xi32>
    %swap3A_214 = vector.shape_cast %add3A_210 : vector<16xi32> to vector<16xi32>
    tpu.vector_store %arg6[%swap3A_211], %swap3A_214 {strides = array<i32>} : memref<256xi32, #tpu.memory_space<vmem>>, vector<16xi32>,
    %get3A_215 = arith.constant 48 : index
    %get3A_216 = tpu.vector_load %arg5[%get3A_215] {strides = array<i32>} : memref<256xi32, #tpu.memory_space<vmem>>, vector<16xi32>,
    %get3A_217 = vector.shape_cast %get3A_216 : vector<16xi32> to vector<16xi32>
    %add3A_218 = arith.constant 7168 : i32
    %add3A_219 = vector.broadcast %add3A_218 : i32 to vector<16xi32>
    %add3A_220 = arith.addi %get3A_217, %add3A_219 : vector<16xi32>
    %swap3A_221 = arith.constant 48 : index
    %swap3A_222 = tpu.vector_load %arg6[%swap3A_221] {strides = array<i32>} : memref<256xi32, #tpu.memory_space<vmem>>, vector<16xi32>,
    %swap3A_223 = vector.shape_cast %swap3A_222 : vector<16xi32> to vector<16xi32>
    %swap3A_224 = vector.shape_cast %add3A_220 : vector<16xi32> to vector<16xi32>
    tpu.vector_store %arg6[%swap3A_221], %swap3A_224 {strides = array<i32>} : memref<256xi32, #tpu.memory_space<vmem>>, vector<16xi32>,
    %get3A_225 = arith.constant 64 : index
    %get3A_226 = tpu.vector_load %arg5[%get3A_225] {strides = array<i32>} : memref<256xi32, #tpu.memory_space<vmem>>, vector<16xi32>,
    %get3A_227 = vector.shape_cast %get3A_226 : vector<16xi32> to vector<16xi32>
    %add3A_228 = arith.constant 7168 : i32
    %add3A_229 = vector.broadcast %add3A_228 : i32 to vector<16xi32>
    %add3A_230 = arith.addi %get3A_227, %add3A_229 : vector<16xi32>
    %swap3A_231 = arith.constant 64 : index
    %swap3A_232 = tpu.vector_load %arg6[%swap3A_231] {strides = array<i32>} : memref<256xi32, #tpu.memory_space<vmem>>, vector<16xi32>,
    %swap3A_233 = vector.shape_cast %swap3A_232 : vector<16xi32> to vector<16xi32>
    %swap3A_234 = vector.shape_cast %add3A_230 : vector<16xi32> to vector<16xi32>
    tpu.vector_store %arg6[%swap3A_231], %swap3A_234 {strides = array<i32>} : memref<256xi32, #tpu.memory_space<vmem>>, vector<16xi32>,
    %get3A_235 = arith.constant 80 : index
    %get3A_236 = tpu.vector_load %arg5[%get3A_235] {strides = array<i32>} : memref<256xi32, #tpu.memory_space<vmem>>, vector<16xi32>,
    %get3A_237 = vector.shape_cast %get3A_236 : vector<16xi32> to vector<16xi32>
    %add3A_238 = arith.constant 7168 : i32
    %add3A_239 = vector.broadcast %add3A_238 : i32 to vector<16xi32>
    %add3A_240 = arith.addi %get3A_237, %add3A_239 : vector<16xi32>
    %swap3A_241 = arith.constant 80 : index
    %swap3A_242 = tpu.vector_load %arg6[%swap3A_241] {strides = array<i32>} : memref<256xi32, #tpu.memory_space<vmem>>, vector<16xi32>,
    %swap3A_243 = vector.shape_cast %swap3A_242 : vector<16xi32> to vector<16xi32>
    %swap3A_244 = vector.shape_cast %add3A_240 : vector<16xi32> to vector<16xi32>
    tpu.vector_store %arg6[%swap3A_241], %swap3A_244 {strides = array<i32>} : memref<256xi32, #tpu.memory_space<vmem>>, vector<16xi32>,
    %get3A_245 = arith.constant 96 : index
    %get3A_246 = tpu.vector_load %arg5[%get3A_245] {strides = array<i32>} : memref<256xi32, #tpu.memory_space<vmem>>, vector<16xi32>,
    %get3A_247 = vector.shape_cast %get3A_246 : vector<16xi32> to vector<16xi32>
    %add3A_248 = arith.constant 7168 : i32
    %add3A_249 = vector.broadcast %add3A_248 : i32 to vector<16xi32>
    %add3A_250 = arith.addi %get3A_247, %add3A_249 : vector<16xi32>
    %swap3A_251 = arith.constant 96 : index
    %swap3A_252 = tpu.vector_load %arg6[%swap3A_251] {strides = array<i32>} : memref<256xi32, #tpu.memory_space<vmem>>, vector<16xi32>,
    %swap3A_253 = vector.shape_cast %swap3A_252 : vector<16xi32> to vector<16xi32>
    %swap3A_254 = vector.shape_cast %add3A_250 : vector<16xi32> to vector<16xi32>
    tpu.vector_store %arg6[%swap3A_251], %swap3A_254 {strides = array<i32>} : memref<256xi32, #tpu.memory_space<vmem>>, vector<16xi32>,
    %get3A_255 = arith.constant 112 : index
    %get3A_256 = tpu.vector_load %arg5[%get3A_255] {strides = array<i32>} : memref<256xi32, #tpu.memory_space<vmem>>, vector<16xi32>,
    %get3A_257 = vector.shape_cast %get3A_256 : vector<16xi32> to vector<16xi32>
    %add3A_258 = arith.constant 7168 : i32
    %add3A_259 = vector.broadcast %add3A_258 : i32 to vector<16xi32>
    %add3A_260 = arith.addi %get3A_257, %add3A_259 : vector<16xi32>
    %swap3A_261 = arith.constant 112 : index
    %swap3A_262 = tpu.vector_load %arg6[%swap3A_261] {strides = array<i32>} : memref<256xi32, #tpu.memory_space<vmem>>, vector<16xi32>,
    %swap3A_263 = vector.shape_cast %swap3A_262 : vector<16xi32> to vector<16xi32>
    %swap3A_264 = vector.shape_cast %add3A_260 : vector<16xi32> to vector<16xi32>
    tpu.vector_store %arg6[%swap3A_261], %swap3A_264 {strides = array<i32>} : memref<256xi32, #tpu.memory_space<vmem>>, vector<16xi32>,
    %get3A_265 = arith.constant 128 : index
    %get3A_266 = tpu.vector_load %arg5[%get3A_265] {strides = array<i32>} : memref<256xi32, #tpu.memory_space<vmem>>, vector<16xi32>,
    %get3A_267 = vector.shape_cast %get3A_266 : vector<16xi32> to vector<16xi32>
    %add3A_268 = arith.constant 7168 : i32
    %add3A_269 = vector.broadcast %add3A_268 : i32 to vector<16xi32>
    %add3A_270 = arith.addi %get3A_267, %add3A_269 : vector<16xi32>
    %swap3A_271 = arith.constant 128 : index
    %swap3A_272 = tpu.vector_load %arg6[%swap3A_271] {strides = array<i32>} : memref<256xi32, #tpu.memory_space<vmem>>, vector<16xi32>,
    %swap3A_273 = vector.shape_cast %swap3A_272 : vector<16xi32> to vector<16xi32>
    %swap3A_274 = vector.shape_cast %add3A_270 : vector<16xi32> to vector<16xi32>
    tpu.vector_store %arg6[%swap3A_271], %swap3A_274 {strides = array<i32>} : memref<256xi32, #tpu.memory_space<vmem>>, vector<16xi32>,
    %get3A_275 = arith.constant 144 : index
    %get3A_276 = tpu.vector_load %arg5[%get3A_275] {strides = array<i32>} : memref<256xi32, #tpu.memory_space<vmem>>, vector<16xi32>,
    %get3A_277 = vector.shape_cast %get3A_276 : vector<16xi32> to vector<16xi32>
    %add3A_278 = arith.constant 7168 : i32
    %add3A_279 = vector.broadcast %add3A_278 : i32 to vector<16xi32>
    %add3A_280 = arith.addi %get3A_277, %add3A_279 : vector<16xi32>
    %swap3A_281 = arith.constant 144 : index
    %swap3A_282 = tpu.vector_load %arg6[%swap3A_281] {strides = array<i32>} : memref<256xi32, #tpu.memory_space<vmem>>, vector<16xi32>,
    %swap3A_283 = vector.shape_cast %swap3A_282 : vector<16xi32> to vector<16xi32>
    %swap3A_284 = vector.shape_cast %add3A_280 : vector<16xi32> to vector<16xi32>
    tpu.vector_store %arg6[%swap3A_281], %swap3A_284 {strides = array<i32>} : memref<256xi32, #tpu.memory_space<vmem>>, vector<16xi32>,
    %get3A_285 = arith.constant 160 : index
    %get3A_286 = tpu.vector_load %arg5[%get3A_285] {strides = array<i32>} : memref<256xi32, #tpu.memory_space<vmem>>, vector<16xi32>,
    %get3A_287 = vector.shape_cast %get3A_286 : vector<16xi32> to vector<16xi32>
    %add3A_288 = arith.constant 7168 : i32
    %add3A_289 = vector.broadcast %add3A_288 : i32 to vector<16xi32>
    %add3A_290 = arith.addi %get3A_287, %add3A_289 : vector<16xi32>
    %swap3A_291 = arith.constant 160 : index
    %swap3A_292 = tpu.vector_load %arg6[%swap3A_291] {strides = array<i32>} : memref<256xi32, #tpu.memory_space<vmem>>, vector<16xi32>,
    %swap3A_293 = vector.shape_cast %swap3A_292 : vector<16xi32> to vector<16xi32>
    %swap3A_294 = vector.shape_cast %add3A_290 : vector<16xi32> to vector<16xi32>
    tpu.vector_store %arg6[%swap3A_291], %swap3A_294 {strides = array<i32>} : memref<256xi32, #tpu.memory_space<vmem>>, vector<16xi32>,
    %get3A_295 = arith.constant 176 : index
    %get3A_296 = tpu.vector_load %arg5[%get3A_295] {strides = array<i32>} : memref<256xi32, #tpu.memory_space<vmem>>, vector<16xi32>,
    %get3A_297 = vector.shape_cast %get3A_296 : vector<16xi32> to vector<16xi32>
    %add3A_298 = arith.constant 7168 : i32
    %add3A_299 = vector.broadcast %add3A_298 : i32 to vector<16xi32>
    %add3A_300 = arith.addi %get3A_297, %add3A_299 : vector<16xi32>
    %swap3A_301 = arith.constant 176 : index
    %swap3A_302 = tpu.vector_load %arg6[%swap3A_301] {strides = array<i32>} : memref<256xi32, #tpu.memory_space<vmem>>, vector<16xi32>,
    %swap3A_303 = vector.shape_cast %swap3A_302 : vector<16xi32> to vector<16xi32>
    %swap3A_304 = vector.shape_cast %add3A_300 : vector<16xi32> to vector<16xi32>
    tpu.vector_store %arg6[%swap3A_301], %swap3A_304 {strides = array<i32>} : memref<256xi32, #tpu.memory_space<vmem>>, vector<16xi32>,
    %get3A_305 = arith.constant 192 : index
    %get3A_306 = tpu.vector_load %arg5[%get3A_305] {strides = array<i32>} : memref<256xi32, #tpu.memory_space<vmem>>, vector<16xi32>,
    %get3A_307 = vector.shape_cast %get3A_306 : vector<16xi32> to vector<16xi32>
    %add3A_308 = arith.constant 7168 : i32
    %add3A_309 = vector.broadcast %add3A_308 : i32 to vector<16xi32>
    %add3A_310 = arith.addi %get3A_307, %add3A_309 : vector<16xi32>
    %swap3A_311 = arith.constant 192 : index
    %swap3A_312 = tpu.vector_load %arg6[%swap3A_311] {strides = array<i32>} : memref<256xi32, #tpu.memory_space<vmem>>, vector<16xi32>,
    %swap3A_313 = vector.shape_cast %swap3A_312 : vector<16xi32> to vector<16xi32>
    %swap3A_314 = vector.shape_cast %add3A_310 : vector<16xi32> to vector<16xi32>
    tpu.vector_store %arg6[%swap3A_311], %swap3A_314 {strides = array<i32>} : memref<256xi32, #tpu.memory_space<vmem>>, vector<16xi32>,
    %get3A_315 = arith.constant 208 : index
    %get3A_316 = tpu.vector_load %arg5[%get3A_315] {strides = array<i32>} : memref<256xi32, #tpu.memory_space<vmem>>, vector<16xi32>,
    %get3A_317 = vector.shape_cast %get3A_316 : vector<16xi32> to vector<16xi32>
    %add3A_318 = arith.constant 7168 : i32
    %add3A_319 = vector.broadcast %add3A_318 : i32 to vector<16xi32>
    %add3A_320 = arith.addi %get3A_317, %add3A_319 : vector<16xi32>
    %swap3A_321 = arith.constant 208 : index
    %swap3A_322 = tpu.vector_load %arg6[%swap3A_321] {strides = array<i32>} : memref<256xi32, #tpu.memory_space<vmem>>, vector<16xi32>,
    %swap3A_323 = vector.shape_cast %swap3A_322 : vector<16xi32> to vector<16xi32>
    %swap3A_324 = vector.shape_cast %add3A_320 : vector<16xi32> to vector<16xi32>
    tpu.vector_store %arg6[%swap3A_321], %swap3A_324 {strides = array<i32>} : memref<256xi32, #tpu.memory_space<vmem>>, vector<16xi32>,
    %get3A_325 = arith.constant 224 : index
    %get3A_326 = tpu.vector_load %arg5[%get3A_325] {strides = array<i32>} : memref<256xi32, #tpu.memory_space<vmem>>, vector<16xi32>,
    %get3A_327 = vector.shape_cast %get3A_326 : vector<16xi32> to vector<16xi32>
    %add3A_328 = arith.constant 7168 : i32
    %add3A_329 = vector.broadcast %add3A_328 : i32 to vector<16xi32>
    %add3A_330 = arith.addi %get3A_327, %add3A_329 : vector<16xi32>
    %swap3A_331 = arith.constant 224 : index
    %swap3A_332 = tpu.vector_load %arg6[%swap3A_331] {strides = array<i32>} : memref<256xi32, #tpu.memory_space<vmem>>, vector<16xi32>,
    %swap3A_333 = vector.shape_cast %swap3A_332 : vector<16xi32> to vector<16xi32>
    %swap3A_334 = vector.shape_cast %add3A_330 : vector<16xi32> to vector<16xi32>
    tpu.vector_store %arg6[%swap3A_331], %swap3A_334 {strides = array<i32>} : memref<256xi32, #tpu.memory_space<vmem>>, vector<16xi32>,
    %get3A_335 = arith.constant 240 : index
    %get3A_336 = tpu.vector_load %arg5[%get3A_335] {strides = array<i32>} : memref<256xi32, #tpu.memory_space<vmem>>, vector<16xi32>,
    %get3A_337 = vector.shape_cast %get3A_336 : vector<16xi32> to vector<16xi32>
    %add3A_338 = arith.constant 7168 : i32
    %add3A_339 = vector.broadcast %add3A_338 : i32 to vector<16xi32>
    %add3A_340 = arith.addi %get3A_337, %add3A_339 : vector<16xi32>
    %swap3A_341 = arith.constant 240 : index
    %swap3A_342 = tpu.vector_load %arg6[%swap3A_341] {strides = array<i32>} : memref<256xi32, #tpu.memory_space<vmem>>, vector<16xi32>,
    %swap3A_343 = vector.shape_cast %swap3A_342 : vector<16xi32> to vector<16xi32>
    %swap3A_344 = vector.shape_cast %add3A_340 : vector<16xi32> to vector<16xi32>
    tpu.vector_store %arg6[%swap3A_341], %swap3A_344 {strides = array<i32>} : memref<256xi32, #tpu.memory_space<vmem>>, vector<16xi32>,
    %dma_start3A_345 = arith.constant 0 : i32
    %dma_start3A_346 = tpu.memref_slice %arg7[%dma_start3A_345] : memref<256xf32, #tpu.memory_space<vmem>> -> memref<128xf32, #tpu.memory_space<vmem>>
    %dma_start3A_347 = arith.constant 0 : i32
    %dma_start3A_348 = tpu.memref_slice %arg6[%dma_start3A_347] : memref<256xi32, #tpu.memory_space<vmem>> -> memref<128xi32, #tpu.memory_space<vmem>>
    %dma_start3A_349 = arith.constant 0 : i32
    %dma_start3A_350 = tpu.memref_slice %arg2[%dma_start3A_349] : memref<21504xf32, #tpu.memory_space<hbm>> -> memref<21504xf32, #tpu.memory_space<hbm>>
    tpu.enqueue_indirect_dma source(%dma_start3A_350 : memref<21504xf32, #tpu.memory_space<hbm>>) target(%dma_start3A_346 : memref<128xf32, #tpu.memory_space<vmem>>) offsets(%dma_start3A_348 : memref<128xi32, #tpu.memory_space<vmem>>) semaphore(%arg8 : memref<!tpu.dma_semaphore, #tpu.memory_space<semaphore_mem>>)
    %dma_wait3A_351 = arith.constant 0 : i32
    %dma_wait3A_352 = tpu.memref_slice %arg7[%dma_wait3A_351] : memref<256xf32, #tpu.memory_space<vmem>> -> memref<128xf32, #tpu.memory_space<vmem>>
    %dma_wait3A_353 = arith.constant 0 : i32
    %dma_wait3A_354 = tpu.memref_slice %arg6[%dma_wait3A_353] : memref<256xi32, #tpu.memory_space<vmem>> -> memref<128xi32, #tpu.memory_space<vmem>>
    %dma_wait3A_355 = arith.constant 0 : i32
    %dma_wait3A_356 = tpu.memref_slice %arg2[%dma_wait3A_355] : memref<21504xf32, #tpu.memory_space<hbm>> -> memref<21504xf32, #tpu.memory_space<hbm>>
    tpu.wait_indirect_dma semaphore(%arg8 : memref<!tpu.dma_semaphore, #tpu.memory_space<semaphore_mem>>) src(%dma_wait3A_356 : memref<21504xf32, #tpu.memory_space<hbm>>) dst(%dma_wait3A_352 : memref<128xf32, #tpu.memory_space<vmem>>)
    %dma_start3A_357 = arith.constant 128 : i32
    %dma_start3A_358 = tpu.memref_slice %arg7[%dma_start3A_357] : memref<256xf32, #tpu.memory_space<vmem>> -> memref<128xf32, #tpu.memory_space<vmem>>
    %dma_start3A_359 = arith.constant 128 : i32
    %dma_start3A_360 = tpu.memref_slice %arg6[%dma_start3A_359] : memref<256xi32, #tpu.memory_space<vmem>> -> memref<128xi32, #tpu.memory_space<vmem>>
    %dma_start3A_361 = arith.constant 0 : i32
    %dma_start3A_362 = tpu.memref_slice %arg2[%dma_start3A_361] : memref<21504xf32, #tpu.memory_space<hbm>> -> memref<21504xf32, #tpu.memory_space<hbm>>
    tpu.enqueue_indirect_dma source(%dma_start3A_362 : memref<21504xf32, #tpu.memory_space<hbm>>) target(%dma_start3A_358 : memref<128xf32, #tpu.memory_space<vmem>>) offsets(%dma_start3A_360 : memref<128xi32, #tpu.memory_space<vmem>>) semaphore(%arg8 : memref<!tpu.dma_semaphore, #tpu.memory_space<semaphore_mem>>)
    %dma_wait3A_363 = arith.constant 128 : i32
    %dma_wait3A_364 = tpu.memref_slice %arg7[%dma_wait3A_363] : memref<256xf32, #tpu.memory_space<vmem>> -> memref<128xf32, #tpu.memory_space<vmem>>
    %dma_wait3A_365 = arith.constant 128 : i32
    %dma_wait3A_366 = tpu.memref_slice %arg6[%dma_wait3A_365] : memref<256xi32, #tpu.memory_space<vmem>> -> memref<128xi32, #tpu.memory_space<vmem>>
    %dma_wait3A_367 = arith.constant 0 : i32
    %dma_wait3A_368 = tpu.memref_slice %arg2[%dma_wait3A_367] : memref<21504xf32, #tpu.memory_space<hbm>> -> memref<21504xf32, #tpu.memory_space<hbm>>
    tpu.wait_indirect_dma semaphore(%arg8 : memref<!tpu.dma_semaphore, #tpu.memory_space<semaphore_mem>>) src(%dma_wait3A_368 : memref<21504xf32, #tpu.memory_space<hbm>>) dst(%dma_wait3A_364 : memref<128xf32, #tpu.memory_space<vmem>>)
    %add3A_369 = arith.constant 8192 : i32
    %add3A_370 = arith.addi %add3A_369, %mul3A_2 : i32
    "tpu.region"() ({
      %run_scoped3A = tpu.sem_alloc : memref<!tpu.dma_semaphore, #tpu.memory_space<semaphore_mem>>
      %dma_start3A_557 = tpu.memref_slice %arg4[%add3A_370] : memref<24576xf32, #tpu.memory_space<hbm>> -> memref<256xf32, #tpu.memory_space<hbm>>
      %dma_start3A_558 = tpu.memref_slice %arg4[%add3A_370] : memref<24576xf32, #tpu.memory_space<hbm>> -> memref<256xf32, #tpu.memory_space<hbm>>
      tpu.enqueue_dma source(%arg7 : memref<256xf32, #tpu.memory_space<vmem>>) target(%dma_start3A_558 : memref<256xf32, #tpu.memory_space<hbm>>) target_semaphore(%run_scoped3A : memref<!tpu.dma_semaphore, #tpu.memory_space<semaphore_mem>>)
      %dma_wait3A_559 = tpu.memref_slice %arg4[%add3A_370] : memref<24576xf32, #tpu.memory_space<hbm>> -> memref<256xf32, #tpu.memory_space<hbm>>
      %dma_wait3A_560 = tpu.memref_slice %arg4[%add3A_370] : memref<24576xf32, #tpu.memory_space<hbm>> -> memref<256xf32, #tpu.memory_space<hbm>>
      tpu.wait_dma2 semaphore(%run_scoped3A : memref<!tpu.dma_semaphore, #tpu.memory_space<semaphore_mem>>) src(%arg7 : memref<256xf32, #tpu.memory_space<vmem>>) dst(%dma_wait3A_560 : memref<256xf32, #tpu.memory_space<hbm>>)
      tpu.yield
    }) : () -> ()
    %get3A_371 = arith.constant 0 : index
    %get3A_372 = tpu.vector_load %arg5[%get3A_371] {strides = array<i32>} : memref<256xi32, #tpu.memory_space<vmem>>, vector<16xi32>,
    %get3A_373 = vector.shape_cast %get3A_372 : vector<16xi32> to vector<16xi32>
    %add3A_374 = arith.constant 14336 : i32
    %add3A_375 = vector.broadcast %add3A_374 : i32 to vector<16xi32>
    %add3A_376 = arith.addi %get3A_373, %add3A_375 : vector<16xi32>
    %swap3A_377 = arith.constant 0 : index
    %swap3A_378 = tpu.vector_load %arg6[%swap3A_377] {strides = array<i32>} : memref<256xi32, #tpu.memory_space<vmem>>, vector<16xi32>,
    %swap3A_379 = vector.shape_cast %swap3A_378 : vector<16xi32> to vector<16xi32>
    %swap3A_380 = vector.shape_cast %add3A_376 : vector<16xi32> to vector<16xi32>
    tpu.vector_store %arg6[%swap3A_377], %swap3A_380 {strides = array<i32>} : memref<256xi32, #tpu.memory_space<vmem>>, vector<16xi32>,
    %get3A_381 = arith.constant 16 : index
    %get3A_382 = tpu.vector_load %arg5[%get3A_381] {strides = array<i32>} : memref<256xi32, #tpu.memory_space<vmem>>, vector<16xi32>,
    %get3A_383 = vector.shape_cast %get3A_382 : vector<16xi32> to vector<16xi32>
    %add3A_384 = arith.constant 14336 : i32
    %add3A_385 = vector.broadcast %add3A_384 : i32 to vector<16xi32>
    %add3A_386 = arith.addi %get3A_383, %add3A_385 : vector<16xi32>
    %swap3A_387 = arith.constant 16 : index
    %swap3A_388 = tpu.vector_load %arg6[%swap3A_387] {strides = array<i32>} : memref<256xi32, #tpu.memory_space<vmem>>, vector<16xi32>,
    %swap3A_389 = vector.shape_cast %swap3A_388 : vector<16xi32> to vector<16xi32>
    %swap3A_390 = vector.shape_cast %add3A_386 : vector<16xi32> to vector<16xi32>
    tpu.vector_store %arg6[%swap3A_387], %swap3A_390 {strides = array<i32>} : memref<256xi32, #tpu.memory_space<vmem>>, vector<16xi32>,
    %get3A_391 = arith.constant 32 : index
    %get3A_392 = tpu.vector_load %arg5[%get3A_391] {strides = array<i32>} : memref<256xi32, #tpu.memory_space<vmem>>, vector<16xi32>,
    %get3A_393 = vector.shape_cast %get3A_392 : vector<16xi32> to vector<16xi32>
    %add3A_394 = arith.constant 14336 : i32
    %add3A_395 = vector.broadcast %add3A_394 : i32 to vector<16xi32>
    %add3A_396 = arith.addi %get3A_393, %add3A_395 : vector<16xi32>
    %swap3A_397 = arith.constant 32 : index
    %swap3A_398 = tpu.vector_load %arg6[%swap3A_397] {strides = array<i32>} : memref<256xi32, #tpu.memory_space<vmem>>, vector<16xi32>,
    %swap3A_399 = vector.shape_cast %swap3A_398 : vector<16xi32> to vector<16xi32>
    %swap3A_400 = vector.shape_cast %add3A_396 : vector<16xi32> to vector<16xi32>
    tpu.vector_store %arg6[%swap3A_397], %swap3A_400 {strides = array<i32>} : memref<256xi32, #tpu.memory_space<vmem>>, vector<16xi32>,
    %get3A_401 = arith.constant 48 : index
    %get3A_402 = tpu.vector_load %arg5[%get3A_401] {strides = array<i32>} : memref<256xi32, #tpu.memory_space<vmem>>, vector<16xi32>,
    %get3A_403 = vector.shape_cast %get3A_402 : vector<16xi32> to vector<16xi32>
    %add3A_404 = arith.constant 14336 : i32
    %add3A_405 = vector.broadcast %add3A_404 : i32 to vector<16xi32>
    %add3A_406 = arith.addi %get3A_403, %add3A_405 : vector<16xi32>
    %swap3A_407 = arith.constant 48 : index
    %swap3A_408 = tpu.vector_load %arg6[%swap3A_407] {strides = array<i32>} : memref<256xi32, #tpu.memory_space<vmem>>, vector<16xi32>,
    %swap3A_409 = vector.shape_cast %swap3A_408 : vector<16xi32> to vector<16xi32>
    %swap3A_410 = vector.shape_cast %add3A_406 : vector<16xi32> to vector<16xi32>
    tpu.vector_store %arg6[%swap3A_407], %swap3A_410 {strides = array<i32>} : memref<256xi32, #tpu.memory_space<vmem>>, vector<16xi32>,
    %get3A_411 = arith.constant 64 : index
    %get3A_412 = tpu.vector_load %arg5[%get3A_411] {strides = array<i32>} : memref<256xi32, #tpu.memory_space<vmem>>, vector<16xi32>,
    %get3A_413 = vector.shape_cast %get3A_412 : vector<16xi32> to vector<16xi32>
    %add3A_414 = arith.constant 14336 : i32
    %add3A_415 = vector.broadcast %add3A_414 : i32 to vector<16xi32>
    %add3A_416 = arith.addi %get3A_413, %add3A_415 : vector<16xi32>
    %swap3A_417 = arith.constant 64 : index
    %swap3A_418 = tpu.vector_load %arg6[%swap3A_417] {strides = array<i32>} : memref<256xi32, #tpu.memory_space<vmem>>, vector<16xi32>,
    %swap3A_419 = vector.shape_cast %swap3A_418 : vector<16xi32> to vector<16xi32>
    %swap3A_420 = vector.shape_cast %add3A_416 : vector<16xi32> to vector<16xi32>
    tpu.vector_store %arg6[%swap3A_417], %swap3A_420 {strides = array<i32>} : memref<256xi32, #tpu.memory_space<vmem>>, vector<16xi32>,
    %get3A_421 = arith.constant 80 : index
    %get3A_422 = tpu.vector_load %arg5[%get3A_421] {strides = array<i32>} : memref<256xi32, #tpu.memory_space<vmem>>, vector<16xi32>,
    %get3A_423 = vector.shape_cast %get3A_422 : vector<16xi32> to vector<16xi32>
    %add3A_424 = arith.constant 14336 : i32
    %add3A_425 = vector.broadcast %add3A_424 : i32 to vector<16xi32>
    %add3A_426 = arith.addi %get3A_423, %add3A_425 : vector<16xi32>
    %swap3A_427 = arith.constant 80 : index
    %swap3A_428 = tpu.vector_load %arg6[%swap3A_427] {strides = array<i32>} : memref<256xi32, #tpu.memory_space<vmem>>, vector<16xi32>,
    %swap3A_429 = vector.shape_cast %swap3A_428 : vector<16xi32> to vector<16xi32>
    %swap3A_430 = vector.shape_cast %add3A_426 : vector<16xi32> to vector<16xi32>
    tpu.vector_store %arg6[%swap3A_427], %swap3A_430 {strides = array<i32>} : memref<256xi32, #tpu.memory_space<vmem>>, vector<16xi32>,
    %get3A_431 = arith.constant 96 : index
    %get3A_432 = tpu.vector_load %arg5[%get3A_431] {strides = array<i32>} : memref<256xi32, #tpu.memory_space<vmem>>, vector<16xi32>,
    %get3A_433 = vector.shape_cast %get3A_432 : vector<16xi32> to vector<16xi32>
    %add3A_434 = arith.constant 14336 : i32
    %add3A_435 = vector.broadcast %add3A_434 : i32 to vector<16xi32>
    %add3A_436 = arith.addi %get3A_433, %add3A_435 : vector<16xi32>
    %swap3A_437 = arith.constant 96 : index
    %swap3A_438 = tpu.vector_load %arg6[%swap3A_437] {strides = array<i32>} : memref<256xi32, #tpu.memory_space<vmem>>, vector<16xi32>,
    %swap3A_439 = vector.shape_cast %swap3A_438 : vector<16xi32> to vector<16xi32>
    %swap3A_440 = vector.shape_cast %add3A_436 : vector<16xi32> to vector<16xi32>
    tpu.vector_store %arg6[%swap3A_437], %swap3A_440 {strides = array<i32>} : memref<256xi32, #tpu.memory_space<vmem>>, vector<16xi32>,
    %get3A_441 = arith.constant 112 : index
    %get3A_442 = tpu.vector_load %arg5[%get3A_441] {strides = array<i32>} : memref<256xi32, #tpu.memory_space<vmem>>, vector<16xi32>,
    %get3A_443 = vector.shape_cast %get3A_442 : vector<16xi32> to vector<16xi32>
    %add3A_444 = arith.constant 14336 : i32
    %add3A_445 = vector.broadcast %add3A_444 : i32 to vector<16xi32>
    %add3A_446 = arith.addi %get3A_443, %add3A_445 : vector<16xi32>
    %swap3A_447 = arith.constant 112 : index
    %swap3A_448 = tpu.vector_load %arg6[%swap3A_447] {strides = array<i32>} : memref<256xi32, #tpu.memory_space<vmem>>, vector<16xi32>,
    %swap3A_449 = vector.shape_cast %swap3A_448 : vector<16xi32> to vector<16xi32>
    %swap3A_450 = vector.shape_cast %add3A_446 : vector<16xi32> to vector<16xi32>
    tpu.vector_store %arg6[%swap3A_447], %swap3A_450 {strides = array<i32>} : memref<256xi32, #tpu.memory_space<vmem>>, vector<16xi32>,
    %get3A_451 = arith.constant 128 : index
    %get3A_452 = tpu.vector_load %arg5[%get3A_451] {strides = array<i32>} : memref<256xi32, #tpu.memory_space<vmem>>, vector<16xi32>,
    %get3A_453 = vector.shape_cast %get3A_452 : vector<16xi32> to vector<16xi32>
    %add3A_454 = arith.constant 14336 : i32
    %add3A_455 = vector.broadcast %add3A_454 : i32 to vector<16xi32>
    %add3A_456 = arith.addi %get3A_453, %add3A_455 : vector<16xi32>
    %swap3A_457 = arith.constant 128 : index
    %swap3A_458 = tpu.vector_load %arg6[%swap3A_457] {strides = array<i32>} : memref<256xi32, #tpu.memory_space<vmem>>, vector<16xi32>,
    %swap3A_459 = vector.shape_cast %swap3A_458 : vector<16xi32> to vector<16xi32>
    %swap3A_460 = vector.shape_cast %add3A_456 : vector<16xi32> to vector<16xi32>
    tpu.vector_store %arg6[%swap3A_457], %swap3A_460 {strides = array<i32>} : memref<256xi32, #tpu.memory_space<vmem>>, vector<16xi32>,
    %get3A_461 = arith.constant 144 : index
    %get3A_462 = tpu.vector_load %arg5[%get3A_461] {strides = array<i32>} : memref<256xi32, #tpu.memory_space<vmem>>, vector<16xi32>,
    %get3A_463 = vector.shape_cast %get3A_462 : vector<16xi32> to vector<16xi32>
    %add3A_464 = arith.constant 14336 : i32
    %add3A_465 = vector.broadcast %add3A_464 : i32 to vector<16xi32>
    %add3A_466 = arith.addi %get3A_463, %add3A_465 : vector<16xi32>
    %swap3A_467 = arith.constant 144 : index
    %swap3A_468 = tpu.vector_load %arg6[%swap3A_467] {strides = array<i32>} : memref<256xi32, #tpu.memory_space<vmem>>, vector<16xi32>,
    %swap3A_469 = vector.shape_cast %swap3A_468 : vector<16xi32> to vector<16xi32>
    %swap3A_470 = vector.shape_cast %add3A_466 : vector<16xi32> to vector<16xi32>
    tpu.vector_store %arg6[%swap3A_467], %swap3A_470 {strides = array<i32>} : memref<256xi32, #tpu.memory_space<vmem>>, vector<16xi32>,
    %get3A_471 = arith.constant 160 : index
    %get3A_472 = tpu.vector_load %arg5[%get3A_471] {strides = array<i32>} : memref<256xi32, #tpu.memory_space<vmem>>, vector<16xi32>,
    %get3A_473 = vector.shape_cast %get3A_472 : vector<16xi32> to vector<16xi32>
    %add3A_474 = arith.constant 14336 : i32
    %add3A_475 = vector.broadcast %add3A_474 : i32 to vector<16xi32>
    %add3A_476 = arith.addi %get3A_473, %add3A_475 : vector<16xi32>
    %swap3A_477 = arith.constant 160 : index
    %swap3A_478 = tpu.vector_load %arg6[%swap3A_477] {strides = array<i32>} : memref<256xi32, #tpu.memory_space<vmem>>, vector<16xi32>,
    %swap3A_479 = vector.shape_cast %swap3A_478 : vector<16xi32> to vector<16xi32>
    %swap3A_480 = vector.shape_cast %add3A_476 : vector<16xi32> to vector<16xi32>
    tpu.vector_store %arg6[%swap3A_477], %swap3A_480 {strides = array<i32>} : memref<256xi32, #tpu.memory_space<vmem>>, vector<16xi32>,
    %get3A_481 = arith.constant 176 : index
    %get3A_482 = tpu.vector_load %arg5[%get3A_481] {strides = array<i32>} : memref<256xi32, #tpu.memory_space<vmem>>, vector<16xi32>,
    %get3A_483 = vector.shape_cast %get3A_482 : vector<16xi32> to vector<16xi32>
    %add3A_484 = arith.constant 14336 : i32
    %add3A_485 = vector.broadcast %add3A_484 : i32 to vector<16xi32>
    %add3A_486 = arith.addi %get3A_483, %add3A_485 : vector<16xi32>
    %swap3A_487 = arith.constant 176 : index
    %swap3A_488 = tpu.vector_load %arg6[%swap3A_487] {strides = array<i32>} : memref<256xi32, #tpu.memory_space<vmem>>, vector<16xi32>,
    %swap3A_489 = vector.shape_cast %swap3A_488 : vector<16xi32> to vector<16xi32>
    %swap3A_490 = vector.shape_cast %add3A_486 : vector<16xi32> to vector<16xi32>
    tpu.vector_store %arg6[%swap3A_487], %swap3A_490 {strides = array<i32>} : memref<256xi32, #tpu.memory_space<vmem>>, vector<16xi32>,
    %get3A_491 = arith.constant 192 : index
    %get3A_492 = tpu.vector_load %arg5[%get3A_491] {strides = array<i32>} : memref<256xi32, #tpu.memory_space<vmem>>, vector<16xi32>,
    %get3A_493 = vector.shape_cast %get3A_492 : vector<16xi32> to vector<16xi32>
    %add3A_494 = arith.constant 14336 : i32
    %add3A_495 = vector.broadcast %add3A_494 : i32 to vector<16xi32>
    %add3A_496 = arith.addi %get3A_493, %add3A_495 : vector<16xi32>
    %swap3A_497 = arith.constant 192 : index
    %swap3A_498 = tpu.vector_load %arg6[%swap3A_497] {strides = array<i32>} : memref<256xi32, #tpu.memory_space<vmem>>, vector<16xi32>,
    %swap3A_499 = vector.shape_cast %swap3A_498 : vector<16xi32> to vector<16xi32>
    %swap3A_500 = vector.shape_cast %add3A_496 : vector<16xi32> to vector<16xi32>
    tpu.vector_store %arg6[%swap3A_497], %swap3A_500 {strides = array<i32>} : memref<256xi32, #tpu.memory_space<vmem>>, vector<16xi32>,
    %get3A_501 = arith.constant 208 : index
    %get3A_502 = tpu.vector_load %arg5[%get3A_501] {strides = array<i32>} : memref<256xi32, #tpu.memory_space<vmem>>, vector<16xi32>,
    %get3A_503 = vector.shape_cast %get3A_502 : vector<16xi32> to vector<16xi32>
    %add3A_504 = arith.constant 14336 : i32
    %add3A_505 = vector.broadcast %add3A_504 : i32 to vector<16xi32>
    %add3A_506 = arith.addi %get3A_503, %add3A_505 : vector<16xi32>
    %swap3A_507 = arith.constant 208 : index
    %swap3A_508 = tpu.vector_load %arg6[%swap3A_507] {strides = array<i32>} : memref<256xi32, #tpu.memory_space<vmem>>, vector<16xi32>,
    %swap3A_509 = vector.shape_cast %swap3A_508 : vector<16xi32> to vector<16xi32>
    %swap3A_510 = vector.shape_cast %add3A_506 : vector<16xi32> to vector<16xi32>
    tpu.vector_store %arg6[%swap3A_507], %swap3A_510 {strides = array<i32>} : memref<256xi32, #tpu.memory_space<vmem>>, vector<16xi32>,
    %get3A_511 = arith.constant 224 : index
    %get3A_512 = tpu.vector_load %arg5[%get3A_511] {strides = array<i32>} : memref<256xi32, #tpu.memory_space<vmem>>, vector<16xi32>,
    %get3A_513 = vector.shape_cast %get3A_512 : vector<16xi32> to vector<16xi32>
    %add3A_514 = arith.constant 14336 : i32
    %add3A_515 = vector.broadcast %add3A_514 : i32 to vector<16xi32>
    %add3A_516 = arith.addi %get3A_513, %add3A_515 : vector<16xi32>
    %swap3A_517 = arith.constant 224 : index
    %swap3A_518 = tpu.vector_load %arg6[%swap3A_517] {strides = array<i32>} : memref<256xi32, #tpu.memory_space<vmem>>, vector<16xi32>,
    %swap3A_519 = vector.shape_cast %swap3A_518 : vector<16xi32> to vector<16xi32>
    %swap3A_520 = vector.shape_cast %add3A_516 : vector<16xi32> to vector<16xi32>
    tpu.vector_store %arg6[%swap3A_517], %swap3A_520 {strides = array<i32>} : memref<256xi32, #tpu.memory_space<vmem>>, vector<16xi32>,
    %get3A_521 = arith.constant 240 : index
    %get3A_522 = tpu.vector_load %arg5[%get3A_521] {strides = array<i32>} : memref<256xi32, #tpu.memory_space<vmem>>, vector<16xi32>,
    %get3A_523 = vector.shape_cast %get3A_522 : vector<16xi32> to vector<16xi32>
    %add3A_524 = arith.constant 14336 : i32
    %add3A_525 = vector.broadcast %add3A_524 : i32 to vector<16xi32>
    %add3A_526 = arith.addi %get3A_523, %add3A_525 : vector<16xi32>
    %swap3A_527 = arith.constant 240 : index
    %swap3A_528 = tpu.vector_load %arg6[%swap3A_527] {strides = array<i32>} : memref<256xi32, #tpu.memory_space<vmem>>, vector<16xi32>,
    %swap3A_529 = vector.shape_cast %swap3A_528 : vector<16xi32> to vector<16xi32>
    %swap3A_530 = vector.shape_cast %add3A_526 : vector<16xi32> to vector<16xi32>
    tpu.vector_store %arg6[%swap3A_527], %swap3A_530 {strides = array<i32>} : memref<256xi32, #tpu.memory_space<vmem>>, vector<16xi32>,
    %dma_start3A_531 = arith.constant 0 : i32
    %dma_start3A_532 = tpu.memref_slice %arg7[%dma_start3A_531] : memref<256xf32, #tpu.memory_space<vmem>> -> memref<128xf32, #tpu.memory_space<vmem>>
    %dma_start3A_533 = arith.constant 0 : i32
    %dma_start3A_534 = tpu.memref_slice %arg6[%dma_start3A_533] : memref<256xi32, #tpu.memory_space<vmem>> -> memref<128xi32, #tpu.memory_space<vmem>>
    %dma_start3A_535 = arith.constant 0 : i32
    %dma_start3A_536 = tpu.memref_slice %arg2[%dma_start3A_535] : memref<21504xf32, #tpu.memory_space<hbm>> -> memref<21504xf32, #tpu.memory_space<hbm>>
    tpu.enqueue_indirect_dma source(%dma_start3A_536 : memref<21504xf32, #tpu.memory_space<hbm>>) target(%dma_start3A_532 : memref<128xf32, #tpu.memory_space<vmem>>) offsets(%dma_start3A_534 : memref<128xi32, #tpu.memory_space<vmem>>) semaphore(%arg8 : memref<!tpu.dma_semaphore, #tpu.memory_space<semaphore_mem>>)
    %dma_wait3A_537 = arith.constant 0 : i32
    %dma_wait3A_538 = tpu.memref_slice %arg7[%dma_wait3A_537] : memref<256xf32, #tpu.memory_space<vmem>> -> memref<128xf32, #tpu.memory_space<vmem>>
    %dma_wait3A_539 = arith.constant 0 : i32
    %dma_wait3A_540 = tpu.memref_slice %arg6[%dma_wait3A_539] : memref<256xi32, #tpu.memory_space<vmem>> -> memref<128xi32, #tpu.memory_space<vmem>>
    %dma_wait3A_541 = arith.constant 0 : i32
    %dma_wait3A_542 = tpu.memref_slice %arg2[%dma_wait3A_541] : memref<21504xf32, #tpu.memory_space<hbm>> -> memref<21504xf32, #tpu.memory_space<hbm>>
    tpu.wait_indirect_dma semaphore(%arg8 : memref<!tpu.dma_semaphore, #tpu.memory_space<semaphore_mem>>) src(%dma_wait3A_542 : memref<21504xf32, #tpu.memory_space<hbm>>) dst(%dma_wait3A_538 : memref<128xf32, #tpu.memory_space<vmem>>)
    %dma_start3A_543 = arith.constant 128 : i32
    %dma_start3A_544 = tpu.memref_slice %arg7[%dma_start3A_543] : memref<256xf32, #tpu.memory_space<vmem>> -> memref<128xf32, #tpu.memory_space<vmem>>
    %dma_start3A_545 = arith.constant 128 : i32
    %dma_start3A_546 = tpu.memref_slice %arg6[%dma_start3A_545] : memref<256xi32, #tpu.memory_space<vmem>> -> memref<128xi32, #tpu.memory_space<vmem>>
    %dma_start3A_547 = arith.constant 0 : i32
    %dma_start3A_548 = tpu.memref_slice %arg2[%dma_start3A_547] : memref<21504xf32, #tpu.memory_space<hbm>> -> memref<21504xf32, #tpu.memory_space<hbm>>
    tpu.enqueue_indirect_dma source(%dma_start3A_548 : memref<21504xf32, #tpu.memory_space<hbm>>) target(%dma_start3A_544 : memref<128xf32, #tpu.memory_space<vmem>>) offsets(%dma_start3A_546 : memref<128xi32, #tpu.memory_space<vmem>>) semaphore(%arg8 : memref<!tpu.dma_semaphore, #tpu.memory_space<semaphore_mem>>)
    %dma_wait3A_549 = arith.constant 128 : i32
    %dma_wait3A_550 = tpu.memref_slice %arg7[%dma_wait3A_549] : memref<256xf32, #tpu.memory_space<vmem>> -> memref<128xf32, #tpu.memory_space<vmem>>
    %dma_wait3A_551 = arith.constant 128 : i32
    %dma_wait3A_552 = tpu.memref_slice %arg6[%dma_wait3A_551] : memref<256xi32, #tpu.memory_space<vmem>> -> memref<128xi32, #tpu.memory_space<vmem>>
    %dma_wait3A_553 = arith.constant 0 : i32
    %dma_wait3A_554 = tpu.memref_slice %arg2[%dma_wait3A_553] : memref<21504xf32, #tpu.memory_space<hbm>> -> memref<21504xf32, #tpu.memory_space<hbm>>
    tpu.wait_indirect_dma semaphore(%arg8 : memref<!tpu.dma_semaphore, #tpu.memory_space<semaphore_mem>>) src(%dma_wait3A_554 : memref<21504xf32, #tpu.memory_space<hbm>>) dst(%dma_wait3A_550 : memref<128xf32, #tpu.memory_space<vmem>>)
    %add3A_555 = arith.constant 16384 : i32
    %add3A_556 = arith.addi %add3A_555, %mul3A_2 : i32
    "tpu.region"() ({
      %run_scoped3A = tpu.sem_alloc : memref<!tpu.dma_semaphore, #tpu.memory_space<semaphore_mem>>
      %dma_start3A_557 = tpu.memref_slice %arg4[%add3A_556] : memref<24576xf32, #tpu.memory_space<hbm>> -> memref<256xf32, #tpu.memory_space<hbm>>
      %dma_start3A_558 = tpu.memref_slice %arg4[%add3A_556] : memref<24576xf32, #tpu.memory_space<hbm>> -> memref<256xf32, #tpu.memory_space<hbm>>
      tpu.enqueue_dma source(%arg7 : memref<256xf32, #tpu.memory_space<vmem>>) target(%dma_start3A_558 : memref<256xf32, #tpu.memory_space<hbm>>) target_semaphore(%run_scoped3A : memref<!tpu.dma_semaphore, #tpu.memory_space<semaphore_mem>>)
      %dma_wait3A_559 = tpu.memref_slice %arg4[%add3A_556] : memref<24576xf32, #tpu.memory_space<hbm>> -> memref<256xf32, #tpu.memory_space<hbm>>
      %dma_wait3A_560 = tpu.memref_slice %arg4[%add3A_556] : memref<24576xf32, #tpu.memory_space<hbm>> -> memref<256xf32, #tpu.memory_space<hbm>>
      tpu.wait_dma2 semaphore(%run_scoped3A : memref<!tpu.dma_semaphore, #tpu.memory_space<semaphore_mem>>) src(%arg7 : memref<256xf32, #tpu.memory_space<vmem>>) dst(%dma_wait3A_560 : memref<256xf32, #tpu.memory_space<hbm>>)
      tpu.yield
    }) : () -> ()
    return
  }
}

#map = affine_map<(d0, d1) -> (0)>
module attributes {stable_mosaic.version = 14 : i64} {
  func.func @_gather_side(%arg0: i32, %arg1: i32, %arg2: memref<24576xf32, #tpu.memory_space<hbm>>, %arg3: memref<7168xi32, #tpu.memory_space<hbm>>, %arg4: memref<21504xf32, #tpu.memory_space<hbm>>, %arg5: memref<224xi32, #tpu.memory_space<vmem>>, %arg6: memref<224xi32, #tpu.memory_space<vmem>>, %arg7: memref<224xf32, #tpu.memory_space<vmem>>, %arg8: memref<!tpu.dma_semaphore, #tpu.memory_space<semaphore_mem>>) attributes {dimension_semantics = [#tpu.dimension_semantics<core_parallel>, #tpu.dimension_semantics<subcore_parallel>], iteration_bounds = array<i64: 2, 16>, scalar_prefetch = 0 : i64, scratch_operands = 4 : i64, tpu.core_type = #tpu.core_type<sc_vector_subcore>, window_params = [{transform_indices = #map}, {transform_indices = #map}, {transform_indices = #map}]} {
    %mul3A = arith.constant 2 : i32
    %mul3A_0 = arith.muli %arg1, %mul3A : i32
    %add3A = arith.addi %mul3A_0, %arg0 : i32
    %mul3A_1 = arith.constant 224 : i32
    %mul3A_2 = arith.muli %add3A, %mul3A_1 : i32
    "tpu.region"() ({
      %run_scoped3A = tpu.sem_alloc : memref<!tpu.dma_semaphore, #tpu.memory_space<semaphore_mem>>
      %dma_start3A_497 = tpu.memref_slice %arg3[%mul3A_2] : memref<7168xi32, #tpu.memory_space<hbm>> -> memref<224xi32, #tpu.memory_space<hbm>>
      %dma_start3A_498 = tpu.memref_slice %arg3[%mul3A_2] : memref<7168xi32, #tpu.memory_space<hbm>> -> memref<224xi32, #tpu.memory_space<hbm>>
      tpu.enqueue_dma source(%dma_start3A_498 : memref<224xi32, #tpu.memory_space<hbm>>) target(%arg5 : memref<224xi32, #tpu.memory_space<vmem>>) target_semaphore(%run_scoped3A : memref<!tpu.dma_semaphore, #tpu.memory_space<semaphore_mem>>)
      %dma_wait3A_499 = tpu.memref_slice %arg3[%mul3A_2] : memref<7168xi32, #tpu.memory_space<hbm>> -> memref<224xi32, #tpu.memory_space<hbm>>
      %dma_wait3A_500 = tpu.memref_slice %arg3[%mul3A_2] : memref<7168xi32, #tpu.memory_space<hbm>> -> memref<224xi32, #tpu.memory_space<hbm>>
      tpu.wait_dma2 semaphore(%run_scoped3A : memref<!tpu.dma_semaphore, #tpu.memory_space<semaphore_mem>>) src(%dma_wait3A_500 : memref<224xi32, #tpu.memory_space<hbm>>) dst(%arg5 : memref<224xi32, #tpu.memory_space<vmem>>)
      tpu.yield
    }) : () -> ()
    %get3A = arith.constant 0 : index
    %get3A_3 = tpu.vector_load %arg5[%get3A] {strides = array<i32>} : memref<224xi32, #tpu.memory_space<vmem>>, vector<16xi32>,
    %get3A_4 = vector.shape_cast %get3A_3 : vector<16xi32> to vector<16xi32>
    %add3A_5 = arith.constant 0 : i32
    %add3A_6 = vector.broadcast %add3A_5 : i32 to vector<16xi32>
    %add3A_7 = arith.addi %get3A_4, %add3A_6 : vector<16xi32>
    %swap3A = arith.constant 0 : index
    %swap3A_8 = tpu.vector_load %arg6[%swap3A] {strides = array<i32>} : memref<224xi32, #tpu.memory_space<vmem>>, vector<16xi32>,
    %swap3A_9 = vector.shape_cast %swap3A_8 : vector<16xi32> to vector<16xi32>
    %swap3A_10 = vector.shape_cast %add3A_7 : vector<16xi32> to vector<16xi32>
    tpu.vector_store %arg6[%swap3A], %swap3A_10 {strides = array<i32>} : memref<224xi32, #tpu.memory_space<vmem>>, vector<16xi32>,
    %get3A_11 = arith.constant 16 : index
    %get3A_12 = tpu.vector_load %arg5[%get3A_11] {strides = array<i32>} : memref<224xi32, #tpu.memory_space<vmem>>, vector<16xi32>,
    %get3A_13 = vector.shape_cast %get3A_12 : vector<16xi32> to vector<16xi32>
    %add3A_14 = arith.constant 0 : i32
    %add3A_15 = vector.broadcast %add3A_14 : i32 to vector<16xi32>
    %add3A_16 = arith.addi %get3A_13, %add3A_15 : vector<16xi32>
    %swap3A_17 = arith.constant 16 : index
    %swap3A_18 = tpu.vector_load %arg6[%swap3A_17] {strides = array<i32>} : memref<224xi32, #tpu.memory_space<vmem>>, vector<16xi32>,
    %swap3A_19 = vector.shape_cast %swap3A_18 : vector<16xi32> to vector<16xi32>
    %swap3A_20 = vector.shape_cast %add3A_16 : vector<16xi32> to vector<16xi32>
    tpu.vector_store %arg6[%swap3A_17], %swap3A_20 {strides = array<i32>} : memref<224xi32, #tpu.memory_space<vmem>>, vector<16xi32>,
    %get3A_21 = arith.constant 32 : index
    %get3A_22 = tpu.vector_load %arg5[%get3A_21] {strides = array<i32>} : memref<224xi32, #tpu.memory_space<vmem>>, vector<16xi32>,
    %get3A_23 = vector.shape_cast %get3A_22 : vector<16xi32> to vector<16xi32>
    %add3A_24 = arith.constant 0 : i32
    %add3A_25 = vector.broadcast %add3A_24 : i32 to vector<16xi32>
    %add3A_26 = arith.addi %get3A_23, %add3A_25 : vector<16xi32>
    %swap3A_27 = arith.constant 32 : index
    %swap3A_28 = tpu.vector_load %arg6[%swap3A_27] {strides = array<i32>} : memref<224xi32, #tpu.memory_space<vmem>>, vector<16xi32>,
    %swap3A_29 = vector.shape_cast %swap3A_28 : vector<16xi32> to vector<16xi32>
    %swap3A_30 = vector.shape_cast %add3A_26 : vector<16xi32> to vector<16xi32>
    tpu.vector_store %arg6[%swap3A_27], %swap3A_30 {strides = array<i32>} : memref<224xi32, #tpu.memory_space<vmem>>, vector<16xi32>,
    %get3A_31 = arith.constant 48 : index
    %get3A_32 = tpu.vector_load %arg5[%get3A_31] {strides = array<i32>} : memref<224xi32, #tpu.memory_space<vmem>>, vector<16xi32>,
    %get3A_33 = vector.shape_cast %get3A_32 : vector<16xi32> to vector<16xi32>
    %add3A_34 = arith.constant 0 : i32
    %add3A_35 = vector.broadcast %add3A_34 : i32 to vector<16xi32>
    %add3A_36 = arith.addi %get3A_33, %add3A_35 : vector<16xi32>
    %swap3A_37 = arith.constant 48 : index
    %swap3A_38 = tpu.vector_load %arg6[%swap3A_37] {strides = array<i32>} : memref<224xi32, #tpu.memory_space<vmem>>, vector<16xi32>,
    %swap3A_39 = vector.shape_cast %swap3A_38 : vector<16xi32> to vector<16xi32>
    %swap3A_40 = vector.shape_cast %add3A_36 : vector<16xi32> to vector<16xi32>
    tpu.vector_store %arg6[%swap3A_37], %swap3A_40 {strides = array<i32>} : memref<224xi32, #tpu.memory_space<vmem>>, vector<16xi32>,
    %get3A_41 = arith.constant 64 : index
    %get3A_42 = tpu.vector_load %arg5[%get3A_41] {strides = array<i32>} : memref<224xi32, #tpu.memory_space<vmem>>, vector<16xi32>,
    %get3A_43 = vector.shape_cast %get3A_42 : vector<16xi32> to vector<16xi32>
    %add3A_44 = arith.constant 0 : i32
    %add3A_45 = vector.broadcast %add3A_44 : i32 to vector<16xi32>
    %add3A_46 = arith.addi %get3A_43, %add3A_45 : vector<16xi32>
    %swap3A_47 = arith.constant 64 : index
    %swap3A_48 = tpu.vector_load %arg6[%swap3A_47] {strides = array<i32>} : memref<224xi32, #tpu.memory_space<vmem>>, vector<16xi32>,
    %swap3A_49 = vector.shape_cast %swap3A_48 : vector<16xi32> to vector<16xi32>
    %swap3A_50 = vector.shape_cast %add3A_46 : vector<16xi32> to vector<16xi32>
    tpu.vector_store %arg6[%swap3A_47], %swap3A_50 {strides = array<i32>} : memref<224xi32, #tpu.memory_space<vmem>>, vector<16xi32>,
    %get3A_51 = arith.constant 80 : index
    %get3A_52 = tpu.vector_load %arg5[%get3A_51] {strides = array<i32>} : memref<224xi32, #tpu.memory_space<vmem>>, vector<16xi32>,
    %get3A_53 = vector.shape_cast %get3A_52 : vector<16xi32> to vector<16xi32>
    %add3A_54 = arith.constant 0 : i32
    %add3A_55 = vector.broadcast %add3A_54 : i32 to vector<16xi32>
    %add3A_56 = arith.addi %get3A_53, %add3A_55 : vector<16xi32>
    %swap3A_57 = arith.constant 80 : index
    %swap3A_58 = tpu.vector_load %arg6[%swap3A_57] {strides = array<i32>} : memref<224xi32, #tpu.memory_space<vmem>>, vector<16xi32>,
    %swap3A_59 = vector.shape_cast %swap3A_58 : vector<16xi32> to vector<16xi32>
    %swap3A_60 = vector.shape_cast %add3A_56 : vector<16xi32> to vector<16xi32>
    tpu.vector_store %arg6[%swap3A_57], %swap3A_60 {strides = array<i32>} : memref<224xi32, #tpu.memory_space<vmem>>, vector<16xi32>,
    %get3A_61 = arith.constant 96 : index
    %get3A_62 = tpu.vector_load %arg5[%get3A_61] {strides = array<i32>} : memref<224xi32, #tpu.memory_space<vmem>>, vector<16xi32>,
    %get3A_63 = vector.shape_cast %get3A_62 : vector<16xi32> to vector<16xi32>
    %add3A_64 = arith.constant 0 : i32
    %add3A_65 = vector.broadcast %add3A_64 : i32 to vector<16xi32>
    %add3A_66 = arith.addi %get3A_63, %add3A_65 : vector<16xi32>
    %swap3A_67 = arith.constant 96 : index
    %swap3A_68 = tpu.vector_load %arg6[%swap3A_67] {strides = array<i32>} : memref<224xi32, #tpu.memory_space<vmem>>, vector<16xi32>,
    %swap3A_69 = vector.shape_cast %swap3A_68 : vector<16xi32> to vector<16xi32>
    %swap3A_70 = vector.shape_cast %add3A_66 : vector<16xi32> to vector<16xi32>
    tpu.vector_store %arg6[%swap3A_67], %swap3A_70 {strides = array<i32>} : memref<224xi32, #tpu.memory_space<vmem>>, vector<16xi32>,
    %get3A_71 = arith.constant 112 : index
    %get3A_72 = tpu.vector_load %arg5[%get3A_71] {strides = array<i32>} : memref<224xi32, #tpu.memory_space<vmem>>, vector<16xi32>,
    %get3A_73 = vector.shape_cast %get3A_72 : vector<16xi32> to vector<16xi32>
    %add3A_74 = arith.constant 0 : i32
    %add3A_75 = vector.broadcast %add3A_74 : i32 to vector<16xi32>
    %add3A_76 = arith.addi %get3A_73, %add3A_75 : vector<16xi32>
    %swap3A_77 = arith.constant 112 : index
    %swap3A_78 = tpu.vector_load %arg6[%swap3A_77] {strides = array<i32>} : memref<224xi32, #tpu.memory_space<vmem>>, vector<16xi32>,
    %swap3A_79 = vector.shape_cast %swap3A_78 : vector<16xi32> to vector<16xi32>
    %swap3A_80 = vector.shape_cast %add3A_76 : vector<16xi32> to vector<16xi32>
    tpu.vector_store %arg6[%swap3A_77], %swap3A_80 {strides = array<i32>} : memref<224xi32, #tpu.memory_space<vmem>>, vector<16xi32>,
    %get3A_81 = arith.constant 128 : index
    %get3A_82 = tpu.vector_load %arg5[%get3A_81] {strides = array<i32>} : memref<224xi32, #tpu.memory_space<vmem>>, vector<16xi32>,
    %get3A_83 = vector.shape_cast %get3A_82 : vector<16xi32> to vector<16xi32>
    %add3A_84 = arith.constant 0 : i32
    %add3A_85 = vector.broadcast %add3A_84 : i32 to vector<16xi32>
    %add3A_86 = arith.addi %get3A_83, %add3A_85 : vector<16xi32>
    %swap3A_87 = arith.constant 128 : index
    %swap3A_88 = tpu.vector_load %arg6[%swap3A_87] {strides = array<i32>} : memref<224xi32, #tpu.memory_space<vmem>>, vector<16xi32>,
    %swap3A_89 = vector.shape_cast %swap3A_88 : vector<16xi32> to vector<16xi32>
    %swap3A_90 = vector.shape_cast %add3A_86 : vector<16xi32> to vector<16xi32>
    tpu.vector_store %arg6[%swap3A_87], %swap3A_90 {strides = array<i32>} : memref<224xi32, #tpu.memory_space<vmem>>, vector<16xi32>,
    %get3A_91 = arith.constant 144 : index
    %get3A_92 = tpu.vector_load %arg5[%get3A_91] {strides = array<i32>} : memref<224xi32, #tpu.memory_space<vmem>>, vector<16xi32>,
    %get3A_93 = vector.shape_cast %get3A_92 : vector<16xi32> to vector<16xi32>
    %add3A_94 = arith.constant 0 : i32
    %add3A_95 = vector.broadcast %add3A_94 : i32 to vector<16xi32>
    %add3A_96 = arith.addi %get3A_93, %add3A_95 : vector<16xi32>
    %swap3A_97 = arith.constant 144 : index
    %swap3A_98 = tpu.vector_load %arg6[%swap3A_97] {strides = array<i32>} : memref<224xi32, #tpu.memory_space<vmem>>, vector<16xi32>,
    %swap3A_99 = vector.shape_cast %swap3A_98 : vector<16xi32> to vector<16xi32>
    %swap3A_100 = vector.shape_cast %add3A_96 : vector<16xi32> to vector<16xi32>
    tpu.vector_store %arg6[%swap3A_97], %swap3A_100 {strides = array<i32>} : memref<224xi32, #tpu.memory_space<vmem>>, vector<16xi32>,
    %get3A_101 = arith.constant 160 : index
    %get3A_102 = tpu.vector_load %arg5[%get3A_101] {strides = array<i32>} : memref<224xi32, #tpu.memory_space<vmem>>, vector<16xi32>,
    %get3A_103 = vector.shape_cast %get3A_102 : vector<16xi32> to vector<16xi32>
    %add3A_104 = arith.constant 0 : i32
    %add3A_105 = vector.broadcast %add3A_104 : i32 to vector<16xi32>
    %add3A_106 = arith.addi %get3A_103, %add3A_105 : vector<16xi32>
    %swap3A_107 = arith.constant 160 : index
    %swap3A_108 = tpu.vector_load %arg6[%swap3A_107] {strides = array<i32>} : memref<224xi32, #tpu.memory_space<vmem>>, vector<16xi32>,
    %swap3A_109 = vector.shape_cast %swap3A_108 : vector<16xi32> to vector<16xi32>
    %swap3A_110 = vector.shape_cast %add3A_106 : vector<16xi32> to vector<16xi32>
    tpu.vector_store %arg6[%swap3A_107], %swap3A_110 {strides = array<i32>} : memref<224xi32, #tpu.memory_space<vmem>>, vector<16xi32>,
    %get3A_111 = arith.constant 176 : index
    %get3A_112 = tpu.vector_load %arg5[%get3A_111] {strides = array<i32>} : memref<224xi32, #tpu.memory_space<vmem>>, vector<16xi32>,
    %get3A_113 = vector.shape_cast %get3A_112 : vector<16xi32> to vector<16xi32>
    %add3A_114 = arith.constant 0 : i32
    %add3A_115 = vector.broadcast %add3A_114 : i32 to vector<16xi32>
    %add3A_116 = arith.addi %get3A_113, %add3A_115 : vector<16xi32>
    %swap3A_117 = arith.constant 176 : index
    %swap3A_118 = tpu.vector_load %arg6[%swap3A_117] {strides = array<i32>} : memref<224xi32, #tpu.memory_space<vmem>>, vector<16xi32>,
    %swap3A_119 = vector.shape_cast %swap3A_118 : vector<16xi32> to vector<16xi32>
    %swap3A_120 = vector.shape_cast %add3A_116 : vector<16xi32> to vector<16xi32>
    tpu.vector_store %arg6[%swap3A_117], %swap3A_120 {strides = array<i32>} : memref<224xi32, #tpu.memory_space<vmem>>, vector<16xi32>,
    %get3A_121 = arith.constant 192 : index
    %get3A_122 = tpu.vector_load %arg5[%get3A_121] {strides = array<i32>} : memref<224xi32, #tpu.memory_space<vmem>>, vector<16xi32>,
    %get3A_123 = vector.shape_cast %get3A_122 : vector<16xi32> to vector<16xi32>
    %add3A_124 = arith.constant 0 : i32
    %add3A_125 = vector.broadcast %add3A_124 : i32 to vector<16xi32>
    %add3A_126 = arith.addi %get3A_123, %add3A_125 : vector<16xi32>
    %swap3A_127 = arith.constant 192 : index
    %swap3A_128 = tpu.vector_load %arg6[%swap3A_127] {strides = array<i32>} : memref<224xi32, #tpu.memory_space<vmem>>, vector<16xi32>,
    %swap3A_129 = vector.shape_cast %swap3A_128 : vector<16xi32> to vector<16xi32>
    %swap3A_130 = vector.shape_cast %add3A_126 : vector<16xi32> to vector<16xi32>
    tpu.vector_store %arg6[%swap3A_127], %swap3A_130 {strides = array<i32>} : memref<224xi32, #tpu.memory_space<vmem>>, vector<16xi32>,
    %get3A_131 = arith.constant 208 : index
    %get3A_132 = tpu.vector_load %arg5[%get3A_131] {strides = array<i32>} : memref<224xi32, #tpu.memory_space<vmem>>, vector<16xi32>,
    %get3A_133 = vector.shape_cast %get3A_132 : vector<16xi32> to vector<16xi32>
    %add3A_134 = arith.constant 0 : i32
    %add3A_135 = vector.broadcast %add3A_134 : i32 to vector<16xi32>
    %add3A_136 = arith.addi %get3A_133, %add3A_135 : vector<16xi32>
    %swap3A_137 = arith.constant 208 : index
    %swap3A_138 = tpu.vector_load %arg6[%swap3A_137] {strides = array<i32>} : memref<224xi32, #tpu.memory_space<vmem>>, vector<16xi32>,
    %swap3A_139 = vector.shape_cast %swap3A_138 : vector<16xi32> to vector<16xi32>
    %swap3A_140 = vector.shape_cast %add3A_136 : vector<16xi32> to vector<16xi32>
    tpu.vector_store %arg6[%swap3A_137], %swap3A_140 {strides = array<i32>} : memref<224xi32, #tpu.memory_space<vmem>>, vector<16xi32>,
    %dma_start3A = arith.constant 0 : i32
    %dma_start3A_141 = tpu.memref_slice %arg7[%dma_start3A] : memref<224xf32, #tpu.memory_space<vmem>> -> memref<112xf32, #tpu.memory_space<vmem>>
    %dma_start3A_142 = arith.constant 0 : i32
    %dma_start3A_143 = tpu.memref_slice %arg6[%dma_start3A_142] : memref<224xi32, #tpu.memory_space<vmem>> -> memref<112xi32, #tpu.memory_space<vmem>>
    %dma_start3A_144 = arith.constant 0 : i32
    %dma_start3A_145 = tpu.memref_slice %arg2[%dma_start3A_144] : memref<24576xf32, #tpu.memory_space<hbm>> -> memref<24576xf32, #tpu.memory_space<hbm>>
    tpu.enqueue_indirect_dma source(%dma_start3A_145 : memref<24576xf32, #tpu.memory_space<hbm>>) target(%dma_start3A_141 : memref<112xf32, #tpu.memory_space<vmem>>) offsets(%dma_start3A_143 : memref<112xi32, #tpu.memory_space<vmem>>) semaphore(%arg8 : memref<!tpu.dma_semaphore, #tpu.memory_space<semaphore_mem>>)
    %dma_wait3A = arith.constant 0 : i32
    %dma_wait3A_146 = tpu.memref_slice %arg7[%dma_wait3A] : memref<224xf32, #tpu.memory_space<vmem>> -> memref<112xf32, #tpu.memory_space<vmem>>
    %dma_wait3A_147 = arith.constant 0 : i32
    %dma_wait3A_148 = tpu.memref_slice %arg6[%dma_wait3A_147] : memref<224xi32, #tpu.memory_space<vmem>> -> memref<112xi32, #tpu.memory_space<vmem>>
    %dma_wait3A_149 = arith.constant 0 : i32
    %dma_wait3A_150 = tpu.memref_slice %arg2[%dma_wait3A_149] : memref<24576xf32, #tpu.memory_space<hbm>> -> memref<24576xf32, #tpu.memory_space<hbm>>
    tpu.wait_indirect_dma semaphore(%arg8 : memref<!tpu.dma_semaphore, #tpu.memory_space<semaphore_mem>>) src(%dma_wait3A_150 : memref<24576xf32, #tpu.memory_space<hbm>>) dst(%dma_wait3A_146 : memref<112xf32, #tpu.memory_space<vmem>>)
    %dma_start3A_151 = arith.constant 112 : i32
    %dma_start3A_152 = tpu.memref_slice %arg7[%dma_start3A_151] : memref<224xf32, #tpu.memory_space<vmem>> -> memref<112xf32, #tpu.memory_space<vmem>>
    %dma_start3A_153 = arith.constant 112 : i32
    %dma_start3A_154 = tpu.memref_slice %arg6[%dma_start3A_153] : memref<224xi32, #tpu.memory_space<vmem>> -> memref<112xi32, #tpu.memory_space<vmem>>
    %dma_start3A_155 = arith.constant 0 : i32
    %dma_start3A_156 = tpu.memref_slice %arg2[%dma_start3A_155] : memref<24576xf32, #tpu.memory_space<hbm>> -> memref<24576xf32, #tpu.memory_space<hbm>>
    tpu.enqueue_indirect_dma source(%dma_start3A_156 : memref<24576xf32, #tpu.memory_space<hbm>>) target(%dma_start3A_152 : memref<112xf32, #tpu.memory_space<vmem>>) offsets(%dma_start3A_154 : memref<112xi32, #tpu.memory_space<vmem>>) semaphore(%arg8 : memref<!tpu.dma_semaphore, #tpu.memory_space<semaphore_mem>>)
    %dma_wait3A_157 = arith.constant 112 : i32
    %dma_wait3A_158 = tpu.memref_slice %arg7[%dma_wait3A_157] : memref<224xf32, #tpu.memory_space<vmem>> -> memref<112xf32, #tpu.memory_space<vmem>>
    %dma_wait3A_159 = arith.constant 112 : i32
    %dma_wait3A_160 = tpu.memref_slice %arg6[%dma_wait3A_159] : memref<224xi32, #tpu.memory_space<vmem>> -> memref<112xi32, #tpu.memory_space<vmem>>
    %dma_wait3A_161 = arith.constant 0 : i32
    %dma_wait3A_162 = tpu.memref_slice %arg2[%dma_wait3A_161] : memref<24576xf32, #tpu.memory_space<hbm>> -> memref<24576xf32, #tpu.memory_space<hbm>>
    tpu.wait_indirect_dma semaphore(%arg8 : memref<!tpu.dma_semaphore, #tpu.memory_space<semaphore_mem>>) src(%dma_wait3A_162 : memref<24576xf32, #tpu.memory_space<hbm>>) dst(%dma_wait3A_158 : memref<112xf32, #tpu.memory_space<vmem>>)
    %add3A_163 = arith.constant 0 : i32
    %add3A_164 = arith.addi %add3A_163, %mul3A_2 : i32
    "tpu.region"() ({
      %run_scoped3A = tpu.sem_alloc : memref<!tpu.dma_semaphore, #tpu.memory_space<semaphore_mem>>
      %dma_start3A_497 = tpu.memref_slice %arg4[%add3A_164] : memref<21504xf32, #tpu.memory_space<hbm>> -> memref<224xf32, #tpu.memory_space<hbm>>
      %dma_start3A_498 = tpu.memref_slice %arg4[%add3A_164] : memref<21504xf32, #tpu.memory_space<hbm>> -> memref<224xf32, #tpu.memory_space<hbm>>
      tpu.enqueue_dma source(%arg7 : memref<224xf32, #tpu.memory_space<vmem>>) target(%dma_start3A_498 : memref<224xf32, #tpu.memory_space<hbm>>) target_semaphore(%run_scoped3A : memref<!tpu.dma_semaphore, #tpu.memory_space<semaphore_mem>>)
      %dma_wait3A_499 = tpu.memref_slice %arg4[%add3A_164] : memref<21504xf32, #tpu.memory_space<hbm>> -> memref<224xf32, #tpu.memory_space<hbm>>
      %dma_wait3A_500 = tpu.memref_slice %arg4[%add3A_164] : memref<21504xf32, #tpu.memory_space<hbm>> -> memref<224xf32, #tpu.memory_space<hbm>>
      tpu.wait_dma2 semaphore(%run_scoped3A : memref<!tpu.dma_semaphore, #tpu.memory_space<semaphore_mem>>) src(%arg7 : memref<224xf32, #tpu.memory_space<vmem>>) dst(%dma_wait3A_500 : memref<224xf32, #tpu.memory_space<hbm>>)
      tpu.yield
    }) : () -> ()
    %get3A_165 = arith.constant 0 : index
    %get3A_166 = tpu.vector_load %arg5[%get3A_165] {strides = array<i32>} : memref<224xi32, #tpu.memory_space<vmem>>, vector<16xi32>,
    %get3A_167 = vector.shape_cast %get3A_166 : vector<16xi32> to vector<16xi32>
    %add3A_168 = arith.constant 8192 : i32
    %add3A_169 = vector.broadcast %add3A_168 : i32 to vector<16xi32>
    %add3A_170 = arith.addi %get3A_167, %add3A_169 : vector<16xi32>
    %swap3A_171 = arith.constant 0 : index
    %swap3A_172 = tpu.vector_load %arg6[%swap3A_171] {strides = array<i32>} : memref<224xi32, #tpu.memory_space<vmem>>, vector<16xi32>,
    %swap3A_173 = vector.shape_cast %swap3A_172 : vector<16xi32> to vector<16xi32>
    %swap3A_174 = vector.shape_cast %add3A_170 : vector<16xi32> to vector<16xi32>
    tpu.vector_store %arg6[%swap3A_171], %swap3A_174 {strides = array<i32>} : memref<224xi32, #tpu.memory_space<vmem>>, vector<16xi32>,
    %get3A_175 = arith.constant 16 : index
    %get3A_176 = tpu.vector_load %arg5[%get3A_175] {strides = array<i32>} : memref<224xi32, #tpu.memory_space<vmem>>, vector<16xi32>,
    %get3A_177 = vector.shape_cast %get3A_176 : vector<16xi32> to vector<16xi32>
    %add3A_178 = arith.constant 8192 : i32
    %add3A_179 = vector.broadcast %add3A_178 : i32 to vector<16xi32>
    %add3A_180 = arith.addi %get3A_177, %add3A_179 : vector<16xi32>
    %swap3A_181 = arith.constant 16 : index
    %swap3A_182 = tpu.vector_load %arg6[%swap3A_181] {strides = array<i32>} : memref<224xi32, #tpu.memory_space<vmem>>, vector<16xi32>,
    %swap3A_183 = vector.shape_cast %swap3A_182 : vector<16xi32> to vector<16xi32>
    %swap3A_184 = vector.shape_cast %add3A_180 : vector<16xi32> to vector<16xi32>
    tpu.vector_store %arg6[%swap3A_181], %swap3A_184 {strides = array<i32>} : memref<224xi32, #tpu.memory_space<vmem>>, vector<16xi32>,
    %get3A_185 = arith.constant 32 : index
    %get3A_186 = tpu.vector_load %arg5[%get3A_185] {strides = array<i32>} : memref<224xi32, #tpu.memory_space<vmem>>, vector<16xi32>,
    %get3A_187 = vector.shape_cast %get3A_186 : vector<16xi32> to vector<16xi32>
    %add3A_188 = arith.constant 8192 : i32
    %add3A_189 = vector.broadcast %add3A_188 : i32 to vector<16xi32>
    %add3A_190 = arith.addi %get3A_187, %add3A_189 : vector<16xi32>
    %swap3A_191 = arith.constant 32 : index
    %swap3A_192 = tpu.vector_load %arg6[%swap3A_191] {strides = array<i32>} : memref<224xi32, #tpu.memory_space<vmem>>, vector<16xi32>,
    %swap3A_193 = vector.shape_cast %swap3A_192 : vector<16xi32> to vector<16xi32>
    %swap3A_194 = vector.shape_cast %add3A_190 : vector<16xi32> to vector<16xi32>
    tpu.vector_store %arg6[%swap3A_191], %swap3A_194 {strides = array<i32>} : memref<224xi32, #tpu.memory_space<vmem>>, vector<16xi32>,
    %get3A_195 = arith.constant 48 : index
    %get3A_196 = tpu.vector_load %arg5[%get3A_195] {strides = array<i32>} : memref<224xi32, #tpu.memory_space<vmem>>, vector<16xi32>,
    %get3A_197 = vector.shape_cast %get3A_196 : vector<16xi32> to vector<16xi32>
    %add3A_198 = arith.constant 8192 : i32
    %add3A_199 = vector.broadcast %add3A_198 : i32 to vector<16xi32>
    %add3A_200 = arith.addi %get3A_197, %add3A_199 : vector<16xi32>
    %swap3A_201 = arith.constant 48 : index
    %swap3A_202 = tpu.vector_load %arg6[%swap3A_201] {strides = array<i32>} : memref<224xi32, #tpu.memory_space<vmem>>, vector<16xi32>,
    %swap3A_203 = vector.shape_cast %swap3A_202 : vector<16xi32> to vector<16xi32>
    %swap3A_204 = vector.shape_cast %add3A_200 : vector<16xi32> to vector<16xi32>
    tpu.vector_store %arg6[%swap3A_201], %swap3A_204 {strides = array<i32>} : memref<224xi32, #tpu.memory_space<vmem>>, vector<16xi32>,
    %get3A_205 = arith.constant 64 : index
    %get3A_206 = tpu.vector_load %arg5[%get3A_205] {strides = array<i32>} : memref<224xi32, #tpu.memory_space<vmem>>, vector<16xi32>,
    %get3A_207 = vector.shape_cast %get3A_206 : vector<16xi32> to vector<16xi32>
    %add3A_208 = arith.constant 8192 : i32
    %add3A_209 = vector.broadcast %add3A_208 : i32 to vector<16xi32>
    %add3A_210 = arith.addi %get3A_207, %add3A_209 : vector<16xi32>
    %swap3A_211 = arith.constant 64 : index
    %swap3A_212 = tpu.vector_load %arg6[%swap3A_211] {strides = array<i32>} : memref<224xi32, #tpu.memory_space<vmem>>, vector<16xi32>,
    %swap3A_213 = vector.shape_cast %swap3A_212 : vector<16xi32> to vector<16xi32>
    %swap3A_214 = vector.shape_cast %add3A_210 : vector<16xi32> to vector<16xi32>
    tpu.vector_store %arg6[%swap3A_211], %swap3A_214 {strides = array<i32>} : memref<224xi32, #tpu.memory_space<vmem>>, vector<16xi32>,
    %get3A_215 = arith.constant 80 : index
    %get3A_216 = tpu.vector_load %arg5[%get3A_215] {strides = array<i32>} : memref<224xi32, #tpu.memory_space<vmem>>, vector<16xi32>,
    %get3A_217 = vector.shape_cast %get3A_216 : vector<16xi32> to vector<16xi32>
    %add3A_218 = arith.constant 8192 : i32
    %add3A_219 = vector.broadcast %add3A_218 : i32 to vector<16xi32>
    %add3A_220 = arith.addi %get3A_217, %add3A_219 : vector<16xi32>
    %swap3A_221 = arith.constant 80 : index
    %swap3A_222 = tpu.vector_load %arg6[%swap3A_221] {strides = array<i32>} : memref<224xi32, #tpu.memory_space<vmem>>, vector<16xi32>,
    %swap3A_223 = vector.shape_cast %swap3A_222 : vector<16xi32> to vector<16xi32>
    %swap3A_224 = vector.shape_cast %add3A_220 : vector<16xi32> to vector<16xi32>
    tpu.vector_store %arg6[%swap3A_221], %swap3A_224 {strides = array<i32>} : memref<224xi32, #tpu.memory_space<vmem>>, vector<16xi32>,
    %get3A_225 = arith.constant 96 : index
    %get3A_226 = tpu.vector_load %arg5[%get3A_225] {strides = array<i32>} : memref<224xi32, #tpu.memory_space<vmem>>, vector<16xi32>,
    %get3A_227 = vector.shape_cast %get3A_226 : vector<16xi32> to vector<16xi32>
    %add3A_228 = arith.constant 8192 : i32
    %add3A_229 = vector.broadcast %add3A_228 : i32 to vector<16xi32>
    %add3A_230 = arith.addi %get3A_227, %add3A_229 : vector<16xi32>
    %swap3A_231 = arith.constant 96 : index
    %swap3A_232 = tpu.vector_load %arg6[%swap3A_231] {strides = array<i32>} : memref<224xi32, #tpu.memory_space<vmem>>, vector<16xi32>,
    %swap3A_233 = vector.shape_cast %swap3A_232 : vector<16xi32> to vector<16xi32>
    %swap3A_234 = vector.shape_cast %add3A_230 : vector<16xi32> to vector<16xi32>
    tpu.vector_store %arg6[%swap3A_231], %swap3A_234 {strides = array<i32>} : memref<224xi32, #tpu.memory_space<vmem>>, vector<16xi32>,
    %get3A_235 = arith.constant 112 : index
    %get3A_236 = tpu.vector_load %arg5[%get3A_235] {strides = array<i32>} : memref<224xi32, #tpu.memory_space<vmem>>, vector<16xi32>,
    %get3A_237 = vector.shape_cast %get3A_236 : vector<16xi32> to vector<16xi32>
    %add3A_238 = arith.constant 8192 : i32
    %add3A_239 = vector.broadcast %add3A_238 : i32 to vector<16xi32>
    %add3A_240 = arith.addi %get3A_237, %add3A_239 : vector<16xi32>
    %swap3A_241 = arith.constant 112 : index
    %swap3A_242 = tpu.vector_load %arg6[%swap3A_241] {strides = array<i32>} : memref<224xi32, #tpu.memory_space<vmem>>, vector<16xi32>,
    %swap3A_243 = vector.shape_cast %swap3A_242 : vector<16xi32> to vector<16xi32>
    %swap3A_244 = vector.shape_cast %add3A_240 : vector<16xi32> to vector<16xi32>
    tpu.vector_store %arg6[%swap3A_241], %swap3A_244 {strides = array<i32>} : memref<224xi32, #tpu.memory_space<vmem>>, vector<16xi32>,
    %get3A_245 = arith.constant 128 : index
    %get3A_246 = tpu.vector_load %arg5[%get3A_245] {strides = array<i32>} : memref<224xi32, #tpu.memory_space<vmem>>, vector<16xi32>,
    %get3A_247 = vector.shape_cast %get3A_246 : vector<16xi32> to vector<16xi32>
    %add3A_248 = arith.constant 8192 : i32
    %add3A_249 = vector.broadcast %add3A_248 : i32 to vector<16xi32>
    %add3A_250 = arith.addi %get3A_247, %add3A_249 : vector<16xi32>
    %swap3A_251 = arith.constant 128 : index
    %swap3A_252 = tpu.vector_load %arg6[%swap3A_251] {strides = array<i32>} : memref<224xi32, #tpu.memory_space<vmem>>, vector<16xi32>,
    %swap3A_253 = vector.shape_cast %swap3A_252 : vector<16xi32> to vector<16xi32>
    %swap3A_254 = vector.shape_cast %add3A_250 : vector<16xi32> to vector<16xi32>
    tpu.vector_store %arg6[%swap3A_251], %swap3A_254 {strides = array<i32>} : memref<224xi32, #tpu.memory_space<vmem>>, vector<16xi32>,
    %get3A_255 = arith.constant 144 : index
    %get3A_256 = tpu.vector_load %arg5[%get3A_255] {strides = array<i32>} : memref<224xi32, #tpu.memory_space<vmem>>, vector<16xi32>,
    %get3A_257 = vector.shape_cast %get3A_256 : vector<16xi32> to vector<16xi32>
    %add3A_258 = arith.constant 8192 : i32
    %add3A_259 = vector.broadcast %add3A_258 : i32 to vector<16xi32>
    %add3A_260 = arith.addi %get3A_257, %add3A_259 : vector<16xi32>
    %swap3A_261 = arith.constant 144 : index
    %swap3A_262 = tpu.vector_load %arg6[%swap3A_261] {strides = array<i32>} : memref<224xi32, #tpu.memory_space<vmem>>, vector<16xi32>,
    %swap3A_263 = vector.shape_cast %swap3A_262 : vector<16xi32> to vector<16xi32>
    %swap3A_264 = vector.shape_cast %add3A_260 : vector<16xi32> to vector<16xi32>
    tpu.vector_store %arg6[%swap3A_261], %swap3A_264 {strides = array<i32>} : memref<224xi32, #tpu.memory_space<vmem>>, vector<16xi32>,
    %get3A_265 = arith.constant 160 : index
    %get3A_266 = tpu.vector_load %arg5[%get3A_265] {strides = array<i32>} : memref<224xi32, #tpu.memory_space<vmem>>, vector<16xi32>,
    %get3A_267 = vector.shape_cast %get3A_266 : vector<16xi32> to vector<16xi32>
    %add3A_268 = arith.constant 8192 : i32
    %add3A_269 = vector.broadcast %add3A_268 : i32 to vector<16xi32>
    %add3A_270 = arith.addi %get3A_267, %add3A_269 : vector<16xi32>
    %swap3A_271 = arith.constant 160 : index
    %swap3A_272 = tpu.vector_load %arg6[%swap3A_271] {strides = array<i32>} : memref<224xi32, #tpu.memory_space<vmem>>, vector<16xi32>,
    %swap3A_273 = vector.shape_cast %swap3A_272 : vector<16xi32> to vector<16xi32>
    %swap3A_274 = vector.shape_cast %add3A_270 : vector<16xi32> to vector<16xi32>
    tpu.vector_store %arg6[%swap3A_271], %swap3A_274 {strides = array<i32>} : memref<224xi32, #tpu.memory_space<vmem>>, vector<16xi32>,
    %get3A_275 = arith.constant 176 : index
    %get3A_276 = tpu.vector_load %arg5[%get3A_275] {strides = array<i32>} : memref<224xi32, #tpu.memory_space<vmem>>, vector<16xi32>,
    %get3A_277 = vector.shape_cast %get3A_276 : vector<16xi32> to vector<16xi32>
    %add3A_278 = arith.constant 8192 : i32
    %add3A_279 = vector.broadcast %add3A_278 : i32 to vector<16xi32>
    %add3A_280 = arith.addi %get3A_277, %add3A_279 : vector<16xi32>
    %swap3A_281 = arith.constant 176 : index
    %swap3A_282 = tpu.vector_load %arg6[%swap3A_281] {strides = array<i32>} : memref<224xi32, #tpu.memory_space<vmem>>, vector<16xi32>,
    %swap3A_283 = vector.shape_cast %swap3A_282 : vector<16xi32> to vector<16xi32>
    %swap3A_284 = vector.shape_cast %add3A_280 : vector<16xi32> to vector<16xi32>
    tpu.vector_store %arg6[%swap3A_281], %swap3A_284 {strides = array<i32>} : memref<224xi32, #tpu.memory_space<vmem>>, vector<16xi32>,
    %get3A_285 = arith.constant 192 : index
    %get3A_286 = tpu.vector_load %arg5[%get3A_285] {strides = array<i32>} : memref<224xi32, #tpu.memory_space<vmem>>, vector<16xi32>,
    %get3A_287 = vector.shape_cast %get3A_286 : vector<16xi32> to vector<16xi32>
    %add3A_288 = arith.constant 8192 : i32
    %add3A_289 = vector.broadcast %add3A_288 : i32 to vector<16xi32>
    %add3A_290 = arith.addi %get3A_287, %add3A_289 : vector<16xi32>
    %swap3A_291 = arith.constant 192 : index
    %swap3A_292 = tpu.vector_load %arg6[%swap3A_291] {strides = array<i32>} : memref<224xi32, #tpu.memory_space<vmem>>, vector<16xi32>,
    %swap3A_293 = vector.shape_cast %swap3A_292 : vector<16xi32> to vector<16xi32>
    %swap3A_294 = vector.shape_cast %add3A_290 : vector<16xi32> to vector<16xi32>
    tpu.vector_store %arg6[%swap3A_291], %swap3A_294 {strides = array<i32>} : memref<224xi32, #tpu.memory_space<vmem>>, vector<16xi32>,
    %get3A_295 = arith.constant 208 : index
    %get3A_296 = tpu.vector_load %arg5[%get3A_295] {strides = array<i32>} : memref<224xi32, #tpu.memory_space<vmem>>, vector<16xi32>,
    %get3A_297 = vector.shape_cast %get3A_296 : vector<16xi32> to vector<16xi32>
    %add3A_298 = arith.constant 8192 : i32
    %add3A_299 = vector.broadcast %add3A_298 : i32 to vector<16xi32>
    %add3A_300 = arith.addi %get3A_297, %add3A_299 : vector<16xi32>
    %swap3A_301 = arith.constant 208 : index
    %swap3A_302 = tpu.vector_load %arg6[%swap3A_301] {strides = array<i32>} : memref<224xi32, #tpu.memory_space<vmem>>, vector<16xi32>,
    %swap3A_303 = vector.shape_cast %swap3A_302 : vector<16xi32> to vector<16xi32>
    %swap3A_304 = vector.shape_cast %add3A_300 : vector<16xi32> to vector<16xi32>
    tpu.vector_store %arg6[%swap3A_301], %swap3A_304 {strides = array<i32>} : memref<224xi32, #tpu.memory_space<vmem>>, vector<16xi32>,
    %dma_start3A_305 = arith.constant 0 : i32
    %dma_start3A_306 = tpu.memref_slice %arg7[%dma_start3A_305] : memref<224xf32, #tpu.memory_space<vmem>> -> memref<112xf32, #tpu.memory_space<vmem>>
    %dma_start3A_307 = arith.constant 0 : i32
    %dma_start3A_308 = tpu.memref_slice %arg6[%dma_start3A_307] : memref<224xi32, #tpu.memory_space<vmem>> -> memref<112xi32, #tpu.memory_space<vmem>>
    %dma_start3A_309 = arith.constant 0 : i32
    %dma_start3A_310 = tpu.memref_slice %arg2[%dma_start3A_309] : memref<24576xf32, #tpu.memory_space<hbm>> -> memref<24576xf32, #tpu.memory_space<hbm>>
    tpu.enqueue_indirect_dma source(%dma_start3A_310 : memref<24576xf32, #tpu.memory_space<hbm>>) target(%dma_start3A_306 : memref<112xf32, #tpu.memory_space<vmem>>) offsets(%dma_start3A_308 : memref<112xi32, #tpu.memory_space<vmem>>) semaphore(%arg8 : memref<!tpu.dma_semaphore, #tpu.memory_space<semaphore_mem>>)
    %dma_wait3A_311 = arith.constant 0 : i32
    %dma_wait3A_312 = tpu.memref_slice %arg7[%dma_wait3A_311] : memref<224xf32, #tpu.memory_space<vmem>> -> memref<112xf32, #tpu.memory_space<vmem>>
    %dma_wait3A_313 = arith.constant 0 : i32
    %dma_wait3A_314 = tpu.memref_slice %arg6[%dma_wait3A_313] : memref<224xi32, #tpu.memory_space<vmem>> -> memref<112xi32, #tpu.memory_space<vmem>>
    %dma_wait3A_315 = arith.constant 0 : i32
    %dma_wait3A_316 = tpu.memref_slice %arg2[%dma_wait3A_315] : memref<24576xf32, #tpu.memory_space<hbm>> -> memref<24576xf32, #tpu.memory_space<hbm>>
    tpu.wait_indirect_dma semaphore(%arg8 : memref<!tpu.dma_semaphore, #tpu.memory_space<semaphore_mem>>) src(%dma_wait3A_316 : memref<24576xf32, #tpu.memory_space<hbm>>) dst(%dma_wait3A_312 : memref<112xf32, #tpu.memory_space<vmem>>)
    %dma_start3A_317 = arith.constant 112 : i32
    %dma_start3A_318 = tpu.memref_slice %arg7[%dma_start3A_317] : memref<224xf32, #tpu.memory_space<vmem>> -> memref<112xf32, #tpu.memory_space<vmem>>
    %dma_start3A_319 = arith.constant 112 : i32
    %dma_start3A_320 = tpu.memref_slice %arg6[%dma_start3A_319] : memref<224xi32, #tpu.memory_space<vmem>> -> memref<112xi32, #tpu.memory_space<vmem>>
    %dma_start3A_321 = arith.constant 0 : i32
    %dma_start3A_322 = tpu.memref_slice %arg2[%dma_start3A_321] : memref<24576xf32, #tpu.memory_space<hbm>> -> memref<24576xf32, #tpu.memory_space<hbm>>
    tpu.enqueue_indirect_dma source(%dma_start3A_322 : memref<24576xf32, #tpu.memory_space<hbm>>) target(%dma_start3A_318 : memref<112xf32, #tpu.memory_space<vmem>>) offsets(%dma_start3A_320 : memref<112xi32, #tpu.memory_space<vmem>>) semaphore(%arg8 : memref<!tpu.dma_semaphore, #tpu.memory_space<semaphore_mem>>)
    %dma_wait3A_323 = arith.constant 112 : i32
    %dma_wait3A_324 = tpu.memref_slice %arg7[%dma_wait3A_323] : memref<224xf32, #tpu.memory_space<vmem>> -> memref<112xf32, #tpu.memory_space<vmem>>
    %dma_wait3A_325 = arith.constant 112 : i32
    %dma_wait3A_326 = tpu.memref_slice %arg6[%dma_wait3A_325] : memref<224xi32, #tpu.memory_space<vmem>> -> memref<112xi32, #tpu.memory_space<vmem>>
    %dma_wait3A_327 = arith.constant 0 : i32
    %dma_wait3A_328 = tpu.memref_slice %arg2[%dma_wait3A_327] : memref<24576xf32, #tpu.memory_space<hbm>> -> memref<24576xf32, #tpu.memory_space<hbm>>
    tpu.wait_indirect_dma semaphore(%arg8 : memref<!tpu.dma_semaphore, #tpu.memory_space<semaphore_mem>>) src(%dma_wait3A_328 : memref<24576xf32, #tpu.memory_space<hbm>>) dst(%dma_wait3A_324 : memref<112xf32, #tpu.memory_space<vmem>>)
    %add3A_329 = arith.constant 7168 : i32
    %add3A_330 = arith.addi %add3A_329, %mul3A_2 : i32
    "tpu.region"() ({
      %run_scoped3A = tpu.sem_alloc : memref<!tpu.dma_semaphore, #tpu.memory_space<semaphore_mem>>
      %dma_start3A_497 = tpu.memref_slice %arg4[%add3A_330] : memref<21504xf32, #tpu.memory_space<hbm>> -> memref<224xf32, #tpu.memory_space<hbm>>
      %dma_start3A_498 = tpu.memref_slice %arg4[%add3A_330] : memref<21504xf32, #tpu.memory_space<hbm>> -> memref<224xf32, #tpu.memory_space<hbm>>
      tpu.enqueue_dma source(%arg7 : memref<224xf32, #tpu.memory_space<vmem>>) target(%dma_start3A_498 : memref<224xf32, #tpu.memory_space<hbm>>) target_semaphore(%run_scoped3A : memref<!tpu.dma_semaphore, #tpu.memory_space<semaphore_mem>>)
      %dma_wait3A_499 = tpu.memref_slice %arg4[%add3A_330] : memref<21504xf32, #tpu.memory_space<hbm>> -> memref<224xf32, #tpu.memory_space<hbm>>
      %dma_wait3A_500 = tpu.memref_slice %arg4[%add3A_330] : memref<21504xf32, #tpu.memory_space<hbm>> -> memref<224xf32, #tpu.memory_space<hbm>>
      tpu.wait_dma2 semaphore(%run_scoped3A : memref<!tpu.dma_semaphore, #tpu.memory_space<semaphore_mem>>) src(%arg7 : memref<224xf32, #tpu.memory_space<vmem>>) dst(%dma_wait3A_500 : memref<224xf32, #tpu.memory_space<hbm>>)
      tpu.yield
    }) : () -> ()
    %get3A_331 = arith.constant 0 : index
    %get3A_332 = tpu.vector_load %arg5[%get3A_331] {strides = array<i32>} : memref<224xi32, #tpu.memory_space<vmem>>, vector<16xi32>,
    %get3A_333 = vector.shape_cast %get3A_332 : vector<16xi32> to vector<16xi32>
    %add3A_334 = arith.constant 16384 : i32
    %add3A_335 = vector.broadcast %add3A_334 : i32 to vector<16xi32>
    %add3A_336 = arith.addi %get3A_333, %add3A_335 : vector<16xi32>
    %swap3A_337 = arith.constant 0 : index
    %swap3A_338 = tpu.vector_load %arg6[%swap3A_337] {strides = array<i32>} : memref<224xi32, #tpu.memory_space<vmem>>, vector<16xi32>,
    %swap3A_339 = vector.shape_cast %swap3A_338 : vector<16xi32> to vector<16xi32>
    %swap3A_340 = vector.shape_cast %add3A_336 : vector<16xi32> to vector<16xi32>
    tpu.vector_store %arg6[%swap3A_337], %swap3A_340 {strides = array<i32>} : memref<224xi32, #tpu.memory_space<vmem>>, vector<16xi32>,
    %get3A_341 = arith.constant 16 : index
    %get3A_342 = tpu.vector_load %arg5[%get3A_341] {strides = array<i32>} : memref<224xi32, #tpu.memory_space<vmem>>, vector<16xi32>,
    %get3A_343 = vector.shape_cast %get3A_342 : vector<16xi32> to vector<16xi32>
    %add3A_344 = arith.constant 16384 : i32
    %add3A_345 = vector.broadcast %add3A_344 : i32 to vector<16xi32>
    %add3A_346 = arith.addi %get3A_343, %add3A_345 : vector<16xi32>
    %swap3A_347 = arith.constant 16 : index
    %swap3A_348 = tpu.vector_load %arg6[%swap3A_347] {strides = array<i32>} : memref<224xi32, #tpu.memory_space<vmem>>, vector<16xi32>,
    %swap3A_349 = vector.shape_cast %swap3A_348 : vector<16xi32> to vector<16xi32>
    %swap3A_350 = vector.shape_cast %add3A_346 : vector<16xi32> to vector<16xi32>
    tpu.vector_store %arg6[%swap3A_347], %swap3A_350 {strides = array<i32>} : memref<224xi32, #tpu.memory_space<vmem>>, vector<16xi32>,
    %get3A_351 = arith.constant 32 : index
    %get3A_352 = tpu.vector_load %arg5[%get3A_351] {strides = array<i32>} : memref<224xi32, #tpu.memory_space<vmem>>, vector<16xi32>,
    %get3A_353 = vector.shape_cast %get3A_352 : vector<16xi32> to vector<16xi32>
    %add3A_354 = arith.constant 16384 : i32
    %add3A_355 = vector.broadcast %add3A_354 : i32 to vector<16xi32>
    %add3A_356 = arith.addi %get3A_353, %add3A_355 : vector<16xi32>
    %swap3A_357 = arith.constant 32 : index
    %swap3A_358 = tpu.vector_load %arg6[%swap3A_357] {strides = array<i32>} : memref<224xi32, #tpu.memory_space<vmem>>, vector<16xi32>,
    %swap3A_359 = vector.shape_cast %swap3A_358 : vector<16xi32> to vector<16xi32>
    %swap3A_360 = vector.shape_cast %add3A_356 : vector<16xi32> to vector<16xi32>
    tpu.vector_store %arg6[%swap3A_357], %swap3A_360 {strides = array<i32>} : memref<224xi32, #tpu.memory_space<vmem>>, vector<16xi32>,
    %get3A_361 = arith.constant 48 : index
    %get3A_362 = tpu.vector_load %arg5[%get3A_361] {strides = array<i32>} : memref<224xi32, #tpu.memory_space<vmem>>, vector<16xi32>,
    %get3A_363 = vector.shape_cast %get3A_362 : vector<16xi32> to vector<16xi32>
    %add3A_364 = arith.constant 16384 : i32
    %add3A_365 = vector.broadcast %add3A_364 : i32 to vector<16xi32>
    %add3A_366 = arith.addi %get3A_363, %add3A_365 : vector<16xi32>
    %swap3A_367 = arith.constant 48 : index
    %swap3A_368 = tpu.vector_load %arg6[%swap3A_367] {strides = array<i32>} : memref<224xi32, #tpu.memory_space<vmem>>, vector<16xi32>,
    %swap3A_369 = vector.shape_cast %swap3A_368 : vector<16xi32> to vector<16xi32>
    %swap3A_370 = vector.shape_cast %add3A_366 : vector<16xi32> to vector<16xi32>
    tpu.vector_store %arg6[%swap3A_367], %swap3A_370 {strides = array<i32>} : memref<224xi32, #tpu.memory_space<vmem>>, vector<16xi32>,
    %get3A_371 = arith.constant 64 : index
    %get3A_372 = tpu.vector_load %arg5[%get3A_371] {strides = array<i32>} : memref<224xi32, #tpu.memory_space<vmem>>, vector<16xi32>,
    %get3A_373 = vector.shape_cast %get3A_372 : vector<16xi32> to vector<16xi32>
    %add3A_374 = arith.constant 16384 : i32
    %add3A_375 = vector.broadcast %add3A_374 : i32 to vector<16xi32>
    %add3A_376 = arith.addi %get3A_373, %add3A_375 : vector<16xi32>
    %swap3A_377 = arith.constant 64 : index
    %swap3A_378 = tpu.vector_load %arg6[%swap3A_377] {strides = array<i32>} : memref<224xi32, #tpu.memory_space<vmem>>, vector<16xi32>,
    %swap3A_379 = vector.shape_cast %swap3A_378 : vector<16xi32> to vector<16xi32>
    %swap3A_380 = vector.shape_cast %add3A_376 : vector<16xi32> to vector<16xi32>
    tpu.vector_store %arg6[%swap3A_377], %swap3A_380 {strides = array<i32>} : memref<224xi32, #tpu.memory_space<vmem>>, vector<16xi32>,
    %get3A_381 = arith.constant 80 : index
    %get3A_382 = tpu.vector_load %arg5[%get3A_381] {strides = array<i32>} : memref<224xi32, #tpu.memory_space<vmem>>, vector<16xi32>,
    %get3A_383 = vector.shape_cast %get3A_382 : vector<16xi32> to vector<16xi32>
    %add3A_384 = arith.constant 16384 : i32
    %add3A_385 = vector.broadcast %add3A_384 : i32 to vector<16xi32>
    %add3A_386 = arith.addi %get3A_383, %add3A_385 : vector<16xi32>
    %swap3A_387 = arith.constant 80 : index
    %swap3A_388 = tpu.vector_load %arg6[%swap3A_387] {strides = array<i32>} : memref<224xi32, #tpu.memory_space<vmem>>, vector<16xi32>,
    %swap3A_389 = vector.shape_cast %swap3A_388 : vector<16xi32> to vector<16xi32>
    %swap3A_390 = vector.shape_cast %add3A_386 : vector<16xi32> to vector<16xi32>
    tpu.vector_store %arg6[%swap3A_387], %swap3A_390 {strides = array<i32>} : memref<224xi32, #tpu.memory_space<vmem>>, vector<16xi32>,
    %get3A_391 = arith.constant 96 : index
    %get3A_392 = tpu.vector_load %arg5[%get3A_391] {strides = array<i32>} : memref<224xi32, #tpu.memory_space<vmem>>, vector<16xi32>,
    %get3A_393 = vector.shape_cast %get3A_392 : vector<16xi32> to vector<16xi32>
    %add3A_394 = arith.constant 16384 : i32
    %add3A_395 = vector.broadcast %add3A_394 : i32 to vector<16xi32>
    %add3A_396 = arith.addi %get3A_393, %add3A_395 : vector<16xi32>
    %swap3A_397 = arith.constant 96 : index
    %swap3A_398 = tpu.vector_load %arg6[%swap3A_397] {strides = array<i32>} : memref<224xi32, #tpu.memory_space<vmem>>, vector<16xi32>,
    %swap3A_399 = vector.shape_cast %swap3A_398 : vector<16xi32> to vector<16xi32>
    %swap3A_400 = vector.shape_cast %add3A_396 : vector<16xi32> to vector<16xi32>
    tpu.vector_store %arg6[%swap3A_397], %swap3A_400 {strides = array<i32>} : memref<224xi32, #tpu.memory_space<vmem>>, vector<16xi32>,
    %get3A_401 = arith.constant 112 : index
    %get3A_402 = tpu.vector_load %arg5[%get3A_401] {strides = array<i32>} : memref<224xi32, #tpu.memory_space<vmem>>, vector<16xi32>,
    %get3A_403 = vector.shape_cast %get3A_402 : vector<16xi32> to vector<16xi32>
    %add3A_404 = arith.constant 16384 : i32
    %add3A_405 = vector.broadcast %add3A_404 : i32 to vector<16xi32>
    %add3A_406 = arith.addi %get3A_403, %add3A_405 : vector<16xi32>
    %swap3A_407 = arith.constant 112 : index
    %swap3A_408 = tpu.vector_load %arg6[%swap3A_407] {strides = array<i32>} : memref<224xi32, #tpu.memory_space<vmem>>, vector<16xi32>,
    %swap3A_409 = vector.shape_cast %swap3A_408 : vector<16xi32> to vector<16xi32>
    %swap3A_410 = vector.shape_cast %add3A_406 : vector<16xi32> to vector<16xi32>
    tpu.vector_store %arg6[%swap3A_407], %swap3A_410 {strides = array<i32>} : memref<224xi32, #tpu.memory_space<vmem>>, vector<16xi32>,
    %get3A_411 = arith.constant 128 : index
    %get3A_412 = tpu.vector_load %arg5[%get3A_411] {strides = array<i32>} : memref<224xi32, #tpu.memory_space<vmem>>, vector<16xi32>,
    %get3A_413 = vector.shape_cast %get3A_412 : vector<16xi32> to vector<16xi32>
    %add3A_414 = arith.constant 16384 : i32
    %add3A_415 = vector.broadcast %add3A_414 : i32 to vector<16xi32>
    %add3A_416 = arith.addi %get3A_413, %add3A_415 : vector<16xi32>
    %swap3A_417 = arith.constant 128 : index
    %swap3A_418 = tpu.vector_load %arg6[%swap3A_417] {strides = array<i32>} : memref<224xi32, #tpu.memory_space<vmem>>, vector<16xi32>,
    %swap3A_419 = vector.shape_cast %swap3A_418 : vector<16xi32> to vector<16xi32>
    %swap3A_420 = vector.shape_cast %add3A_416 : vector<16xi32> to vector<16xi32>
    tpu.vector_store %arg6[%swap3A_417], %swap3A_420 {strides = array<i32>} : memref<224xi32, #tpu.memory_space<vmem>>, vector<16xi32>,
    %get3A_421 = arith.constant 144 : index
    %get3A_422 = tpu.vector_load %arg5[%get3A_421] {strides = array<i32>} : memref<224xi32, #tpu.memory_space<vmem>>, vector<16xi32>,
    %get3A_423 = vector.shape_cast %get3A_422 : vector<16xi32> to vector<16xi32>
    %add3A_424 = arith.constant 16384 : i32
    %add3A_425 = vector.broadcast %add3A_424 : i32 to vector<16xi32>
    %add3A_426 = arith.addi %get3A_423, %add3A_425 : vector<16xi32>
    %swap3A_427 = arith.constant 144 : index
    %swap3A_428 = tpu.vector_load %arg6[%swap3A_427] {strides = array<i32>} : memref<224xi32, #tpu.memory_space<vmem>>, vector<16xi32>,
    %swap3A_429 = vector.shape_cast %swap3A_428 : vector<16xi32> to vector<16xi32>
    %swap3A_430 = vector.shape_cast %add3A_426 : vector<16xi32> to vector<16xi32>
    tpu.vector_store %arg6[%swap3A_427], %swap3A_430 {strides = array<i32>} : memref<224xi32, #tpu.memory_space<vmem>>, vector<16xi32>,
    %get3A_431 = arith.constant 160 : index
    %get3A_432 = tpu.vector_load %arg5[%get3A_431] {strides = array<i32>} : memref<224xi32, #tpu.memory_space<vmem>>, vector<16xi32>,
    %get3A_433 = vector.shape_cast %get3A_432 : vector<16xi32> to vector<16xi32>
    %add3A_434 = arith.constant 16384 : i32
    %add3A_435 = vector.broadcast %add3A_434 : i32 to vector<16xi32>
    %add3A_436 = arith.addi %get3A_433, %add3A_435 : vector<16xi32>
    %swap3A_437 = arith.constant 160 : index
    %swap3A_438 = tpu.vector_load %arg6[%swap3A_437] {strides = array<i32>} : memref<224xi32, #tpu.memory_space<vmem>>, vector<16xi32>,
    %swap3A_439 = vector.shape_cast %swap3A_438 : vector<16xi32> to vector<16xi32>
    %swap3A_440 = vector.shape_cast %add3A_436 : vector<16xi32> to vector<16xi32>
    tpu.vector_store %arg6[%swap3A_437], %swap3A_440 {strides = array<i32>} : memref<224xi32, #tpu.memory_space<vmem>>, vector<16xi32>,
    %get3A_441 = arith.constant 176 : index
    %get3A_442 = tpu.vector_load %arg5[%get3A_441] {strides = array<i32>} : memref<224xi32, #tpu.memory_space<vmem>>, vector<16xi32>,
    %get3A_443 = vector.shape_cast %get3A_442 : vector<16xi32> to vector<16xi32>
    %add3A_444 = arith.constant 16384 : i32
    %add3A_445 = vector.broadcast %add3A_444 : i32 to vector<16xi32>
    %add3A_446 = arith.addi %get3A_443, %add3A_445 : vector<16xi32>
    %swap3A_447 = arith.constant 176 : index
    %swap3A_448 = tpu.vector_load %arg6[%swap3A_447] {strides = array<i32>} : memref<224xi32, #tpu.memory_space<vmem>>, vector<16xi32>,
    %swap3A_449 = vector.shape_cast %swap3A_448 : vector<16xi32> to vector<16xi32>
    %swap3A_450 = vector.shape_cast %add3A_446 : vector<16xi32> to vector<16xi32>
    tpu.vector_store %arg6[%swap3A_447], %swap3A_450 {strides = array<i32>} : memref<224xi32, #tpu.memory_space<vmem>>, vector<16xi32>,
    %get3A_451 = arith.constant 192 : index
    %get3A_452 = tpu.vector_load %arg5[%get3A_451] {strides = array<i32>} : memref<224xi32, #tpu.memory_space<vmem>>, vector<16xi32>,
    %get3A_453 = vector.shape_cast %get3A_452 : vector<16xi32> to vector<16xi32>
    %add3A_454 = arith.constant 16384 : i32
    %add3A_455 = vector.broadcast %add3A_454 : i32 to vector<16xi32>
    %add3A_456 = arith.addi %get3A_453, %add3A_455 : vector<16xi32>
    %swap3A_457 = arith.constant 192 : index
    %swap3A_458 = tpu.vector_load %arg6[%swap3A_457] {strides = array<i32>} : memref<224xi32, #tpu.memory_space<vmem>>, vector<16xi32>,
    %swap3A_459 = vector.shape_cast %swap3A_458 : vector<16xi32> to vector<16xi32>
    %swap3A_460 = vector.shape_cast %add3A_456 : vector<16xi32> to vector<16xi32>
    tpu.vector_store %arg6[%swap3A_457], %swap3A_460 {strides = array<i32>} : memref<224xi32, #tpu.memory_space<vmem>>, vector<16xi32>,
    %get3A_461 = arith.constant 208 : index
    %get3A_462 = tpu.vector_load %arg5[%get3A_461] {strides = array<i32>} : memref<224xi32, #tpu.memory_space<vmem>>, vector<16xi32>,
    %get3A_463 = vector.shape_cast %get3A_462 : vector<16xi32> to vector<16xi32>
    %add3A_464 = arith.constant 16384 : i32
    %add3A_465 = vector.broadcast %add3A_464 : i32 to vector<16xi32>
    %add3A_466 = arith.addi %get3A_463, %add3A_465 : vector<16xi32>
    %swap3A_467 = arith.constant 208 : index
    %swap3A_468 = tpu.vector_load %arg6[%swap3A_467] {strides = array<i32>} : memref<224xi32, #tpu.memory_space<vmem>>, vector<16xi32>,
    %swap3A_469 = vector.shape_cast %swap3A_468 : vector<16xi32> to vector<16xi32>
    %swap3A_470 = vector.shape_cast %add3A_466 : vector<16xi32> to vector<16xi32>
    tpu.vector_store %arg6[%swap3A_467], %swap3A_470 {strides = array<i32>} : memref<224xi32, #tpu.memory_space<vmem>>, vector<16xi32>,
    %dma_start3A_471 = arith.constant 0 : i32
    %dma_start3A_472 = tpu.memref_slice %arg7[%dma_start3A_471] : memref<224xf32, #tpu.memory_space<vmem>> -> memref<112xf32, #tpu.memory_space<vmem>>
    %dma_start3A_473 = arith.constant 0 : i32
    %dma_start3A_474 = tpu.memref_slice %arg6[%dma_start3A_473] : memref<224xi32, #tpu.memory_space<vmem>> -> memref<112xi32, #tpu.memory_space<vmem>>
    %dma_start3A_475 = arith.constant 0 : i32
    %dma_start3A_476 = tpu.memref_slice %arg2[%dma_start3A_475] : memref<24576xf32, #tpu.memory_space<hbm>> -> memref<24576xf32, #tpu.memory_space<hbm>>
    tpu.enqueue_indirect_dma source(%dma_start3A_476 : memref<24576xf32, #tpu.memory_space<hbm>>) target(%dma_start3A_472 : memref<112xf32, #tpu.memory_space<vmem>>) offsets(%dma_start3A_474 : memref<112xi32, #tpu.memory_space<vmem>>) semaphore(%arg8 : memref<!tpu.dma_semaphore, #tpu.memory_space<semaphore_mem>>)
    %dma_wait3A_477 = arith.constant 0 : i32
    %dma_wait3A_478 = tpu.memref_slice %arg7[%dma_wait3A_477] : memref<224xf32, #tpu.memory_space<vmem>> -> memref<112xf32, #tpu.memory_space<vmem>>
    %dma_wait3A_479 = arith.constant 0 : i32
    %dma_wait3A_480 = tpu.memref_slice %arg6[%dma_wait3A_479] : memref<224xi32, #tpu.memory_space<vmem>> -> memref<112xi32, #tpu.memory_space<vmem>>
    %dma_wait3A_481 = arith.constant 0 : i32
    %dma_wait3A_482 = tpu.memref_slice %arg2[%dma_wait3A_481] : memref<24576xf32, #tpu.memory_space<hbm>> -> memref<24576xf32, #tpu.memory_space<hbm>>
    tpu.wait_indirect_dma semaphore(%arg8 : memref<!tpu.dma_semaphore, #tpu.memory_space<semaphore_mem>>) src(%dma_wait3A_482 : memref<24576xf32, #tpu.memory_space<hbm>>) dst(%dma_wait3A_478 : memref<112xf32, #tpu.memory_space<vmem>>)
    %dma_start3A_483 = arith.constant 112 : i32
    %dma_start3A_484 = tpu.memref_slice %arg7[%dma_start3A_483] : memref<224xf32, #tpu.memory_space<vmem>> -> memref<112xf32, #tpu.memory_space<vmem>>
    %dma_start3A_485 = arith.constant 112 : i32
    %dma_start3A_486 = tpu.memref_slice %arg6[%dma_start3A_485] : memref<224xi32, #tpu.memory_space<vmem>> -> memref<112xi32, #tpu.memory_space<vmem>>
    %dma_start3A_487 = arith.constant 0 : i32
    %dma_start3A_488 = tpu.memref_slice %arg2[%dma_start3A_487] : memref<24576xf32, #tpu.memory_space<hbm>> -> memref<24576xf32, #tpu.memory_space<hbm>>
    tpu.enqueue_indirect_dma source(%dma_start3A_488 : memref<24576xf32, #tpu.memory_space<hbm>>) target(%dma_start3A_484 : memref<112xf32, #tpu.memory_space<vmem>>) offsets(%dma_start3A_486 : memref<112xi32, #tpu.memory_space<vmem>>) semaphore(%arg8 : memref<!tpu.dma_semaphore, #tpu.memory_space<semaphore_mem>>)
    %dma_wait3A_489 = arith.constant 112 : i32
    %dma_wait3A_490 = tpu.memref_slice %arg7[%dma_wait3A_489] : memref<224xf32, #tpu.memory_space<vmem>> -> memref<112xf32, #tpu.memory_space<vmem>>
    %dma_wait3A_491 = arith.constant 112 : i32
    %dma_wait3A_492 = tpu.memref_slice %arg6[%dma_wait3A_491] : memref<224xi32, #tpu.memory_space<vmem>> -> memref<112xi32, #tpu.memory_space<vmem>>
    %dma_wait3A_493 = arith.constant 0 : i32
    %dma_wait3A_494 = tpu.memref_slice %arg2[%dma_wait3A_493] : memref<24576xf32, #tpu.memory_space<hbm>> -> memref<24576xf32, #tpu.memory_space<hbm>>
    tpu.wait_indirect_dma semaphore(%arg8 : memref<!tpu.dma_semaphore, #tpu.memory_space<semaphore_mem>>) src(%dma_wait3A_494 : memref<24576xf32, #tpu.memory_space<hbm>>) dst(%dma_wait3A_490 : memref<112xf32, #tpu.memory_space<vmem>>)
    %add3A_495 = arith.constant 14336 : i32
    %add3A_496 = arith.addi %add3A_495, %mul3A_2 : i32
    "tpu.region"() ({
      %run_scoped3A = tpu.sem_alloc : memref<!tpu.dma_semaphore, #tpu.memory_space<semaphore_mem>>
      %dma_start3A_497 = tpu.memref_slice %arg4[%add3A_496] : memref<21504xf32, #tpu.memory_space<hbm>> -> memref<224xf32, #tpu.memory_space<hbm>>
      %dma_start3A_498 = tpu.memref_slice %arg4[%add3A_496] : memref<21504xf32, #tpu.memory_space<hbm>> -> memref<224xf32, #tpu.memory_space<hbm>>
      tpu.enqueue_dma source(%arg7 : memref<224xf32, #tpu.memory_space<vmem>>) target(%dma_start3A_498 : memref<224xf32, #tpu.memory_space<hbm>>) target_semaphore(%run_scoped3A : memref<!tpu.dma_semaphore, #tpu.memory_space<semaphore_mem>>)
      %dma_wait3A_499 = tpu.memref_slice %arg4[%add3A_496] : memref<21504xf32, #tpu.memory_space<hbm>> -> memref<224xf32, #tpu.memory_space<hbm>>
      %dma_wait3A_500 = tpu.memref_slice %arg4[%add3A_496] : memref<21504xf32, #tpu.memory_space<hbm>> -> memref<224xf32, #tpu.memory_space<hbm>>
      tpu.wait_dma2 semaphore(%run_scoped3A : memref<!tpu.dma_semaphore, #tpu.memory_space<semaphore_mem>>) src(%arg7 : memref<224xf32, #tpu.memory_space<vmem>>) dst(%dma_wait3A_500 : memref<224xf32, #tpu.memory_space<hbm>>)
      tpu.yield
    }) : () -> ()
    return
  }
}

module attributes {stable_mosaic.version = 14 : i64} {
  func.func @_s2d_body(%arg0: memref<3x7168xf32, #tpu.memory_space<vmem>>, %arg1: memref<3x7168xf32, #tpu.memory_space<vmem>>, %arg2: memref<1x7168xf32, #tpu.memory_space<vmem>>, %arg3: memref<8192x3xf32, #tpu.memory_space<vmem>>, %arg4: memref<8192x3xf32, #tpu.memory_space<vmem>>, %arg5: memref<1x7168xf32, #tpu.memory_space<vmem>>, %arg6: memref<1x7168xi32, #tpu.memory_space<vmem>>, %arg7: memref<8192x3xbf16, #tpu.memory_space<vmem>>, %arg8: memref<8192x3xbf16, #tpu.memory_space<vmem>>, %arg9: memref<8192x1xf32, #tpu.memory_space<vmem>>, %arg10: memref<3x7168xbf16, #tpu.memory_space<vmem>>, %arg11: memref<3x7168xbf16, #tpu.memory_space<vmem>>, %arg12: memref<1x7168xf32, #tpu.memory_space<vmem>>) attributes {dimension_semantics = [], scalar_prefetch = 0 : i64, scratch_operands = 6 : i64, tpu.core_type = #tpu.core_type<tc>} {
    %get3A = arith.constant 0 : index
    %get3A_0 = arith.constant 0 : index
    %get3A_1 = vector.load %arg3[%get3A, %get3A_0] : memref<8192x3xf32, #tpu.memory_space<vmem>>, vector<8192x3xf32>
    %mul3A = arith.constant -2.000000e+00 : f32
    %mul3A_2 = vector.broadcast %mul3A : f32 to vector<8192x3xf32>
    %mul3A_3 = arith.mulf %mul3A_2, %get3A_1 : vector<8192x3xf32>
    %convert_element_type3A = arith.truncf %mul3A_3 : vector<8192x3xf32> to vector<8192x3xbf16>
    %swap3A = arith.constant 0 : index
    %swap3A_4 = arith.constant 0 : index
    %swap3A_5 = vector.load %arg7[%swap3A, %swap3A_4] : memref<8192x3xbf16, #tpu.memory_space<vmem>>, vector<8192x3xbf16>
    tpu.vector_store %arg7[%swap3A, %swap3A_4], %convert_element_type3A {strides = array<i32>} : memref<8192x3xbf16, #tpu.memory_space<vmem>>, vector<8192x3xbf16>,
    %mul3A_6 = arith.mulf %get3A_1, %get3A_1 : vector<8192x3xf32>
    %reduce_sum3A = arith.constant dense<0.000000e+00> : vector<8192xf32>
    %reduce_sum3A_7 = vector.multi_reduction <add>, %mul3A_6, %reduce_sum3A [1] : vector<8192x3xf32> to vector<8192xf32>
    %broadcast_in_dim3A = vector.shape_cast %reduce_sum3A_7 : vector<8192xf32> to vector<8192x1xf32>
    %swap3A_8 = arith.constant 0 : index
    %swap3A_9 = arith.constant 0 : index
    %swap3A_10 = vector.load %arg9[%swap3A_8, %swap3A_9] : memref<8192x1xf32, #tpu.memory_space<vmem>>, vector<8192x1xf32>
    tpu.vector_store %arg9[%swap3A_8, %swap3A_9], %broadcast_in_dim3A {strides = array<i32>} : memref<8192x1xf32, #tpu.memory_space<vmem>>, vector<8192x1xf32>,
    %get3A_11 = arith.constant 0 : index
    %get3A_12 = arith.constant 0 : index
    %get3A_13 = vector.load %arg4[%get3A_11, %get3A_12] : memref<8192x3xf32, #tpu.memory_space<vmem>>, vector<8192x3xf32>
    %mul3A_14 = arith.mulf %get3A_13, %get3A_13 : vector<8192x3xf32>
    %reduce_sum3A_15 = arith.constant dense<0.000000e+00> : vector<8192xf32>
    %reduce_sum3A_16 = vector.multi_reduction <add>, %mul3A_14, %reduce_sum3A_15 [1] : vector<8192x3xf32> to vector<8192xf32>
    %broadcast_in_dim3A_17 = vector.shape_cast %reduce_sum3A_16 : vector<8192xf32> to vector<8192x1xf32>
    %add3A = arith.constant 9.99999996E-13 : f32
    %add3A_18 = vector.broadcast %add3A : f32 to vector<8192x1xf32>
    %add3A_19 = arith.addf %broadcast_in_dim3A_17, %add3A_18 : vector<8192x1xf32>
    %sqrt3A = math.sqrt %add3A_19 : vector<8192x1xf32>
    %div3A = arith.constant 1.000000e+00 : f32
    %div3A_20 = vector.broadcast %div3A : f32 to vector<8192x1xf32>
    %div3A_21 = arith.divf %div3A_20, %sqrt3A : vector<8192x1xf32>
    %mul3A_22 = vector.broadcast %div3A_21 : vector<8192x1xf32> to vector<8192x3xf32>
    %mul3A_23 = arith.mulf %get3A_13, %mul3A_22 : vector<8192x3xf32>
    %convert_element_type3A_24 = arith.truncf %mul3A_23 : vector<8192x3xf32> to vector<8192x3xbf16>
    %swap3A_25 = arith.constant 0 : index
    %swap3A_26 = arith.constant 0 : index
    %swap3A_27 = vector.load %arg8[%swap3A_25, %swap3A_26] : memref<8192x3xbf16, #tpu.memory_space<vmem>>, vector<8192x3xbf16>
    tpu.vector_store %arg8[%swap3A_25, %swap3A_26], %convert_element_type3A_24 {strides = array<i32>} : memref<8192x3xbf16, #tpu.memory_space<vmem>>, vector<8192x3xbf16>,
    %get3A_28 = arith.constant 0 : index
    %get3A_29 = arith.constant 0 : index
    %get3A_30 = vector.load %arg0[%get3A_28, %get3A_29] : memref<3x7168xf32, #tpu.memory_space<vmem>>, vector<3x7168xf32>
    %convert_element_type3A_31 = arith.truncf %get3A_30 : vector<3x7168xf32> to vector<3x7168xbf16>
    %swap3A_32 = arith.constant 0 : index
    %swap3A_33 = arith.constant 0 : index
    %swap3A_34 = vector.load %arg10[%swap3A_32, %swap3A_33] : memref<3x7168xbf16, #tpu.memory_space<vmem>>, vector<3x7168xbf16>
    tpu.vector_store %arg10[%swap3A_32, %swap3A_33], %convert_element_type3A_31 {strides = array<i32>} : memref<3x7168xbf16, #tpu.memory_space<vmem>>, vector<3x7168xbf16>,
    %mul3A_35 = arith.mulf %get3A_30, %get3A_30 : vector<3x7168xf32>
    %reduce_sum3A_36 = arith.constant dense<0.000000e+00> : vector<7168xf32>
    %reduce_sum3A_37 = vector.multi_reduction <add>, %mul3A_35, %reduce_sum3A_36 [0] : vector<3x7168xf32> to vector<7168xf32>
    %broadcast_in_dim3A_38 = vector.shape_cast %reduce_sum3A_37 : vector<7168xf32> to vector<1x7168xf32>
    %swap3A_39 = arith.constant 0 : index
    %swap3A_40 = arith.constant 0 : index
    %swap3A_41 = vector.load %arg12[%swap3A_39, %swap3A_40] : memref<1x7168xf32, #tpu.memory_space<vmem>>, vector<1x7168xf32>
    tpu.vector_store %arg12[%swap3A_39, %swap3A_40], %broadcast_in_dim3A_38 {strides = array<i32>} : memref<1x7168xf32, #tpu.memory_space<vmem>>, vector<1x7168xf32>,
    %get3A_42 = arith.constant 0 : index
    %get3A_43 = arith.constant 0 : index
    %get3A_44 = vector.load %arg1[%get3A_42, %get3A_43] : memref<3x7168xf32, #tpu.memory_space<vmem>>, vector<3x7168xf32>
    %mul3A_45 = arith.mulf %get3A_44, %get3A_44 : vector<3x7168xf32>
    %reduce_sum3A_46 = arith.constant dense<0.000000e+00> : vector<7168xf32>
    %reduce_sum3A_47 = vector.multi_reduction <add>, %mul3A_45, %reduce_sum3A_46 [0] : vector<3x7168xf32> to vector<7168xf32>
    %broadcast_in_dim3A_48 = vector.shape_cast %reduce_sum3A_47 : vector<7168xf32> to vector<1x7168xf32>
    %add3A_49 = arith.constant 9.99999996E-13 : f32
    %add3A_50 = vector.broadcast %add3A_49 : f32 to vector<1x7168xf32>
    %add3A_51 = arith.addf %broadcast_in_dim3A_48, %add3A_50 : vector<1x7168xf32>
    %sqrt3A_52 = math.sqrt %add3A_51 : vector<1x7168xf32>
    %div3A_53 = arith.constant 1.000000e+00 : f32
    %div3A_54 = vector.broadcast %div3A_53 : f32 to vector<1x7168xf32>
    %div3A_55 = arith.divf %div3A_54, %sqrt3A_52 : vector<1x7168xf32>
    %mul3A_56 = vector.broadcast %div3A_55 : vector<1x7168xf32> to vector<3x7168xf32>
    %mul3A_57 = arith.mulf %get3A_44, %mul3A_56 : vector<3x7168xf32>
    %convert_element_type3A_58 = arith.truncf %mul3A_57 : vector<3x7168xf32> to vector<3x7168xbf16>
    %swap3A_59 = arith.constant 0 : index
    %swap3A_60 = arith.constant 0 : index
    %swap3A_61 = vector.load %arg11[%swap3A_59, %swap3A_60] : memref<3x7168xbf16, #tpu.memory_space<vmem>>, vector<3x7168xbf16>
    tpu.vector_store %arg11[%swap3A_59, %swap3A_60], %convert_element_type3A_58 {strides = array<i32>} : memref<3x7168xbf16, #tpu.memory_space<vmem>>, vector<3x7168xbf16>,
    %scan3A = arith.constant 0 : i32
    %scan3A_62 = arith.constant 7 : i32
    %scan3A_63 = arith.addi %scan3A, %scan3A_62 : i32
    %scan3A_64 = arith.constant 1 : i32
    scf.for %scan3A_66 = %scan3A to %scan3A_63 step %scan3A_64  : i32 {
      %mul3A_67 = arith.constant 1024 : i32
      %mul3A_68 = arith.muli %scan3A_66, %mul3A_67 : i32
      %get3A_69 = arith.constant 0 : index
      %get3A_70 = arith.index_cast %mul3A_68 : i32 to index
      %get3A_71 = vector.load %arg10[%get3A_69, %get3A_70] : memref<3x7168xbf16, #tpu.memory_space<vmem>>, vector<3x1024xbf16>
      %get3A_72 = arith.constant 0 : index
      %get3A_73 = arith.index_cast %mul3A_68 : i32 to index
      %get3A_74 = vector.load %arg11[%get3A_72, %get3A_73] : memref<3x7168xbf16, #tpu.memory_space<vmem>>, vector<3x1024xbf16>
      %get3A_75 = arith.constant 0 : index
      %get3A_76 = arith.index_cast %mul3A_68 : i32 to index
      %get3A_77 = vector.load %arg12[%get3A_75, %get3A_76] : memref<1x7168xf32, #tpu.memory_space<vmem>>, vector<1x1024xf32>
      %broadcast_in_dim3A_78 = arith.constant 2147483647 : i32
      %broadcast_in_dim3A_79 = vector.broadcast %broadcast_in_dim3A_78 : i32 to vector<1x1024xi32>
      %get3A_80 = arith.constant 0 : index
      %get3A_81 = arith.constant 0 : index
      %get3A_82 = vector.load %arg7[%get3A_80, %get3A_81] : memref<8192x3xbf16, #tpu.memory_space<vmem>>, vector<512x3xbf16>
      %dot_general3A = arith.constant dense<0.000000e+00> : vector<512x1024xf32>
      %dot_general3A_83 = tpu.matmul %get3A_82, %get3A_71, %dot_general3A {dimension_numbers = #tpu.dot_dimension_numbers<[1], [0], [0], [1], [0, 0, 1, 1], [], []>, transpose_lhs_hint = false} : vector<512x3xbf16>, vector<3x1024xbf16>, vector<512x1024xf32> -> vector<512x1024xf32>
      %get3A_84 = arith.constant 0 : index
      %get3A_85 = arith.constant 0 : index
      %get3A_86 = vector.load %arg8[%get3A_84, %get3A_85] : memref<8192x3xbf16, #tpu.memory_space<vmem>>, vector<512x3xbf16>
      %dot_general3A_87 = arith.constant dense<0.000000e+00> : vector<512x1024xf32>
      %dot_general3A_88 = tpu.matmul %get3A_86, %get3A_74, %dot_general3A_87 {dimension_numbers = #tpu.dot_dimension_numbers<[1], [0], [0], [1], [0, 0, 1, 1], [], []>, transpose_lhs_hint = false} : vector<512x3xbf16>, vector<3x1024xbf16>, vector<512x1024xf32> -> vector<512x1024xf32>
      %get3A_89 = arith.constant 0 : index
      %get3A_90 = arith.constant 0 : index
      %get3A_91 = vector.load %arg9[%get3A_89, %get3A_90] : memref<8192x1xf32, #tpu.memory_space<vmem>>, vector<512x1xf32>
      %add3A_92 = vector.broadcast %get3A_91 : vector<512x1xf32> to vector<512x1024xf32>
      %add3A_93 = arith.addf %dot_general3A_83, %add3A_92 : vector<512x1024xf32>
      %add3A_94 = vector.broadcast %get3A_77 : vector<1x1024xf32> to vector<512x1024xf32>
      %add3A_95 = arith.addf %add3A_93, %add3A_94 : vector<512x1024xf32>
      %max3A = arith.constant 0.000000e+00 : f32
      %max3A_96 = vector.broadcast %max3A : f32 to vector<512x1024xf32>
      %max3A_97 = arith.maximumf %add3A_95, %max3A_96 : vector<512x1024xf32>
      %lt3A = arith.constant 2.500000e-03 : f32
      %lt3A_98 = vector.broadcast %lt3A : f32 to vector<512x1024xf32>
      %lt3A_99 = arith.cmpf olt, %max3A_97, %lt3A_98 : vector<512x1024xf32>
      %gt3A = arith.constant 0.965925812 : f32
      %gt3A_100 = vector.broadcast %gt3A : f32 to vector<512x1024xf32>
      %gt3A_101 = arith.cmpf ogt, %dot_general3A_88, %gt3A_100 : vector<512x1024xf32>
      %and3A = arith.andi %lt3A_99, %gt3A_101 : vector<512x1024xi1>
      %bitcast_convert_type3A = tpu.bitcast %max3A_97 : vector<512x1024xf32> -> vector<512x1024xi32>
      %iota3A = tpu.iota {dimensions = array<i32: 0>} : vector<512x1xi32>
      %add3A_102 = arith.constant 0 : i32
      %add3A_103 = vector.broadcast %add3A_102 : i32 to vector<512x1xi32>
      %add3A_104 = arith.addi %iota3A, %add3A_103 : vector<512x1xi32>
      %and3A_105 = arith.constant -8192 : i32
      %and3A_106 = vector.broadcast %and3A_105 : i32 to vector<512x1024xi32>
      %and3A_107 = arith.andi %bitcast_convert_type3A, %and3A_106 : vector<512x1024xi32>
      %or3A = vector.broadcast %add3A_104 : vector<512x1xi32> to vector<512x1024xi32>
      %or3A_108 = arith.ori %and3A_107, %or3A : vector<512x1024xi32>
      %sub3A = arith.constant 1610612736 : i32
      %sub3A_109 = vector.broadcast %sub3A : i32 to vector<512x1024xi32>
      %sub3A_110 = arith.subi %or3A_108, %sub3A_109 : vector<512x1024xi32>
      %select_n3A = arith.select %and3A, %sub3A_110, %or3A_108 : vector<512x1024xi1>, vector<512x1024xi32>
      %reduce_min3A = arith.constant dense<2147483647> : vector<1024xi32>
      %reduce_min3A_111 = vector.multi_reduction <minsi>, %select_n3A, %reduce_min3A [0] : vector<512x1024xi32> to vector<1024xi32>
      %broadcast_in_dim3A_112 = vector.shape_cast %reduce_min3A_111 : vector<1024xi32> to vector<1x1024xi32>
      %min3A = arith.minsi %broadcast_in_dim3A_79, %broadcast_in_dim3A_112 : vector<1x1024xi32>
      %get3A_113 = arith.constant 512 : index
      %get3A_114 = arith.constant 0 : index
      %get3A_115 = vector.load %arg7[%get3A_113, %get3A_114] : memref<8192x3xbf16, #tpu.memory_space<vmem>>, vector<512x3xbf16>
      %dot_general3A_116 = arith.constant dense<0.000000e+00> : vector<512x1024xf32>
      %dot_general3A_117 = tpu.matmul %get3A_115, %get3A_71, %dot_general3A_116 {dimension_numbers = #tpu.dot_dimension_numbers<[1], [0], [0], [1], [0, 0, 1, 1], [], []>, transpose_lhs_hint = false} : vector<512x3xbf16>, vector<3x1024xbf16>, vector<512x1024xf32> -> vector<512x1024xf32>
      %get3A_118 = arith.constant 512 : index
      %get3A_119 = arith.constant 0 : index
      %get3A_120 = vector.load %arg8[%get3A_118, %get3A_119] : memref<8192x3xbf16, #tpu.memory_space<vmem>>, vector<512x3xbf16>
      %dot_general3A_121 = arith.constant dense<0.000000e+00> : vector<512x1024xf32>
      %dot_general3A_122 = tpu.matmul %get3A_120, %get3A_74, %dot_general3A_121 {dimension_numbers = #tpu.dot_dimension_numbers<[1], [0], [0], [1], [0, 0, 1, 1], [], []>, transpose_lhs_hint = false} : vector<512x3xbf16>, vector<3x1024xbf16>, vector<512x1024xf32> -> vector<512x1024xf32>
      %get3A_123 = arith.constant 512 : index
      %get3A_124 = arith.constant 0 : index
      %get3A_125 = vector.load %arg9[%get3A_123, %get3A_124] : memref<8192x1xf32, #tpu.memory_space<vmem>>, vector<512x1xf32>
      %add3A_126 = vector.broadcast %get3A_125 : vector<512x1xf32> to vector<512x1024xf32>
      %add3A_127 = arith.addf %dot_general3A_117, %add3A_126 : vector<512x1024xf32>
      %add3A_128 = vector.broadcast %get3A_77 : vector<1x1024xf32> to vector<512x1024xf32>
      %add3A_129 = arith.addf %add3A_127, %add3A_128 : vector<512x1024xf32>
      %max3A_130 = arith.constant 0.000000e+00 : f32
      %max3A_131 = vector.broadcast %max3A_130 : f32 to vector<512x1024xf32>
      %max3A_132 = arith.maximumf %add3A_129, %max3A_131 : vector<512x1024xf32>
      %lt3A_133 = arith.constant 2.500000e-03 : f32
      %lt3A_134 = vector.broadcast %lt3A_133 : f32 to vector<512x1024xf32>
      %lt3A_135 = arith.cmpf olt, %max3A_132, %lt3A_134 : vector<512x1024xf32>
      %gt3A_136 = arith.constant 0.965925812 : f32
      %gt3A_137 = vector.broadcast %gt3A_136 : f32 to vector<512x1024xf32>
      %gt3A_138 = arith.cmpf ogt, %dot_general3A_122, %gt3A_137 : vector<512x1024xf32>
      %and3A_139 = arith.andi %lt3A_135, %gt3A_138 : vector<512x1024xi1>
      %bitcast_convert_type3A_140 = tpu.bitcast %max3A_132 : vector<512x1024xf32> -> vector<512x1024xi32>
      %iota3A_141 = tpu.iota {dimensions = array<i32: 0>} : vector<512x1xi32>
      %add3A_142 = arith.constant 512 : i32
      %add3A_143 = vector.broadcast %add3A_142 : i32 to vector<512x1xi32>
      %add3A_144 = arith.addi %iota3A_141, %add3A_143 : vector<512x1xi32>
      %and3A_145 = arith.constant -8192 : i32
      %and3A_146 = vector.broadcast %and3A_145 : i32 to vector<512x1024xi32>
      %and3A_147 = arith.andi %bitcast_convert_type3A_140, %and3A_146 : vector<512x1024xi32>
      %or3A_148 = vector.broadcast %add3A_144 : vector<512x1xi32> to vector<512x1024xi32>
      %or3A_149 = arith.ori %and3A_147, %or3A_148 : vector<512x1024xi32>
      %sub3A_150 = arith.constant 1610612736 : i32
      %sub3A_151 = vector.broadcast %sub3A_150 : i32 to vector<512x1024xi32>
      %sub3A_152 = arith.subi %or3A_149, %sub3A_151 : vector<512x1024xi32>
      %select_n3A_153 = arith.select %and3A_139, %sub3A_152, %or3A_149 : vector<512x1024xi1>, vector<512x1024xi32>
      %reduce_min3A_154 = arith.constant dense<2147483647> : vector<1024xi32>
      %reduce_min3A_155 = vector.multi_reduction <minsi>, %select_n3A_153, %reduce_min3A_154 [0] : vector<512x1024xi32> to vector<1024xi32>
      %broadcast_in_dim3A_156 = vector.shape_cast %reduce_min3A_155 : vector<1024xi32> to vector<1x1024xi32>
      %min3A_157 = arith.minsi %min3A, %broadcast_in_dim3A_156 : vector<1x1024xi32>
      %get3A_158 = arith.constant 1024 : index
      %get3A_159 = arith.constant 0 : index
      %get3A_160 = vector.load %arg7[%get3A_158, %get3A_159] : memref<8192x3xbf16, #tpu.memory_space<vmem>>, vector<512x3xbf16>
      %dot_general3A_161 = arith.constant dense<0.000000e+00> : vector<512x1024xf32>
      %dot_general3A_162 = tpu.matmul %get3A_160, %get3A_71, %dot_general3A_161 {dimension_numbers = #tpu.dot_dimension_numbers<[1], [0], [0], [1], [0, 0, 1, 1], [], []>, transpose_lhs_hint = false} : vector<512x3xbf16>, vector<3x1024xbf16>, vector<512x1024xf32> -> vector<512x1024xf32>
      %get3A_163 = arith.constant 1024 : index
      %get3A_164 = arith.constant 0 : index
      %get3A_165 = vector.load %arg8[%get3A_163, %get3A_164] : memref<8192x3xbf16, #tpu.memory_space<vmem>>, vector<512x3xbf16>
      %dot_general3A_166 = arith.constant dense<0.000000e+00> : vector<512x1024xf32>
      %dot_general3A_167 = tpu.matmul %get3A_165, %get3A_74, %dot_general3A_166 {dimension_numbers = #tpu.dot_dimension_numbers<[1], [0], [0], [1], [0, 0, 1, 1], [], []>, transpose_lhs_hint = false} : vector<512x3xbf16>, vector<3x1024xbf16>, vector<512x1024xf32> -> vector<512x1024xf32>
      %get3A_168 = arith.constant 1024 : index
      %get3A_169 = arith.constant 0 : index
      %get3A_170 = vector.load %arg9[%get3A_168, %get3A_169] : memref<8192x1xf32, #tpu.memory_space<vmem>>, vector<512x1xf32>
      %add3A_171 = vector.broadcast %get3A_170 : vector<512x1xf32> to vector<512x1024xf32>
      %add3A_172 = arith.addf %dot_general3A_162, %add3A_171 : vector<512x1024xf32>
      %add3A_173 = vector.broadcast %get3A_77 : vector<1x1024xf32> to vector<512x1024xf32>
      %add3A_174 = arith.addf %add3A_172, %add3A_173 : vector<512x1024xf32>
      %max3A_175 = arith.constant 0.000000e+00 : f32
      %max3A_176 = vector.broadcast %max3A_175 : f32 to vector<512x1024xf32>
      %max3A_177 = arith.maximumf %add3A_174, %max3A_176 : vector<512x1024xf32>
      %lt3A_178 = arith.constant 2.500000e-03 : f32
      %lt3A_179 = vector.broadcast %lt3A_178 : f32 to vector<512x1024xf32>
      %lt3A_180 = arith.cmpf olt, %max3A_177, %lt3A_179 : vector<512x1024xf32>
      %gt3A_181 = arith.constant 0.965925812 : f32
      %gt3A_182 = vector.broadcast %gt3A_181 : f32 to vector<512x1024xf32>
      %gt3A_183 = arith.cmpf ogt, %dot_general3A_167, %gt3A_182 : vector<512x1024xf32>
      %and3A_184 = arith.andi %lt3A_180, %gt3A_183 : vector<512x1024xi1>
      %bitcast_convert_type3A_185 = tpu.bitcast %max3A_177 : vector<512x1024xf32> -> vector<512x1024xi32>
      %iota3A_186 = tpu.iota {dimensions = array<i32: 0>} : vector<512x1xi32>
      %add3A_187 = arith.constant 1024 : i32
      %add3A_188 = vector.broadcast %add3A_187 : i32 to vector<512x1xi32>
      %add3A_189 = arith.addi %iota3A_186, %add3A_188 : vector<512x1xi32>
      %and3A_190 = arith.constant -8192 : i32
      %and3A_191 = vector.broadcast %and3A_190 : i32 to vector<512x1024xi32>
      %and3A_192 = arith.andi %bitcast_convert_type3A_185, %and3A_191 : vector<512x1024xi32>
      %or3A_193 = vector.broadcast %add3A_189 : vector<512x1xi32> to vector<512x1024xi32>
      %or3A_194 = arith.ori %and3A_192, %or3A_193 : vector<512x1024xi32>
      %sub3A_195 = arith.constant 1610612736 : i32
      %sub3A_196 = vector.broadcast %sub3A_195 : i32 to vector<512x1024xi32>
      %sub3A_197 = arith.subi %or3A_194, %sub3A_196 : vector<512x1024xi32>
      %select_n3A_198 = arith.select %and3A_184, %sub3A_197, %or3A_194 : vector<512x1024xi1>, vector<512x1024xi32>
      %reduce_min3A_199 = arith.constant dense<2147483647> : vector<1024xi32>
      %reduce_min3A_200 = vector.multi_reduction <minsi>, %select_n3A_198, %reduce_min3A_199 [0] : vector<512x1024xi32> to vector<1024xi32>
      %broadcast_in_dim3A_201 = vector.shape_cast %reduce_min3A_200 : vector<1024xi32> to vector<1x1024xi32>
      %min3A_202 = arith.minsi %min3A_157, %broadcast_in_dim3A_201 : vector<1x1024xi32>
      %get3A_203 = arith.constant 1536 : index
      %get3A_204 = arith.constant 0 : index
      %get3A_205 = vector.load %arg7[%get3A_203, %get3A_204] : memref<8192x3xbf16, #tpu.memory_space<vmem>>, vector<512x3xbf16>
      %dot_general3A_206 = arith.constant dense<0.000000e+00> : vector<512x1024xf32>
      %dot_general3A_207 = tpu.matmul %get3A_205, %get3A_71, %dot_general3A_206 {dimension_numbers = #tpu.dot_dimension_numbers<[1], [0], [0], [1], [0, 0, 1, 1], [], []>, transpose_lhs_hint = false} : vector<512x3xbf16>, vector<3x1024xbf16>, vector<512x1024xf32> -> vector<512x1024xf32>
      %get3A_208 = arith.constant 1536 : index
      %get3A_209 = arith.constant 0 : index
      %get3A_210 = vector.load %arg8[%get3A_208, %get3A_209] : memref<8192x3xbf16, #tpu.memory_space<vmem>>, vector<512x3xbf16>
      %dot_general3A_211 = arith.constant dense<0.000000e+00> : vector<512x1024xf32>
      %dot_general3A_212 = tpu.matmul %get3A_210, %get3A_74, %dot_general3A_211 {dimension_numbers = #tpu.dot_dimension_numbers<[1], [0], [0], [1], [0, 0, 1, 1], [], []>, transpose_lhs_hint = false} : vector<512x3xbf16>, vector<3x1024xbf16>, vector<512x1024xf32> -> vector<512x1024xf32>
      %get3A_213 = arith.constant 1536 : index
      %get3A_214 = arith.constant 0 : index
      %get3A_215 = vector.load %arg9[%get3A_213, %get3A_214] : memref<8192x1xf32, #tpu.memory_space<vmem>>, vector<512x1xf32>
      %add3A_216 = vector.broadcast %get3A_215 : vector<512x1xf32> to vector<512x1024xf32>
      %add3A_217 = arith.addf %dot_general3A_207, %add3A_216 : vector<512x1024xf32>
      %add3A_218 = vector.broadcast %get3A_77 : vector<1x1024xf32> to vector<512x1024xf32>
      %add3A_219 = arith.addf %add3A_217, %add3A_218 : vector<512x1024xf32>
      %max3A_220 = arith.constant 0.000000e+00 : f32
      %max3A_221 = vector.broadcast %max3A_220 : f32 to vector<512x1024xf32>
      %max3A_222 = arith.maximumf %add3A_219, %max3A_221 : vector<512x1024xf32>
      %lt3A_223 = arith.constant 2.500000e-03 : f32
      %lt3A_224 = vector.broadcast %lt3A_223 : f32 to vector<512x1024xf32>
      %lt3A_225 = arith.cmpf olt, %max3A_222, %lt3A_224 : vector<512x1024xf32>
      %gt3A_226 = arith.constant 0.965925812 : f32
      %gt3A_227 = vector.broadcast %gt3A_226 : f32 to vector<512x1024xf32>
      %gt3A_228 = arith.cmpf ogt, %dot_general3A_212, %gt3A_227 : vector<512x1024xf32>
      %and3A_229 = arith.andi %lt3A_225, %gt3A_228 : vector<512x1024xi1>
      %bitcast_convert_type3A_230 = tpu.bitcast %max3A_222 : vector<512x1024xf32> -> vector<512x1024xi32>
      %iota3A_231 = tpu.iota {dimensions = array<i32: 0>} : vector<512x1xi32>
      %add3A_232 = arith.constant 1536 : i32
      %add3A_233 = vector.broadcast %add3A_232 : i32 to vector<512x1xi32>
      %add3A_234 = arith.addi %iota3A_231, %add3A_233 : vector<512x1xi32>
      %and3A_235 = arith.constant -8192 : i32
      %and3A_236 = vector.broadcast %and3A_235 : i32 to vector<512x1024xi32>
      %and3A_237 = arith.andi %bitcast_convert_type3A_230, %and3A_236 : vector<512x1024xi32>
      %or3A_238 = vector.broadcast %add3A_234 : vector<512x1xi32> to vector<512x1024xi32>
      %or3A_239 = arith.ori %and3A_237, %or3A_238 : vector<512x1024xi32>
      %sub3A_240 = arith.constant 1610612736 : i32
      %sub3A_241 = vector.broadcast %sub3A_240 : i32 to vector<512x1024xi32>
      %sub3A_242 = arith.subi %or3A_239, %sub3A_241 : vector<512x1024xi32>
      %select_n3A_243 = arith.select %and3A_229, %sub3A_242, %or3A_239 : vector<512x1024xi1>, vector<512x1024xi32>
      %reduce_min3A_244 = arith.constant dense<2147483647> : vector<1024xi32>
      %reduce_min3A_245 = vector.multi_reduction <minsi>, %select_n3A_243, %reduce_min3A_244 [0] : vector<512x1024xi32> to vector<1024xi32>
      %broadcast_in_dim3A_246 = vector.shape_cast %reduce_min3A_245 : vector<1024xi32> to vector<1x1024xi32>
      %min3A_247 = arith.minsi %min3A_202, %broadcast_in_dim3A_246 : vector<1x1024xi32>
      %get3A_248 = arith.constant 2048 : index
      %get3A_249 = arith.constant 0 : index
      %get3A_250 = vector.load %arg7[%get3A_248, %get3A_249] : memref<8192x3xbf16, #tpu.memory_space<vmem>>, vector<512x3xbf16>
      %dot_general3A_251 = arith.constant dense<0.000000e+00> : vector<512x1024xf32>
      %dot_general3A_252 = tpu.matmul %get3A_250, %get3A_71, %dot_general3A_251 {dimension_numbers = #tpu.dot_dimension_numbers<[1], [0], [0], [1], [0, 0, 1, 1], [], []>, transpose_lhs_hint = false} : vector<512x3xbf16>, vector<3x1024xbf16>, vector<512x1024xf32> -> vector<512x1024xf32>
      %get3A_253 = arith.constant 2048 : index
      %get3A_254 = arith.constant 0 : index
      %get3A_255 = vector.load %arg8[%get3A_253, %get3A_254] : memref<8192x3xbf16, #tpu.memory_space<vmem>>, vector<512x3xbf16>
      %dot_general3A_256 = arith.constant dense<0.000000e+00> : vector<512x1024xf32>
      %dot_general3A_257 = tpu.matmul %get3A_255, %get3A_74, %dot_general3A_256 {dimension_numbers = #tpu.dot_dimension_numbers<[1], [0], [0], [1], [0, 0, 1, 1], [], []>, transpose_lhs_hint = false} : vector<512x3xbf16>, vector<3x1024xbf16>, vector<512x1024xf32> -> vector<512x1024xf32>
      %get3A_258 = arith.constant 2048 : index
      %get3A_259 = arith.constant 0 : index
      %get3A_260 = vector.load %arg9[%get3A_258, %get3A_259] : memref<8192x1xf32, #tpu.memory_space<vmem>>, vector<512x1xf32>
      %add3A_261 = vector.broadcast %get3A_260 : vector<512x1xf32> to vector<512x1024xf32>
      %add3A_262 = arith.addf %dot_general3A_252, %add3A_261 : vector<512x1024xf32>
      %add3A_263 = vector.broadcast %get3A_77 : vector<1x1024xf32> to vector<512x1024xf32>
      %add3A_264 = arith.addf %add3A_262, %add3A_263 : vector<512x1024xf32>
      %max3A_265 = arith.constant 0.000000e+00 : f32
      %max3A_266 = vector.broadcast %max3A_265 : f32 to vector<512x1024xf32>
      %max3A_267 = arith.maximumf %add3A_264, %max3A_266 : vector<512x1024xf32>
      %lt3A_268 = arith.constant 2.500000e-03 : f32
      %lt3A_269 = vector.broadcast %lt3A_268 : f32 to vector<512x1024xf32>
      %lt3A_270 = arith.cmpf olt, %max3A_267, %lt3A_269 : vector<512x1024xf32>
      %gt3A_271 = arith.constant 0.965925812 : f32
      %gt3A_272 = vector.broadcast %gt3A_271 : f32 to vector<512x1024xf32>
      %gt3A_273 = arith.cmpf ogt, %dot_general3A_257, %gt3A_272 : vector<512x1024xf32>
      %and3A_274 = arith.andi %lt3A_270, %gt3A_273 : vector<512x1024xi1>
      %bitcast_convert_type3A_275 = tpu.bitcast %max3A_267 : vector<512x1024xf32> -> vector<512x1024xi32>
      %iota3A_276 = tpu.iota {dimensions = array<i32: 0>} : vector<512x1xi32>
      %add3A_277 = arith.constant 2048 : i32
      %add3A_278 = vector.broadcast %add3A_277 : i32 to vector<512x1xi32>
      %add3A_279 = arith.addi %iota3A_276, %add3A_278 : vector<512x1xi32>
      %and3A_280 = arith.constant -8192 : i32
      %and3A_281 = vector.broadcast %and3A_280 : i32 to vector<512x1024xi32>
      %and3A_282 = arith.andi %bitcast_convert_type3A_275, %and3A_281 : vector<512x1024xi32>
      %or3A_283 = vector.broadcast %add3A_279 : vector<512x1xi32> to vector<512x1024xi32>
      %or3A_284 = arith.ori %and3A_282, %or3A_283 : vector<512x1024xi32>
      %sub3A_285 = arith.constant 1610612736 : i32
      %sub3A_286 = vector.broadcast %sub3A_285 : i32 to vector<512x1024xi32>
      %sub3A_287 = arith.subi %or3A_284, %sub3A_286 : vector<512x1024xi32>
      %select_n3A_288 = arith.select %and3A_274, %sub3A_287, %or3A_284 : vector<512x1024xi1>, vector<512x1024xi32>
      %reduce_min3A_289 = arith.constant dense<2147483647> : vector<1024xi32>
      %reduce_min3A_290 = vector.multi_reduction <minsi>, %select_n3A_288, %reduce_min3A_289 [0] : vector<512x1024xi32> to vector<1024xi32>
      %broadcast_in_dim3A_291 = vector.shape_cast %reduce_min3A_290 : vector<1024xi32> to vector<1x1024xi32>
      %min3A_292 = arith.minsi %min3A_247, %broadcast_in_dim3A_291 : vector<1x1024xi32>
      %get3A_293 = arith.constant 2560 : index
      %get3A_294 = arith.constant 0 : index
      %get3A_295 = vector.load %arg7[%get3A_293, %get3A_294] : memref<8192x3xbf16, #tpu.memory_space<vmem>>, vector<512x3xbf16>
      %dot_general3A_296 = arith.constant dense<0.000000e+00> : vector<512x1024xf32>
      %dot_general3A_297 = tpu.matmul %get3A_295, %get3A_71, %dot_general3A_296 {dimension_numbers = #tpu.dot_dimension_numbers<[1], [0], [0], [1], [0, 0, 1, 1], [], []>, transpose_lhs_hint = false} : vector<512x3xbf16>, vector<3x1024xbf16>, vector<512x1024xf32> -> vector<512x1024xf32>
      %get3A_298 = arith.constant 2560 : index
      %get3A_299 = arith.constant 0 : index
      %get3A_300 = vector.load %arg8[%get3A_298, %get3A_299] : memref<8192x3xbf16, #tpu.memory_space<vmem>>, vector<512x3xbf16>
      %dot_general3A_301 = arith.constant dense<0.000000e+00> : vector<512x1024xf32>
      %dot_general3A_302 = tpu.matmul %get3A_300, %get3A_74, %dot_general3A_301 {dimension_numbers = #tpu.dot_dimension_numbers<[1], [0], [0], [1], [0, 0, 1, 1], [], []>, transpose_lhs_hint = false} : vector<512x3xbf16>, vector<3x1024xbf16>, vector<512x1024xf32> -> vector<512x1024xf32>
      %get3A_303 = arith.constant 2560 : index
      %get3A_304 = arith.constant 0 : index
      %get3A_305 = vector.load %arg9[%get3A_303, %get3A_304] : memref<8192x1xf32, #tpu.memory_space<vmem>>, vector<512x1xf32>
      %add3A_306 = vector.broadcast %get3A_305 : vector<512x1xf32> to vector<512x1024xf32>
      %add3A_307 = arith.addf %dot_general3A_297, %add3A_306 : vector<512x1024xf32>
      %add3A_308 = vector.broadcast %get3A_77 : vector<1x1024xf32> to vector<512x1024xf32>
      %add3A_309 = arith.addf %add3A_307, %add3A_308 : vector<512x1024xf32>
      %max3A_310 = arith.constant 0.000000e+00 : f32
      %max3A_311 = vector.broadcast %max3A_310 : f32 to vector<512x1024xf32>
      %max3A_312 = arith.maximumf %add3A_309, %max3A_311 : vector<512x1024xf32>
      %lt3A_313 = arith.constant 2.500000e-03 : f32
      %lt3A_314 = vector.broadcast %lt3A_313 : f32 to vector<512x1024xf32>
      %lt3A_315 = arith.cmpf olt, %max3A_312, %lt3A_314 : vector<512x1024xf32>
      %gt3A_316 = arith.constant 0.965925812 : f32
      %gt3A_317 = vector.broadcast %gt3A_316 : f32 to vector<512x1024xf32>
      %gt3A_318 = arith.cmpf ogt, %dot_general3A_302, %gt3A_317 : vector<512x1024xf32>
      %and3A_319 = arith.andi %lt3A_315, %gt3A_318 : vector<512x1024xi1>
      %bitcast_convert_type3A_320 = tpu.bitcast %max3A_312 : vector<512x1024xf32> -> vector<512x1024xi32>
      %iota3A_321 = tpu.iota {dimensions = array<i32: 0>} : vector<512x1xi32>
      %add3A_322 = arith.constant 2560 : i32
      %add3A_323 = vector.broadcast %add3A_322 : i32 to vector<512x1xi32>
      %add3A_324 = arith.addi %iota3A_321, %add3A_323 : vector<512x1xi32>
      %and3A_325 = arith.constant -8192 : i32
      %and3A_326 = vector.broadcast %and3A_325 : i32 to vector<512x1024xi32>
      %and3A_327 = arith.andi %bitcast_convert_type3A_320, %and3A_326 : vector<512x1024xi32>
      %or3A_328 = vector.broadcast %add3A_324 : vector<512x1xi32> to vector<512x1024xi32>
      %or3A_329 = arith.ori %and3A_327, %or3A_328 : vector<512x1024xi32>
      %sub3A_330 = arith.constant 1610612736 : i32
      %sub3A_331 = vector.broadcast %sub3A_330 : i32 to vector<512x1024xi32>
      %sub3A_332 = arith.subi %or3A_329, %sub3A_331 : vector<512x1024xi32>
      %select_n3A_333 = arith.select %and3A_319, %sub3A_332, %or3A_329 : vector<512x1024xi1>, vector<512x1024xi32>
      %reduce_min3A_334 = arith.constant dense<2147483647> : vector<1024xi32>
      %reduce_min3A_335 = vector.multi_reduction <minsi>, %select_n3A_333, %reduce_min3A_334 [0] : vector<512x1024xi32> to vector<1024xi32>
      %broadcast_in_dim3A_336 = vector.shape_cast %reduce_min3A_335 : vector<1024xi32> to vector<1x1024xi32>
      %min3A_337 = arith.minsi %min3A_292, %broadcast_in_dim3A_336 : vector<1x1024xi32>
      %get3A_338 = arith.constant 3072 : index
      %get3A_339 = arith.constant 0 : index
      %get3A_340 = vector.load %arg7[%get3A_338, %get3A_339] : memref<8192x3xbf16, #tpu.memory_space<vmem>>, vector<512x3xbf16>
      %dot_general3A_341 = arith.constant dense<0.000000e+00> : vector<512x1024xf32>
      %dot_general3A_342 = tpu.matmul %get3A_340, %get3A_71, %dot_general3A_341 {dimension_numbers = #tpu.dot_dimension_numbers<[1], [0], [0], [1], [0, 0, 1, 1], [], []>, transpose_lhs_hint = false} : vector<512x3xbf16>, vector<3x1024xbf16>, vector<512x1024xf32> -> vector<512x1024xf32>
      %get3A_343 = arith.constant 3072 : index
      %get3A_344 = arith.constant 0 : index
      %get3A_345 = vector.load %arg8[%get3A_343, %get3A_344] : memref<8192x3xbf16, #tpu.memory_space<vmem>>, vector<512x3xbf16>
      %dot_general3A_346 = arith.constant dense<0.000000e+00> : vector<512x1024xf32>
      %dot_general3A_347 = tpu.matmul %get3A_345, %get3A_74, %dot_general3A_346 {dimension_numbers = #tpu.dot_dimension_numbers<[1], [0], [0], [1], [0, 0, 1, 1], [], []>, transpose_lhs_hint = false} : vector<512x3xbf16>, vector<3x1024xbf16>, vector<512x1024xf32> -> vector<512x1024xf32>
      %get3A_348 = arith.constant 3072 : index
      %get3A_349 = arith.constant 0 : index
      %get3A_350 = vector.load %arg9[%get3A_348, %get3A_349] : memref<8192x1xf32, #tpu.memory_space<vmem>>, vector<512x1xf32>
      %add3A_351 = vector.broadcast %get3A_350 : vector<512x1xf32> to vector<512x1024xf32>
      %add3A_352 = arith.addf %dot_general3A_342, %add3A_351 : vector<512x1024xf32>
      %add3A_353 = vector.broadcast %get3A_77 : vector<1x1024xf32> to vector<512x1024xf32>
      %add3A_354 = arith.addf %add3A_352, %add3A_353 : vector<512x1024xf32>
      %max3A_355 = arith.constant 0.000000e+00 : f32
      %max3A_356 = vector.broadcast %max3A_355 : f32 to vector<512x1024xf32>
      %max3A_357 = arith.maximumf %add3A_354, %max3A_356 : vector<512x1024xf32>
      %lt3A_358 = arith.constant 2.500000e-03 : f32
      %lt3A_359 = vector.broadcast %lt3A_358 : f32 to vector<512x1024xf32>
      %lt3A_360 = arith.cmpf olt, %max3A_357, %lt3A_359 : vector<512x1024xf32>
      %gt3A_361 = arith.constant 0.965925812 : f32
      %gt3A_362 = vector.broadcast %gt3A_361 : f32 to vector<512x1024xf32>
      %gt3A_363 = arith.cmpf ogt, %dot_general3A_347, %gt3A_362 : vector<512x1024xf32>
      %and3A_364 = arith.andi %lt3A_360, %gt3A_363 : vector<512x1024xi1>
      %bitcast_convert_type3A_365 = tpu.bitcast %max3A_357 : vector<512x1024xf32> -> vector<512x1024xi32>
      %iota3A_366 = tpu.iota {dimensions = array<i32: 0>} : vector<512x1xi32>
      %add3A_367 = arith.constant 3072 : i32
      %add3A_368 = vector.broadcast %add3A_367 : i32 to vector<512x1xi32>
      %add3A_369 = arith.addi %iota3A_366, %add3A_368 : vector<512x1xi32>
      %and3A_370 = arith.constant -8192 : i32
      %and3A_371 = vector.broadcast %and3A_370 : i32 to vector<512x1024xi32>
      %and3A_372 = arith.andi %bitcast_convert_type3A_365, %and3A_371 : vector<512x1024xi32>
      %or3A_373 = vector.broadcast %add3A_369 : vector<512x1xi32> to vector<512x1024xi32>
      %or3A_374 = arith.ori %and3A_372, %or3A_373 : vector<512x1024xi32>
      %sub3A_375 = arith.constant 1610612736 : i32
      %sub3A_376 = vector.broadcast %sub3A_375 : i32 to vector<512x1024xi32>
      %sub3A_377 = arith.subi %or3A_374, %sub3A_376 : vector<512x1024xi32>
      %select_n3A_378 = arith.select %and3A_364, %sub3A_377, %or3A_374 : vector<512x1024xi1>, vector<512x1024xi32>
      %reduce_min3A_379 = arith.constant dense<2147483647> : vector<1024xi32>
      %reduce_min3A_380 = vector.multi_reduction <minsi>, %select_n3A_378, %reduce_min3A_379 [0] : vector<512x1024xi32> to vector<1024xi32>
      %broadcast_in_dim3A_381 = vector.shape_cast %reduce_min3A_380 : vector<1024xi32> to vector<1x1024xi32>
      %min3A_382 = arith.minsi %min3A_337, %broadcast_in_dim3A_381 : vector<1x1024xi32>
      %get3A_383 = arith.constant 3584 : index
      %get3A_384 = arith.constant 0 : index
      %get3A_385 = vector.load %arg7[%get3A_383, %get3A_384] : memref<8192x3xbf16, #tpu.memory_space<vmem>>, vector<512x3xbf16>
      %dot_general3A_386 = arith.constant dense<0.000000e+00> : vector<512x1024xf32>
      %dot_general3A_387 = tpu.matmul %get3A_385, %get3A_71, %dot_general3A_386 {dimension_numbers = #tpu.dot_dimension_numbers<[1], [0], [0], [1], [0, 0, 1, 1], [], []>, transpose_lhs_hint = false} : vector<512x3xbf16>, vector<3x1024xbf16>, vector<512x1024xf32> -> vector<512x1024xf32>
      %get3A_388 = arith.constant 3584 : index
      %get3A_389 = arith.constant 0 : index
      %get3A_390 = vector.load %arg8[%get3A_388, %get3A_389] : memref<8192x3xbf16, #tpu.memory_space<vmem>>, vector<512x3xbf16>
      %dot_general3A_391 = arith.constant dense<0.000000e+00> : vector<512x1024xf32>
      %dot_general3A_392 = tpu.matmul %get3A_390, %get3A_74, %dot_general3A_391 {dimension_numbers = #tpu.dot_dimension_numbers<[1], [0], [0], [1], [0, 0, 1, 1], [], []>, transpose_lhs_hint = false} : vector<512x3xbf16>, vector<3x1024xbf16>, vector<512x1024xf32> -> vector<512x1024xf32>
      %get3A_393 = arith.constant 3584 : index
      %get3A_394 = arith.constant 0 : index
      %get3A_395 = vector.load %arg9[%get3A_393, %get3A_394] : memref<8192x1xf32, #tpu.memory_space<vmem>>, vector<512x1xf32>
      %add3A_396 = vector.broadcast %get3A_395 : vector<512x1xf32> to vector<512x1024xf32>
      %add3A_397 = arith.addf %dot_general3A_387, %add3A_396 : vector<512x1024xf32>
      %add3A_398 = vector.broadcast %get3A_77 : vector<1x1024xf32> to vector<512x1024xf32>
      %add3A_399 = arith.addf %add3A_397, %add3A_398 : vector<512x1024xf32>
      %max3A_400 = arith.constant 0.000000e+00 : f32
      %max3A_401 = vector.broadcast %max3A_400 : f32 to vector<512x1024xf32>
      %max3A_402 = arith.maximumf %add3A_399, %max3A_401 : vector<512x1024xf32>
      %lt3A_403 = arith.constant 2.500000e-03 : f32
      %lt3A_404 = vector.broadcast %lt3A_403 : f32 to vector<512x1024xf32>
      %lt3A_405 = arith.cmpf olt, %max3A_402, %lt3A_404 : vector<512x1024xf32>
      %gt3A_406 = arith.constant 0.965925812 : f32
      %gt3A_407 = vector.broadcast %gt3A_406 : f32 to vector<512x1024xf32>
      %gt3A_408 = arith.cmpf ogt, %dot_general3A_392, %gt3A_407 : vector<512x1024xf32>
      %and3A_409 = arith.andi %lt3A_405, %gt3A_408 : vector<512x1024xi1>
      %bitcast_convert_type3A_410 = tpu.bitcast %max3A_402 : vector<512x1024xf32> -> vector<512x1024xi32>
      %iota3A_411 = tpu.iota {dimensions = array<i32: 0>} : vector<512x1xi32>
      %add3A_412 = arith.constant 3584 : i32
      %add3A_413 = vector.broadcast %add3A_412 : i32 to vector<512x1xi32>
      %add3A_414 = arith.addi %iota3A_411, %add3A_413 : vector<512x1xi32>
      %and3A_415 = arith.constant -8192 : i32
      %and3A_416 = vector.broadcast %and3A_415 : i32 to vector<512x1024xi32>
      %and3A_417 = arith.andi %bitcast_convert_type3A_410, %and3A_416 : vector<512x1024xi32>
      %or3A_418 = vector.broadcast %add3A_414 : vector<512x1xi32> to vector<512x1024xi32>
      %or3A_419 = arith.ori %and3A_417, %or3A_418 : vector<512x1024xi32>
      %sub3A_420 = arith.constant 1610612736 : i32
      %sub3A_421 = vector.broadcast %sub3A_420 : i32 to vector<512x1024xi32>
      %sub3A_422 = arith.subi %or3A_419, %sub3A_421 : vector<512x1024xi32>
      %select_n3A_423 = arith.select %and3A_409, %sub3A_422, %or3A_419 : vector<512x1024xi1>, vector<512x1024xi32>
      %reduce_min3A_424 = arith.constant dense<2147483647> : vector<1024xi32>
      %reduce_min3A_425 = vector.multi_reduction <minsi>, %select_n3A_423, %reduce_min3A_424 [0] : vector<512x1024xi32> to vector<1024xi32>
      %broadcast_in_dim3A_426 = vector.shape_cast %reduce_min3A_425 : vector<1024xi32> to vector<1x1024xi32>
      %min3A_427 = arith.minsi %min3A_382, %broadcast_in_dim3A_426 : vector<1x1024xi32>
      %get3A_428 = arith.constant 4096 : index
      %get3A_429 = arith.constant 0 : index
      %get3A_430 = vector.load %arg7[%get3A_428, %get3A_429] : memref<8192x3xbf16, #tpu.memory_space<vmem>>, vector<512x3xbf16>
      %dot_general3A_431 = arith.constant dense<0.000000e+00> : vector<512x1024xf32>
      %dot_general3A_432 = tpu.matmul %get3A_430, %get3A_71, %dot_general3A_431 {dimension_numbers = #tpu.dot_dimension_numbers<[1], [0], [0], [1], [0, 0, 1, 1], [], []>, transpose_lhs_hint = false} : vector<512x3xbf16>, vector<3x1024xbf16>, vector<512x1024xf32> -> vector<512x1024xf32>
      %get3A_433 = arith.constant 4096 : index
      %get3A_434 = arith.constant 0 : index
      %get3A_435 = vector.load %arg8[%get3A_433, %get3A_434] : memref<8192x3xbf16, #tpu.memory_space<vmem>>, vector<512x3xbf16>
      %dot_general3A_436 = arith.constant dense<0.000000e+00> : vector<512x1024xf32>
      %dot_general3A_437 = tpu.matmul %get3A_435, %get3A_74, %dot_general3A_436 {dimension_numbers = #tpu.dot_dimension_numbers<[1], [0], [0], [1], [0, 0, 1, 1], [], []>, transpose_lhs_hint = false} : vector<512x3xbf16>, vector<3x1024xbf16>, vector<512x1024xf32> -> vector<512x1024xf32>
      %get3A_438 = arith.constant 4096 : index
      %get3A_439 = arith.constant 0 : index
      %get3A_440 = vector.load %arg9[%get3A_438, %get3A_439] : memref<8192x1xf32, #tpu.memory_space<vmem>>, vector<512x1xf32>
      %add3A_441 = vector.broadcast %get3A_440 : vector<512x1xf32> to vector<512x1024xf32>
      %add3A_442 = arith.addf %dot_general3A_432, %add3A_441 : vector<512x1024xf32>
      %add3A_443 = vector.broadcast %get3A_77 : vector<1x1024xf32> to vector<512x1024xf32>
      %add3A_444 = arith.addf %add3A_442, %add3A_443 : vector<512x1024xf32>
      %max3A_445 = arith.constant 0.000000e+00 : f32
      %max3A_446 = vector.broadcast %max3A_445 : f32 to vector<512x1024xf32>
      %max3A_447 = arith.maximumf %add3A_444, %max3A_446 : vector<512x1024xf32>
      %lt3A_448 = arith.constant 2.500000e-03 : f32
      %lt3A_449 = vector.broadcast %lt3A_448 : f32 to vector<512x1024xf32>
      %lt3A_450 = arith.cmpf olt, %max3A_447, %lt3A_449 : vector<512x1024xf32>
      %gt3A_451 = arith.constant 0.965925812 : f32
      %gt3A_452 = vector.broadcast %gt3A_451 : f32 to vector<512x1024xf32>
      %gt3A_453 = arith.cmpf ogt, %dot_general3A_437, %gt3A_452 : vector<512x1024xf32>
      %and3A_454 = arith.andi %lt3A_450, %gt3A_453 : vector<512x1024xi1>
      %bitcast_convert_type3A_455 = tpu.bitcast %max3A_447 : vector<512x1024xf32> -> vector<512x1024xi32>
      %iota3A_456 = tpu.iota {dimensions = array<i32: 0>} : vector<512x1xi32>
      %add3A_457 = arith.constant 4096 : i32
      %add3A_458 = vector.broadcast %add3A_457 : i32 to vector<512x1xi32>
      %add3A_459 = arith.addi %iota3A_456, %add3A_458 : vector<512x1xi32>
      %and3A_460 = arith.constant -8192 : i32
      %and3A_461 = vector.broadcast %and3A_460 : i32 to vector<512x1024xi32>
      %and3A_462 = arith.andi %bitcast_convert_type3A_455, %and3A_461 : vector<512x1024xi32>
      %or3A_463 = vector.broadcast %add3A_459 : vector<512x1xi32> to vector<512x1024xi32>
      %or3A_464 = arith.ori %and3A_462, %or3A_463 : vector<512x1024xi32>
      %sub3A_465 = arith.constant 1610612736 : i32
      %sub3A_466 = vector.broadcast %sub3A_465 : i32 to vector<512x1024xi32>
      %sub3A_467 = arith.subi %or3A_464, %sub3A_466 : vector<512x1024xi32>
      %select_n3A_468 = arith.select %and3A_454, %sub3A_467, %or3A_464 : vector<512x1024xi1>, vector<512x1024xi32>
      %reduce_min3A_469 = arith.constant dense<2147483647> : vector<1024xi32>
      %reduce_min3A_470 = vector.multi_reduction <minsi>, %select_n3A_468, %reduce_min3A_469 [0] : vector<512x1024xi32> to vector<1024xi32>
      %broadcast_in_dim3A_471 = vector.shape_cast %reduce_min3A_470 : vector<1024xi32> to vector<1x1024xi32>
      %min3A_472 = arith.minsi %min3A_427, %broadcast_in_dim3A_471 : vector<1x1024xi32>
      %get3A_473 = arith.constant 4608 : index
      %get3A_474 = arith.constant 0 : index
      %get3A_475 = vector.load %arg7[%get3A_473, %get3A_474] : memref<8192x3xbf16, #tpu.memory_space<vmem>>, vector<512x3xbf16>
      %dot_general3A_476 = arith.constant dense<0.000000e+00> : vector<512x1024xf32>
      %dot_general3A_477 = tpu.matmul %get3A_475, %get3A_71, %dot_general3A_476 {dimension_numbers = #tpu.dot_dimension_numbers<[1], [0], [0], [1], [0, 0, 1, 1], [], []>, transpose_lhs_hint = false} : vector<512x3xbf16>, vector<3x1024xbf16>, vector<512x1024xf32> -> vector<512x1024xf32>
      %get3A_478 = arith.constant 4608 : index
      %get3A_479 = arith.constant 0 : index
      %get3A_480 = vector.load %arg8[%get3A_478, %get3A_479] : memref<8192x3xbf16, #tpu.memory_space<vmem>>, vector<512x3xbf16>
      %dot_general3A_481 = arith.constant dense<0.000000e+00> : vector<512x1024xf32>
      %dot_general3A_482 = tpu.matmul %get3A_480, %get3A_74, %dot_general3A_481 {dimension_numbers = #tpu.dot_dimension_numbers<[1], [0], [0], [1], [0, 0, 1, 1], [], []>, transpose_lhs_hint = false} : vector<512x3xbf16>, vector<3x1024xbf16>, vector<512x1024xf32> -> vector<512x1024xf32>
      %get3A_483 = arith.constant 4608 : index
      %get3A_484 = arith.constant 0 : index
      %get3A_485 = vector.load %arg9[%get3A_483, %get3A_484] : memref<8192x1xf32, #tpu.memory_space<vmem>>, vector<512x1xf32>
      %add3A_486 = vector.broadcast %get3A_485 : vector<512x1xf32> to vector<512x1024xf32>
      %add3A_487 = arith.addf %dot_general3A_477, %add3A_486 : vector<512x1024xf32>
      %add3A_488 = vector.broadcast %get3A_77 : vector<1x1024xf32> to vector<512x1024xf32>
      %add3A_489 = arith.addf %add3A_487, %add3A_488 : vector<512x1024xf32>
      %max3A_490 = arith.constant 0.000000e+00 : f32
      %max3A_491 = vector.broadcast %max3A_490 : f32 to vector<512x1024xf32>
      %max3A_492 = arith.maximumf %add3A_489, %max3A_491 : vector<512x1024xf32>
      %lt3A_493 = arith.constant 2.500000e-03 : f32
      %lt3A_494 = vector.broadcast %lt3A_493 : f32 to vector<512x1024xf32>
      %lt3A_495 = arith.cmpf olt, %max3A_492, %lt3A_494 : vector<512x1024xf32>
      %gt3A_496 = arith.constant 0.965925812 : f32
      %gt3A_497 = vector.broadcast %gt3A_496 : f32 to vector<512x1024xf32>
      %gt3A_498 = arith.cmpf ogt, %dot_general3A_482, %gt3A_497 : vector<512x1024xf32>
      %and3A_499 = arith.andi %lt3A_495, %gt3A_498 : vector<512x1024xi1>
      %bitcast_convert_type3A_500 = tpu.bitcast %max3A_492 : vector<512x1024xf32> -> vector<512x1024xi32>
      %iota3A_501 = tpu.iota {dimensions = array<i32: 0>} : vector<512x1xi32>
      %add3A_502 = arith.constant 4608 : i32
      %add3A_503 = vector.broadcast %add3A_502 : i32 to vector<512x1xi32>
      %add3A_504 = arith.addi %iota3A_501, %add3A_503 : vector<512x1xi32>
      %and3A_505 = arith.constant -8192 : i32
      %and3A_506 = vector.broadcast %and3A_505 : i32 to vector<512x1024xi32>
      %and3A_507 = arith.andi %bitcast_convert_type3A_500, %and3A_506 : vector<512x1024xi32>
      %or3A_508 = vector.broadcast %add3A_504 : vector<512x1xi32> to vector<512x1024xi32>
      %or3A_509 = arith.ori %and3A_507, %or3A_508 : vector<512x1024xi32>
      %sub3A_510 = arith.constant 1610612736 : i32
      %sub3A_511 = vector.broadcast %sub3A_510 : i32 to vector<512x1024xi32>
      %sub3A_512 = arith.subi %or3A_509, %sub3A_511 : vector<512x1024xi32>
      %select_n3A_513 = arith.select %and3A_499, %sub3A_512, %or3A_509 : vector<512x1024xi1>, vector<512x1024xi32>
      %reduce_min3A_514 = arith.constant dense<2147483647> : vector<1024xi32>
      %reduce_min3A_515 = vector.multi_reduction <minsi>, %select_n3A_513, %reduce_min3A_514 [0] : vector<512x1024xi32> to vector<1024xi32>
      %broadcast_in_dim3A_516 = vector.shape_cast %reduce_min3A_515 : vector<1024xi32> to vector<1x1024xi32>
      %min3A_517 = arith.minsi %min3A_472, %broadcast_in_dim3A_516 : vector<1x1024xi32>
      %get3A_518 = arith.constant 5120 : index
      %get3A_519 = arith.constant 0 : index
      %get3A_520 = vector.load %arg7[%get3A_518, %get3A_519] : memref<8192x3xbf16, #tpu.memory_space<vmem>>, vector<512x3xbf16>
      %dot_general3A_521 = arith.constant dense<0.000000e+00> : vector<512x1024xf32>
      %dot_general3A_522 = tpu.matmul %get3A_520, %get3A_71, %dot_general3A_521 {dimension_numbers = #tpu.dot_dimension_numbers<[1], [0], [0], [1], [0, 0, 1, 1], [], []>, transpose_lhs_hint = false} : vector<512x3xbf16>, vector<3x1024xbf16>, vector<512x1024xf32> -> vector<512x1024xf32>
      %get3A_523 = arith.constant 5120 : index
      %get3A_524 = arith.constant 0 : index
      %get3A_525 = vector.load %arg8[%get3A_523, %get3A_524] : memref<8192x3xbf16, #tpu.memory_space<vmem>>, vector<512x3xbf16>
      %dot_general3A_526 = arith.constant dense<0.000000e+00> : vector<512x1024xf32>
      %dot_general3A_527 = tpu.matmul %get3A_525, %get3A_74, %dot_general3A_526 {dimension_numbers = #tpu.dot_dimension_numbers<[1], [0], [0], [1], [0, 0, 1, 1], [], []>, transpose_lhs_hint = false} : vector<512x3xbf16>, vector<3x1024xbf16>, vector<512x1024xf32> -> vector<512x1024xf32>
      %get3A_528 = arith.constant 5120 : index
      %get3A_529 = arith.constant 0 : index
      %get3A_530 = vector.load %arg9[%get3A_528, %get3A_529] : memref<8192x1xf32, #tpu.memory_space<vmem>>, vector<512x1xf32>
      %add3A_531 = vector.broadcast %get3A_530 : vector<512x1xf32> to vector<512x1024xf32>
      %add3A_532 = arith.addf %dot_general3A_522, %add3A_531 : vector<512x1024xf32>
      %add3A_533 = vector.broadcast %get3A_77 : vector<1x1024xf32> to vector<512x1024xf32>
      %add3A_534 = arith.addf %add3A_532, %add3A_533 : vector<512x1024xf32>
      %max3A_535 = arith.constant 0.000000e+00 : f32
      %max3A_536 = vector.broadcast %max3A_535 : f32 to vector<512x1024xf32>
      %max3A_537 = arith.maximumf %add3A_534, %max3A_536 : vector<512x1024xf32>
      %lt3A_538 = arith.constant 2.500000e-03 : f32
      %lt3A_539 = vector.broadcast %lt3A_538 : f32 to vector<512x1024xf32>
      %lt3A_540 = arith.cmpf olt, %max3A_537, %lt3A_539 : vector<512x1024xf32>
      %gt3A_541 = arith.constant 0.965925812 : f32
      %gt3A_542 = vector.broadcast %gt3A_541 : f32 to vector<512x1024xf32>
      %gt3A_543 = arith.cmpf ogt, %dot_general3A_527, %gt3A_542 : vector<512x1024xf32>
      %and3A_544 = arith.andi %lt3A_540, %gt3A_543 : vector<512x1024xi1>
      %bitcast_convert_type3A_545 = tpu.bitcast %max3A_537 : vector<512x1024xf32> -> vector<512x1024xi32>
      %iota3A_546 = tpu.iota {dimensions = array<i32: 0>} : vector<512x1xi32>
      %add3A_547 = arith.constant 5120 : i32
      %add3A_548 = vector.broadcast %add3A_547 : i32 to vector<512x1xi32>
      %add3A_549 = arith.addi %iota3A_546, %add3A_548 : vector<512x1xi32>
      %and3A_550 = arith.constant -8192 : i32
      %and3A_551 = vector.broadcast %and3A_550 : i32 to vector<512x1024xi32>
      %and3A_552 = arith.andi %bitcast_convert_type3A_545, %and3A_551 : vector<512x1024xi32>
      %or3A_553 = vector.broadcast %add3A_549 : vector<512x1xi32> to vector<512x1024xi32>
      %or3A_554 = arith.ori %and3A_552, %or3A_553 : vector<512x1024xi32>
      %sub3A_555 = arith.constant 1610612736 : i32
      %sub3A_556 = vector.broadcast %sub3A_555 : i32 to vector<512x1024xi32>
      %sub3A_557 = arith.subi %or3A_554, %sub3A_556 : vector<512x1024xi32>
      %select_n3A_558 = arith.select %and3A_544, %sub3A_557, %or3A_554 : vector<512x1024xi1>, vector<512x1024xi32>
      %reduce_min3A_559 = arith.constant dense<2147483647> : vector<1024xi32>
      %reduce_min3A_560 = vector.multi_reduction <minsi>, %select_n3A_558, %reduce_min3A_559 [0] : vector<512x1024xi32> to vector<1024xi32>
      %broadcast_in_dim3A_561 = vector.shape_cast %reduce_min3A_560 : vector<1024xi32> to vector<1x1024xi32>
      %min3A_562 = arith.minsi %min3A_517, %broadcast_in_dim3A_561 : vector<1x1024xi32>
      %get3A_563 = arith.constant 5632 : index
      %get3A_564 = arith.constant 0 : index
      %get3A_565 = vector.load %arg7[%get3A_563, %get3A_564] : memref<8192x3xbf16, #tpu.memory_space<vmem>>, vector<512x3xbf16>
      %dot_general3A_566 = arith.constant dense<0.000000e+00> : vector<512x1024xf32>
      %dot_general3A_567 = tpu.matmul %get3A_565, %get3A_71, %dot_general3A_566 {dimension_numbers = #tpu.dot_dimension_numbers<[1], [0], [0], [1], [0, 0, 1, 1], [], []>, transpose_lhs_hint = false} : vector<512x3xbf16>, vector<3x1024xbf16>, vector<512x1024xf32> -> vector<512x1024xf32>
      %get3A_568 = arith.constant 5632 : index
      %get3A_569 = arith.constant 0 : index
      %get3A_570 = vector.load %arg8[%get3A_568, %get3A_569] : memref<8192x3xbf16, #tpu.memory_space<vmem>>, vector<512x3xbf16>
      %dot_general3A_571 = arith.constant dense<0.000000e+00> : vector<512x1024xf32>
      %dot_general3A_572 = tpu.matmul %get3A_570, %get3A_74, %dot_general3A_571 {dimension_numbers = #tpu.dot_dimension_numbers<[1], [0], [0], [1], [0, 0, 1, 1], [], []>, transpose_lhs_hint = false} : vector<512x3xbf16>, vector<3x1024xbf16>, vector<512x1024xf32> -> vector<512x1024xf32>
      %get3A_573 = arith.constant 5632 : index
      %get3A_574 = arith.constant 0 : index
      %get3A_575 = vector.load %arg9[%get3A_573, %get3A_574] : memref<8192x1xf32, #tpu.memory_space<vmem>>, vector<512x1xf32>
      %add3A_576 = vector.broadcast %get3A_575 : vector<512x1xf32> to vector<512x1024xf32>
      %add3A_577 = arith.addf %dot_general3A_567, %add3A_576 : vector<512x1024xf32>
      %add3A_578 = vector.broadcast %get3A_77 : vector<1x1024xf32> to vector<512x1024xf32>
      %add3A_579 = arith.addf %add3A_577, %add3A_578 : vector<512x1024xf32>
      %max3A_580 = arith.constant 0.000000e+00 : f32
      %max3A_581 = vector.broadcast %max3A_580 : f32 to vector<512x1024xf32>
      %max3A_582 = arith.maximumf %add3A_579, %max3A_581 : vector<512x1024xf32>
      %lt3A_583 = arith.constant 2.500000e-03 : f32
      %lt3A_584 = vector.broadcast %lt3A_583 : f32 to vector<512x1024xf32>
      %lt3A_585 = arith.cmpf olt, %max3A_582, %lt3A_584 : vector<512x1024xf32>
      %gt3A_586 = arith.constant 0.965925812 : f32
      %gt3A_587 = vector.broadcast %gt3A_586 : f32 to vector<512x1024xf32>
      %gt3A_588 = arith.cmpf ogt, %dot_general3A_572, %gt3A_587 : vector<512x1024xf32>
      %and3A_589 = arith.andi %lt3A_585, %gt3A_588 : vector<512x1024xi1>
      %bitcast_convert_type3A_590 = tpu.bitcast %max3A_582 : vector<512x1024xf32> -> vector<512x1024xi32>
      %iota3A_591 = tpu.iota {dimensions = array<i32: 0>} : vector<512x1xi32>
      %add3A_592 = arith.constant 5632 : i32
      %add3A_593 = vector.broadcast %add3A_592 : i32 to vector<512x1xi32>
      %add3A_594 = arith.addi %iota3A_591, %add3A_593 : vector<512x1xi32>
      %and3A_595 = arith.constant -8192 : i32
      %and3A_596 = vector.broadcast %and3A_595 : i32 to vector<512x1024xi32>
      %and3A_597 = arith.andi %bitcast_convert_type3A_590, %and3A_596 : vector<512x1024xi32>
      %or3A_598 = vector.broadcast %add3A_594 : vector<512x1xi32> to vector<512x1024xi32>
      %or3A_599 = arith.ori %and3A_597, %or3A_598 : vector<512x1024xi32>
      %sub3A_600 = arith.constant 1610612736 : i32
      %sub3A_601 = vector.broadcast %sub3A_600 : i32 to vector<512x1024xi32>
      %sub3A_602 = arith.subi %or3A_599, %sub3A_601 : vector<512x1024xi32>
      %select_n3A_603 = arith.select %and3A_589, %sub3A_602, %or3A_599 : vector<512x1024xi1>, vector<512x1024xi32>
      %reduce_min3A_604 = arith.constant dense<2147483647> : vector<1024xi32>
      %reduce_min3A_605 = vector.multi_reduction <minsi>, %select_n3A_603, %reduce_min3A_604 [0] : vector<512x1024xi32> to vector<1024xi32>
      %broadcast_in_dim3A_606 = vector.shape_cast %reduce_min3A_605 : vector<1024xi32> to vector<1x1024xi32>
      %min3A_607 = arith.minsi %min3A_562, %broadcast_in_dim3A_606 : vector<1x1024xi32>
      %get3A_608 = arith.constant 6144 : index
      %get3A_609 = arith.constant 0 : index
      %get3A_610 = vector.load %arg7[%get3A_608, %get3A_609] : memref<8192x3xbf16, #tpu.memory_space<vmem>>, vector<512x3xbf16>
      %dot_general3A_611 = arith.constant dense<0.000000e+00> : vector<512x1024xf32>
      %dot_general3A_612 = tpu.matmul %get3A_610, %get3A_71, %dot_general3A_611 {dimension_numbers = #tpu.dot_dimension_numbers<[1], [0], [0], [1], [0, 0, 1, 1], [], []>, transpose_lhs_hint = false} : vector<512x3xbf16>, vector<3x1024xbf16>, vector<512x1024xf32> -> vector<512x1024xf32>
      %get3A_613 = arith.constant 6144 : index
      %get3A_614 = arith.constant 0 : index
      %get3A_615 = vector.load %arg8[%get3A_613, %get3A_614] : memref<8192x3xbf16, #tpu.memory_space<vmem>>, vector<512x3xbf16>
      %dot_general3A_616 = arith.constant dense<0.000000e+00> : vector<512x1024xf32>
      %dot_general3A_617 = tpu.matmul %get3A_615, %get3A_74, %dot_general3A_616 {dimension_numbers = #tpu.dot_dimension_numbers<[1], [0], [0], [1], [0, 0, 1, 1], [], []>, transpose_lhs_hint = false} : vector<512x3xbf16>, vector<3x1024xbf16>, vector<512x1024xf32> -> vector<512x1024xf32>
      %get3A_618 = arith.constant 6144 : index
      %get3A_619 = arith.constant 0 : index
      %get3A_620 = vector.load %arg9[%get3A_618, %get3A_619] : memref<8192x1xf32, #tpu.memory_space<vmem>>, vector<512x1xf32>
      %add3A_621 = vector.broadcast %get3A_620 : vector<512x1xf32> to vector<512x1024xf32>
      %add3A_622 = arith.addf %dot_general3A_612, %add3A_621 : vector<512x1024xf32>
      %add3A_623 = vector.broadcast %get3A_77 : vector<1x1024xf32> to vector<512x1024xf32>
      %add3A_624 = arith.addf %add3A_622, %add3A_623 : vector<512x1024xf32>
      %max3A_625 = arith.constant 0.000000e+00 : f32
      %max3A_626 = vector.broadcast %max3A_625 : f32 to vector<512x1024xf32>
      %max3A_627 = arith.maximumf %add3A_624, %max3A_626 : vector<512x1024xf32>
      %lt3A_628 = arith.constant 2.500000e-03 : f32
      %lt3A_629 = vector.broadcast %lt3A_628 : f32 to vector<512x1024xf32>
      %lt3A_630 = arith.cmpf olt, %max3A_627, %lt3A_629 : vector<512x1024xf32>
      %gt3A_631 = arith.constant 0.965925812 : f32
      %gt3A_632 = vector.broadcast %gt3A_631 : f32 to vector<512x1024xf32>
      %gt3A_633 = arith.cmpf ogt, %dot_general3A_617, %gt3A_632 : vector<512x1024xf32>
      %and3A_634 = arith.andi %lt3A_630, %gt3A_633 : vector<512x1024xi1>
      %bitcast_convert_type3A_635 = tpu.bitcast %max3A_627 : vector<512x1024xf32> -> vector<512x1024xi32>
      %iota3A_636 = tpu.iota {dimensions = array<i32: 0>} : vector<512x1xi32>
      %add3A_637 = arith.constant 6144 : i32
      %add3A_638 = vector.broadcast %add3A_637 : i32 to vector<512x1xi32>
      %add3A_639 = arith.addi %iota3A_636, %add3A_638 : vector<512x1xi32>
      %and3A_640 = arith.constant -8192 : i32
      %and3A_641 = vector.broadcast %and3A_640 : i32 to vector<512x1024xi32>
      %and3A_642 = arith.andi %bitcast_convert_type3A_635, %and3A_641 : vector<512x1024xi32>
      %or3A_643 = vector.broadcast %add3A_639 : vector<512x1xi32> to vector<512x1024xi32>
      %or3A_644 = arith.ori %and3A_642, %or3A_643 : vector<512x1024xi32>
      %sub3A_645 = arith.constant 1610612736 : i32
      %sub3A_646 = vector.broadcast %sub3A_645 : i32 to vector<512x1024xi32>
      %sub3A_647 = arith.subi %or3A_644, %sub3A_646 : vector<512x1024xi32>
      %select_n3A_648 = arith.select %and3A_634, %sub3A_647, %or3A_644 : vector<512x1024xi1>, vector<512x1024xi32>
      %reduce_min3A_649 = arith.constant dense<2147483647> : vector<1024xi32>
      %reduce_min3A_650 = vector.multi_reduction <minsi>, %select_n3A_648, %reduce_min3A_649 [0] : vector<512x1024xi32> to vector<1024xi32>
      %broadcast_in_dim3A_651 = vector.shape_cast %reduce_min3A_650 : vector<1024xi32> to vector<1x1024xi32>
      %min3A_652 = arith.minsi %min3A_607, %broadcast_in_dim3A_651 : vector<1x1024xi32>
      %get3A_653 = arith.constant 6656 : index
      %get3A_654 = arith.constant 0 : index
      %get3A_655 = vector.load %arg7[%get3A_653, %get3A_654] : memref<8192x3xbf16, #tpu.memory_space<vmem>>, vector<512x3xbf16>
      %dot_general3A_656 = arith.constant dense<0.000000e+00> : vector<512x1024xf32>
      %dot_general3A_657 = tpu.matmul %get3A_655, %get3A_71, %dot_general3A_656 {dimension_numbers = #tpu.dot_dimension_numbers<[1], [0], [0], [1], [0, 0, 1, 1], [], []>, transpose_lhs_hint = false} : vector<512x3xbf16>, vector<3x1024xbf16>, vector<512x1024xf32> -> vector<512x1024xf32>
      %get3A_658 = arith.constant 6656 : index
      %get3A_659 = arith.constant 0 : index
      %get3A_660 = vector.load %arg8[%get3A_658, %get3A_659] : memref<8192x3xbf16, #tpu.memory_space<vmem>>, vector<512x3xbf16>
      %dot_general3A_661 = arith.constant dense<0.000000e+00> : vector<512x1024xf32>
      %dot_general3A_662 = tpu.matmul %get3A_660, %get3A_74, %dot_general3A_661 {dimension_numbers = #tpu.dot_dimension_numbers<[1], [0], [0], [1], [0, 0, 1, 1], [], []>, transpose_lhs_hint = false} : vector<512x3xbf16>, vector<3x1024xbf16>, vector<512x1024xf32> -> vector<512x1024xf32>
      %get3A_663 = arith.constant 6656 : index
      %get3A_664 = arith.constant 0 : index
      %get3A_665 = vector.load %arg9[%get3A_663, %get3A_664] : memref<8192x1xf32, #tpu.memory_space<vmem>>, vector<512x1xf32>
      %add3A_666 = vector.broadcast %get3A_665 : vector<512x1xf32> to vector<512x1024xf32>
      %add3A_667 = arith.addf %dot_general3A_657, %add3A_666 : vector<512x1024xf32>
      %add3A_668 = vector.broadcast %get3A_77 : vector<1x1024xf32> to vector<512x1024xf32>
      %add3A_669 = arith.addf %add3A_667, %add3A_668 : vector<512x1024xf32>
      %max3A_670 = arith.constant 0.000000e+00 : f32
      %max3A_671 = vector.broadcast %max3A_670 : f32 to vector<512x1024xf32>
      %max3A_672 = arith.maximumf %add3A_669, %max3A_671 : vector<512x1024xf32>
      %lt3A_673 = arith.constant 2.500000e-03 : f32
      %lt3A_674 = vector.broadcast %lt3A_673 : f32 to vector<512x1024xf32>
      %lt3A_675 = arith.cmpf olt, %max3A_672, %lt3A_674 : vector<512x1024xf32>
      %gt3A_676 = arith.constant 0.965925812 : f32
      %gt3A_677 = vector.broadcast %gt3A_676 : f32 to vector<512x1024xf32>
      %gt3A_678 = arith.cmpf ogt, %dot_general3A_662, %gt3A_677 : vector<512x1024xf32>
      %and3A_679 = arith.andi %lt3A_675, %gt3A_678 : vector<512x1024xi1>
      %bitcast_convert_type3A_680 = tpu.bitcast %max3A_672 : vector<512x1024xf32> -> vector<512x1024xi32>
      %iota3A_681 = tpu.iota {dimensions = array<i32: 0>} : vector<512x1xi32>
      %add3A_682 = arith.constant 6656 : i32
      %add3A_683 = vector.broadcast %add3A_682 : i32 to vector<512x1xi32>
      %add3A_684 = arith.addi %iota3A_681, %add3A_683 : vector<512x1xi32>
      %and3A_685 = arith.constant -8192 : i32
      %and3A_686 = vector.broadcast %and3A_685 : i32 to vector<512x1024xi32>
      %and3A_687 = arith.andi %bitcast_convert_type3A_680, %and3A_686 : vector<512x1024xi32>
      %or3A_688 = vector.broadcast %add3A_684 : vector<512x1xi32> to vector<512x1024xi32>
      %or3A_689 = arith.ori %and3A_687, %or3A_688 : vector<512x1024xi32>
      %sub3A_690 = arith.constant 1610612736 : i32
      %sub3A_691 = vector.broadcast %sub3A_690 : i32 to vector<512x1024xi32>
      %sub3A_692 = arith.subi %or3A_689, %sub3A_691 : vector<512x1024xi32>
      %select_n3A_693 = arith.select %and3A_679, %sub3A_692, %or3A_689 : vector<512x1024xi1>, vector<512x1024xi32>
      %reduce_min3A_694 = arith.constant dense<2147483647> : vector<1024xi32>
      %reduce_min3A_695 = vector.multi_reduction <minsi>, %select_n3A_693, %reduce_min3A_694 [0] : vector<512x1024xi32> to vector<1024xi32>
      %broadcast_in_dim3A_696 = vector.shape_cast %reduce_min3A_695 : vector<1024xi32> to vector<1x1024xi32>
      %min3A_697 = arith.minsi %min3A_652, %broadcast_in_dim3A_696 : vector<1x1024xi32>
      %get3A_698 = arith.constant 7168 : index
      %get3A_699 = arith.constant 0 : index
      %get3A_700 = vector.load %arg7[%get3A_698, %get3A_699] : memref<8192x3xbf16, #tpu.memory_space<vmem>>, vector<512x3xbf16>
      %dot_general3A_701 = arith.constant dense<0.000000e+00> : vector<512x1024xf32>
      %dot_general3A_702 = tpu.matmul %get3A_700, %get3A_71, %dot_general3A_701 {dimension_numbers = #tpu.dot_dimension_numbers<[1], [0], [0], [1], [0, 0, 1, 1], [], []>, transpose_lhs_hint = false} : vector<512x3xbf16>, vector<3x1024xbf16>, vector<512x1024xf32> -> vector<512x1024xf32>
      %get3A_703 = arith.constant 7168 : index
      %get3A_704 = arith.constant 0 : index
      %get3A_705 = vector.load %arg8[%get3A_703, %get3A_704] : memref<8192x3xbf16, #tpu.memory_space<vmem>>, vector<512x3xbf16>
      %dot_general3A_706 = arith.constant dense<0.000000e+00> : vector<512x1024xf32>
      %dot_general3A_707 = tpu.matmul %get3A_705, %get3A_74, %dot_general3A_706 {dimension_numbers = #tpu.dot_dimension_numbers<[1], [0], [0], [1], [0, 0, 1, 1], [], []>, transpose_lhs_hint = false} : vector<512x3xbf16>, vector<3x1024xbf16>, vector<512x1024xf32> -> vector<512x1024xf32>
      %get3A_708 = arith.constant 7168 : index
      %get3A_709 = arith.constant 0 : index
      %get3A_710 = vector.load %arg9[%get3A_708, %get3A_709] : memref<8192x1xf32, #tpu.memory_space<vmem>>, vector<512x1xf32>
      %add3A_711 = vector.broadcast %get3A_710 : vector<512x1xf32> to vector<512x1024xf32>
      %add3A_712 = arith.addf %dot_general3A_702, %add3A_711 : vector<512x1024xf32>
      %add3A_713 = vector.broadcast %get3A_77 : vector<1x1024xf32> to vector<512x1024xf32>
      %add3A_714 = arith.addf %add3A_712, %add3A_713 : vector<512x1024xf32>
      %max3A_715 = arith.constant 0.000000e+00 : f32
      %max3A_716 = vector.broadcast %max3A_715 : f32 to vector<512x1024xf32>
      %max3A_717 = arith.maximumf %add3A_714, %max3A_716 : vector<512x1024xf32>
      %lt3A_718 = arith.constant 2.500000e-03 : f32
      %lt3A_719 = vector.broadcast %lt3A_718 : f32 to vector<512x1024xf32>
      %lt3A_720 = arith.cmpf olt, %max3A_717, %lt3A_719 : vector<512x1024xf32>
      %gt3A_721 = arith.constant 0.965925812 : f32
      %gt3A_722 = vector.broadcast %gt3A_721 : f32 to vector<512x1024xf32>
      %gt3A_723 = arith.cmpf ogt, %dot_general3A_707, %gt3A_722 : vector<512x1024xf32>
      %and3A_724 = arith.andi %lt3A_720, %gt3A_723 : vector<512x1024xi1>
      %bitcast_convert_type3A_725 = tpu.bitcast %max3A_717 : vector<512x1024xf32> -> vector<512x1024xi32>
      %iota3A_726 = tpu.iota {dimensions = array<i32: 0>} : vector<512x1xi32>
      %add3A_727 = arith.constant 7168 : i32
      %add3A_728 = vector.broadcast %add3A_727 : i32 to vector<512x1xi32>
      %add3A_729 = arith.addi %iota3A_726, %add3A_728 : vector<512x1xi32>
      %and3A_730 = arith.constant -8192 : i32
      %and3A_731 = vector.broadcast %and3A_730 : i32 to vector<512x1024xi32>
      %and3A_732 = arith.andi %bitcast_convert_type3A_725, %and3A_731 : vector<512x1024xi32>
      %or3A_733 = vector.broadcast %add3A_729 : vector<512x1xi32> to vector<512x1024xi32>
      %or3A_734 = arith.ori %and3A_732, %or3A_733 : vector<512x1024xi32>
      %sub3A_735 = arith.constant 1610612736 : i32
      %sub3A_736 = vector.broadcast %sub3A_735 : i32 to vector<512x1024xi32>
      %sub3A_737 = arith.subi %or3A_734, %sub3A_736 : vector<512x1024xi32>
      %select_n3A_738 = arith.select %and3A_724, %sub3A_737, %or3A_734 : vector<512x1024xi1>, vector<512x1024xi32>
      %reduce_min3A_739 = arith.constant dense<2147483647> : vector<1024xi32>
      %reduce_min3A_740 = vector.multi_reduction <minsi>, %select_n3A_738, %reduce_min3A_739 [0] : vector<512x1024xi32> to vector<1024xi32>
      %broadcast_in_dim3A_741 = vector.shape_cast %reduce_min3A_740 : vector<1024xi32> to vector<1x1024xi32>
      %min3A_742 = arith.minsi %min3A_697, %broadcast_in_dim3A_741 : vector<1x1024xi32>
      %get3A_743 = arith.constant 7680 : index
      %get3A_744 = arith.constant 0 : index
      %get3A_745 = vector.load %arg7[%get3A_743, %get3A_744] : memref<8192x3xbf16, #tpu.memory_space<vmem>>, vector<512x3xbf16>
      %dot_general3A_746 = arith.constant dense<0.000000e+00> : vector<512x1024xf32>
      %dot_general3A_747 = tpu.matmul %get3A_745, %get3A_71, %dot_general3A_746 {dimension_numbers = #tpu.dot_dimension_numbers<[1], [0], [0], [1], [0, 0, 1, 1], [], []>, transpose_lhs_hint = false} : vector<512x3xbf16>, vector<3x1024xbf16>, vector<512x1024xf32> -> vector<512x1024xf32>
      %get3A_748 = arith.constant 7680 : index
      %get3A_749 = arith.constant 0 : index
      %get3A_750 = vector.load %arg8[%get3A_748, %get3A_749] : memref<8192x3xbf16, #tpu.memory_space<vmem>>, vector<512x3xbf16>
      %dot_general3A_751 = arith.constant dense<0.000000e+00> : vector<512x1024xf32>
      %dot_general3A_752 = tpu.matmul %get3A_750, %get3A_74, %dot_general3A_751 {dimension_numbers = #tpu.dot_dimension_numbers<[1], [0], [0], [1], [0, 0, 1, 1], [], []>, transpose_lhs_hint = false} : vector<512x3xbf16>, vector<3x1024xbf16>, vector<512x1024xf32> -> vector<512x1024xf32>
      %get3A_753 = arith.constant 7680 : index
      %get3A_754 = arith.constant 0 : index
      %get3A_755 = vector.load %arg9[%get3A_753, %get3A_754] : memref<8192x1xf32, #tpu.memory_space<vmem>>, vector<512x1xf32>
      %add3A_756 = vector.broadcast %get3A_755 : vector<512x1xf32> to vector<512x1024xf32>
      %add3A_757 = arith.addf %dot_general3A_747, %add3A_756 : vector<512x1024xf32>
      %add3A_758 = vector.broadcast %get3A_77 : vector<1x1024xf32> to vector<512x1024xf32>
      %add3A_759 = arith.addf %add3A_757, %add3A_758 : vector<512x1024xf32>
      %max3A_760 = arith.constant 0.000000e+00 : f32
      %max3A_761 = vector.broadcast %max3A_760 : f32 to vector<512x1024xf32>
      %max3A_762 = arith.maximumf %add3A_759, %max3A_761 : vector<512x1024xf32>
      %lt3A_763 = arith.constant 2.500000e-03 : f32
      %lt3A_764 = vector.broadcast %lt3A_763 : f32 to vector<512x1024xf32>
      %lt3A_765 = arith.cmpf olt, %max3A_762, %lt3A_764 : vector<512x1024xf32>
      %gt3A_766 = arith.constant 0.965925812 : f32
      %gt3A_767 = vector.broadcast %gt3A_766 : f32 to vector<512x1024xf32>
      %gt3A_768 = arith.cmpf ogt, %dot_general3A_752, %gt3A_767 : vector<512x1024xf32>
      %and3A_769 = arith.andi %lt3A_765, %gt3A_768 : vector<512x1024xi1>
      %bitcast_convert_type3A_770 = tpu.bitcast %max3A_762 : vector<512x1024xf32> -> vector<512x1024xi32>
      %iota3A_771 = tpu.iota {dimensions = array<i32: 0>} : vector<512x1xi32>
      %add3A_772 = arith.constant 7680 : i32
      %add3A_773 = vector.broadcast %add3A_772 : i32 to vector<512x1xi32>
      %add3A_774 = arith.addi %iota3A_771, %add3A_773 : vector<512x1xi32>
      %and3A_775 = arith.constant -8192 : i32
      %and3A_776 = vector.broadcast %and3A_775 : i32 to vector<512x1024xi32>
      %and3A_777 = arith.andi %bitcast_convert_type3A_770, %and3A_776 : vector<512x1024xi32>
      %or3A_778 = vector.broadcast %add3A_774 : vector<512x1xi32> to vector<512x1024xi32>
      %or3A_779 = arith.ori %and3A_777, %or3A_778 : vector<512x1024xi32>
      %sub3A_780 = arith.constant 1610612736 : i32
      %sub3A_781 = vector.broadcast %sub3A_780 : i32 to vector<512x1024xi32>
      %sub3A_782 = arith.subi %or3A_779, %sub3A_781 : vector<512x1024xi32>
      %select_n3A_783 = arith.select %and3A_769, %sub3A_782, %or3A_779 : vector<512x1024xi1>, vector<512x1024xi32>
      %reduce_min3A_784 = arith.constant dense<2147483647> : vector<1024xi32>
      %reduce_min3A_785 = vector.multi_reduction <minsi>, %select_n3A_783, %reduce_min3A_784 [0] : vector<512x1024xi32> to vector<1024xi32>
      %broadcast_in_dim3A_786 = vector.shape_cast %reduce_min3A_785 : vector<1024xi32> to vector<1x1024xi32>
      %min3A_787 = arith.minsi %min3A_742, %broadcast_in_dim3A_786 : vector<1x1024xi32>
      %and3A_788 = arith.constant -8192 : i32
      %and3A_789 = vector.broadcast %and3A_788 : i32 to vector<1x1024xi32>
      %and3A_790 = arith.andi %min3A_787, %and3A_789 : vector<1x1024xi32>
      %bitcast_convert_type3A_791 = tpu.bitcast %and3A_790 : vector<1x1024xi32> -> vector<1x1024xf32>
      %lt3A_792 = arith.constant 0 : i32
      %lt3A_793 = vector.broadcast %lt3A_792 : i32 to vector<1x1024xi32>
      %lt3A_794 = arith.cmpi slt, %min3A_787, %lt3A_793 : vector<1x1024xi32>
      %lt3A_795 = arith.constant 2.500000e-01 : f32
      %lt3A_796 = vector.broadcast %lt3A_795 : f32 to vector<1x1024xf32>
      %lt3A_797 = arith.cmpf olt, %bitcast_convert_type3A_791, %lt3A_796 : vector<1x1024xf32>
      %or3A_798 = arith.ori %lt3A_794, %lt3A_797 : vector<1x1024xi1>
      %get3A_799 = arith.constant 0 : index
      %get3A_800 = arith.index_cast %mul3A_68 : i32 to index
      %get3A_801 = vector.load %arg2[%get3A_799, %get3A_800] : memref<1x7168xf32, #tpu.memory_space<vmem>>, vector<1x1024xf32>
      %gt3A_802 = arith.constant 5.000000e-01 : f32
      %gt3A_803 = vector.broadcast %gt3A_802 : f32 to vector<1x1024xf32>
      %gt3A_804 = arith.cmpf ogt, %get3A_801, %gt3A_803 : vector<1x1024xf32>
      %and3A_805 = arith.andi %or3A_798, %gt3A_804 : vector<1x1024xi1>
      %jit3A = arith.constant 1.000000e+00 : f32
      %jit3A_806 = arith.constant 0.000000e+00 : f32
      %broadcast_in_dim3A_807 = vector.broadcast %jit3A : f32 to vector<1x1024xf32>
      %broadcast_in_dim3A_808 = vector.broadcast %jit3A_806 : f32 to vector<1x1024xf32>
      %select_n3A_809 = arith.select %and3A_805, %broadcast_in_dim3A_807, %broadcast_in_dim3A_808 : vector<1x1024xi1>, vector<1x1024xf32>
      %swap3A_810 = arith.constant 0 : index
      %swap3A_811 = arith.index_cast %mul3A_68 : i32 to index
      %swap3A_812 = vector.load %arg5[%swap3A_810, %swap3A_811] : memref<1x7168xf32, #tpu.memory_space<vmem>>, vector<1x1024xf32>
      tpu.vector_store %arg5[%swap3A_810, %swap3A_811], %select_n3A_809 {strides = array<i32>} : memref<1x7168xf32, #tpu.memory_space<vmem>>, vector<1x1024xf32>,
      %and3A_813 = arith.constant 8191 : i32
      %and3A_814 = vector.broadcast %and3A_813 : i32 to vector<1x1024xi32>
      %and3A_815 = arith.andi %min3A_787, %and3A_814 : vector<1x1024xi32>
      %swap3A_816 = arith.constant 0 : index
      %swap3A_817 = arith.index_cast %mul3A_68 : i32 to index
      %swap3A_818 = vector.load %arg6[%swap3A_816, %swap3A_817] : memref<1x7168xi32, #tpu.memory_space<vmem>>, vector<1x1024xi32>
      tpu.vector_store %arg6[%swap3A_816, %swap3A_817], %and3A_815 {strides = array<i32>} : memref<1x7168xi32, #tpu.memory_space<vmem>>, vector<1x1024xi32>,
    }
    %scan3A_65 = arith.constant 7 : i32
    return
  }
}

module attributes {stable_mosaic.version = 14 : i64} {
  func.func @_d2s_body(%arg0: memref<3x8192xf32, #tpu.memory_space<vmem>>, %arg1: memref<3x8192xf32, #tpu.memory_space<vmem>>, %arg2: memref<7168x3xf32, #tpu.memory_space<vmem>>, %arg3: memref<7168x3xf32, #tpu.memory_space<vmem>>, %arg4: memref<7168x1xf32, #tpu.memory_space<vmem>>, %arg5: memref<1x8192xi32, #tpu.memory_space<vmem>>, %arg6: memref<7168x3xbf16, #tpu.memory_space<vmem>>, %arg7: memref<7168x3xbf16, #tpu.memory_space<vmem>>, %arg8: memref<7168x1xf32, #tpu.memory_space<vmem>>, %arg9: memref<3x8192xbf16, #tpu.memory_space<vmem>>, %arg10: memref<3x8192xbf16, #tpu.memory_space<vmem>>, %arg11: memref<1x8192xf32, #tpu.memory_space<vmem>>) attributes {dimension_semantics = [], scalar_prefetch = 0 : i64, scratch_operands = 6 : i64, tpu.core_type = #tpu.core_type<tc>} {
    %get3A = arith.constant 0 : index
    %get3A_0 = arith.constant 0 : index
    %get3A_1 = vector.load %arg4[%get3A, %get3A_0] : memref<7168x1xf32, #tpu.memory_space<vmem>>, vector<7168x1xf32>
    %gt3A = arith.constant 5.000000e-01 : f32
    %gt3A_2 = vector.broadcast %gt3A : f32 to vector<7168x1xf32>
    %gt3A_3 = arith.cmpf ogt, %get3A_1, %gt3A_2 : vector<7168x1xf32>
    %get3A_4 = arith.constant 0 : index
    %get3A_5 = arith.constant 0 : index
    %get3A_6 = vector.load %arg2[%get3A_4, %get3A_5] : memref<7168x3xf32, #tpu.memory_space<vmem>>, vector<7168x3xf32>
    %jit3A = arith.constant 1.000000e+06 : f32
    %broadcast_in_dim3A = vector.shape_cast %gt3A_3 : vector<7168x1xi1> to vector<7168x1xi1>
    %broadcast_in_dim3A_7 = vector.broadcast %broadcast_in_dim3A : vector<7168x1xi1> to vector<7168x3xi1>
    %broadcast_in_dim3A_8 = vector.broadcast %jit3A : f32 to vector<7168x3xf32>
    %select_n3A = arith.select %broadcast_in_dim3A_7, %get3A_6, %broadcast_in_dim3A_8 : vector<7168x3xi1>, vector<7168x3xf32>
    %mul3A = arith.constant -2.000000e+00 : f32
    %mul3A_9 = vector.broadcast %mul3A : f32 to vector<7168x3xf32>
    %mul3A_10 = arith.mulf %mul3A_9, %select_n3A : vector<7168x3xf32>
    %convert_element_type3A = arith.truncf %mul3A_10 : vector<7168x3xf32> to vector<7168x3xbf16>
    %swap3A = arith.constant 0 : index
    %swap3A_11 = arith.constant 0 : index
    %swap3A_12 = vector.load %arg6[%swap3A, %swap3A_11] : memref<7168x3xbf16, #tpu.memory_space<vmem>>, vector<7168x3xbf16>
    tpu.vector_store %arg6[%swap3A, %swap3A_11], %convert_element_type3A {strides = array<i32>} : memref<7168x3xbf16, #tpu.memory_space<vmem>>, vector<7168x3xbf16>,
    %mul3A_13 = arith.mulf %select_n3A, %select_n3A : vector<7168x3xf32>
    %reduce_sum3A = arith.constant dense<0.000000e+00> : vector<7168xf32>
    %reduce_sum3A_14 = vector.multi_reduction <add>, %mul3A_13, %reduce_sum3A [1] : vector<7168x3xf32> to vector<7168xf32>
    %broadcast_in_dim3A_15 = vector.shape_cast %reduce_sum3A_14 : vector<7168xf32> to vector<7168x1xf32>
    %swap3A_16 = arith.constant 0 : index
    %swap3A_17 = arith.constant 0 : index
    %swap3A_18 = vector.load %arg8[%swap3A_16, %swap3A_17] : memref<7168x1xf32, #tpu.memory_space<vmem>>, vector<7168x1xf32>
    tpu.vector_store %arg8[%swap3A_16, %swap3A_17], %broadcast_in_dim3A_15 {strides = array<i32>} : memref<7168x1xf32, #tpu.memory_space<vmem>>, vector<7168x1xf32>,
    %get3A_19 = arith.constant 0 : index
    %get3A_20 = arith.constant 0 : index
    %get3A_21 = vector.load %arg3[%get3A_19, %get3A_20] : memref<7168x3xf32, #tpu.memory_space<vmem>>, vector<7168x3xf32>
    %mul3A_22 = arith.mulf %get3A_21, %get3A_21 : vector<7168x3xf32>
    %reduce_sum3A_23 = arith.constant dense<0.000000e+00> : vector<7168xf32>
    %reduce_sum3A_24 = vector.multi_reduction <add>, %mul3A_22, %reduce_sum3A_23 [1] : vector<7168x3xf32> to vector<7168xf32>
    %broadcast_in_dim3A_25 = vector.shape_cast %reduce_sum3A_24 : vector<7168xf32> to vector<7168x1xf32>
    %add3A = arith.constant 9.99999996E-13 : f32
    %add3A_26 = vector.broadcast %add3A : f32 to vector<7168x1xf32>
    %add3A_27 = arith.addf %broadcast_in_dim3A_25, %add3A_26 : vector<7168x1xf32>
    %sqrt3A = math.sqrt %add3A_27 : vector<7168x1xf32>
    %div3A = arith.constant 1.000000e+00 : f32
    %div3A_28 = vector.broadcast %div3A : f32 to vector<7168x1xf32>
    %div3A_29 = arith.divf %div3A_28, %sqrt3A : vector<7168x1xf32>
    %mul3A_30 = vector.broadcast %div3A_29 : vector<7168x1xf32> to vector<7168x3xf32>
    %mul3A_31 = arith.mulf %get3A_21, %mul3A_30 : vector<7168x3xf32>
    %convert_element_type3A_32 = arith.truncf %mul3A_31 : vector<7168x3xf32> to vector<7168x3xbf16>
    %swap3A_33 = arith.constant 0 : index
    %swap3A_34 = arith.constant 0 : index
    %swap3A_35 = vector.load %arg7[%swap3A_33, %swap3A_34] : memref<7168x3xbf16, #tpu.memory_space<vmem>>, vector<7168x3xbf16>
    tpu.vector_store %arg7[%swap3A_33, %swap3A_34], %convert_element_type3A_32 {strides = array<i32>} : memref<7168x3xbf16, #tpu.memory_space<vmem>>, vector<7168x3xbf16>,
    %get3A_36 = arith.constant 0 : index
    %get3A_37 = arith.constant 0 : index
    %get3A_38 = vector.load %arg0[%get3A_36, %get3A_37] : memref<3x8192xf32, #tpu.memory_space<vmem>>, vector<3x8192xf32>
    %convert_element_type3A_39 = arith.truncf %get3A_38 : vector<3x8192xf32> to vector<3x8192xbf16>
    %swap3A_40 = arith.constant 0 : index
    %swap3A_41 = arith.constant 0 : index
    %swap3A_42 = vector.load %arg9[%swap3A_40, %swap3A_41] : memref<3x8192xbf16, #tpu.memory_space<vmem>>, vector<3x8192xbf16>
    tpu.vector_store %arg9[%swap3A_40, %swap3A_41], %convert_element_type3A_39 {strides = array<i32>} : memref<3x8192xbf16, #tpu.memory_space<vmem>>, vector<3x8192xbf16>,
    %mul3A_43 = arith.mulf %get3A_38, %get3A_38 : vector<3x8192xf32>
    %reduce_sum3A_44 = arith.constant dense<0.000000e+00> : vector<8192xf32>
    %reduce_sum3A_45 = vector.multi_reduction <add>, %mul3A_43, %reduce_sum3A_44 [0] : vector<3x8192xf32> to vector<8192xf32>
    %broadcast_in_dim3A_46 = vector.shape_cast %reduce_sum3A_45 : vector<8192xf32> to vector<1x8192xf32>
    %swap3A_47 = arith.constant 0 : index
    %swap3A_48 = arith.constant 0 : index
    %swap3A_49 = vector.load %arg11[%swap3A_47, %swap3A_48] : memref<1x8192xf32, #tpu.memory_space<vmem>>, vector<1x8192xf32>
    tpu.vector_store %arg11[%swap3A_47, %swap3A_48], %broadcast_in_dim3A_46 {strides = array<i32>} : memref<1x8192xf32, #tpu.memory_space<vmem>>, vector<1x8192xf32>,
    %get3A_50 = arith.constant 0 : index
    %get3A_51 = arith.constant 0 : index
    %get3A_52 = vector.load %arg1[%get3A_50, %get3A_51] : memref<3x8192xf32, #tpu.memory_space<vmem>>, vector<3x8192xf32>
    %mul3A_53 = arith.mulf %get3A_52, %get3A_52 : vector<3x8192xf32>
    %reduce_sum3A_54 = arith.constant dense<0.000000e+00> : vector<8192xf32>
    %reduce_sum3A_55 = vector.multi_reduction <add>, %mul3A_53, %reduce_sum3A_54 [0] : vector<3x8192xf32> to vector<8192xf32>
    %broadcast_in_dim3A_56 = vector.shape_cast %reduce_sum3A_55 : vector<8192xf32> to vector<1x8192xf32>
    %add3A_57 = arith.constant 9.99999996E-13 : f32
    %add3A_58 = vector.broadcast %add3A_57 : f32 to vector<1x8192xf32>
    %add3A_59 = arith.addf %broadcast_in_dim3A_56, %add3A_58 : vector<1x8192xf32>
    %sqrt3A_60 = math.sqrt %add3A_59 : vector<1x8192xf32>
    %div3A_61 = arith.constant 1.000000e+00 : f32
    %div3A_62 = vector.broadcast %div3A_61 : f32 to vector<1x8192xf32>
    %div3A_63 = arith.divf %div3A_62, %sqrt3A_60 : vector<1x8192xf32>
    %mul3A_64 = vector.broadcast %div3A_63 : vector<1x8192xf32> to vector<3x8192xf32>
    %mul3A_65 = arith.mulf %get3A_52, %mul3A_64 : vector<3x8192xf32>
    %convert_element_type3A_66 = arith.truncf %mul3A_65 : vector<3x8192xf32> to vector<3x8192xbf16>
    %swap3A_67 = arith.constant 0 : index
    %swap3A_68 = arith.constant 0 : index
    %swap3A_69 = vector.load %arg10[%swap3A_67, %swap3A_68] : memref<3x8192xbf16, #tpu.memory_space<vmem>>, vector<3x8192xbf16>
    tpu.vector_store %arg10[%swap3A_67, %swap3A_68], %convert_element_type3A_66 {strides = array<i32>} : memref<3x8192xbf16, #tpu.memory_space<vmem>>, vector<3x8192xbf16>,
    %scan3A = arith.constant 0 : i32
    %scan3A_70 = arith.constant 8 : i32
    %scan3A_71 = arith.addi %scan3A, %scan3A_70 : i32
    %scan3A_72 = arith.constant 1 : i32
    scf.for %scan3A_74 = %scan3A to %scan3A_71 step %scan3A_72  : i32 {
      %mul3A_75 = arith.constant 1024 : i32
      %mul3A_76 = arith.muli %scan3A_74, %mul3A_75 : i32
      %get3A_77 = arith.constant 0 : index
      %get3A_78 = arith.index_cast %mul3A_76 : i32 to index
      %get3A_79 = vector.load %arg9[%get3A_77, %get3A_78] : memref<3x8192xbf16, #tpu.memory_space<vmem>>, vector<3x1024xbf16>
      %get3A_80 = arith.constant 0 : index
      %get3A_81 = arith.index_cast %mul3A_76 : i32 to index
      %get3A_82 = vector.load %arg10[%get3A_80, %get3A_81] : memref<3x8192xbf16, #tpu.memory_space<vmem>>, vector<3x1024xbf16>
      %get3A_83 = arith.constant 0 : index
      %get3A_84 = arith.index_cast %mul3A_76 : i32 to index
      %get3A_85 = vector.load %arg11[%get3A_83, %get3A_84] : memref<1x8192xf32, #tpu.memory_space<vmem>>, vector<1x1024xf32>
      %broadcast_in_dim3A_86 = arith.constant 2147483647 : i32
      %broadcast_in_dim3A_87 = vector.broadcast %broadcast_in_dim3A_86 : i32 to vector<1x1024xi32>
      %get3A_88 = arith.constant 0 : index
      %get3A_89 = arith.constant 0 : index
      %get3A_90 = vector.load %arg6[%get3A_88, %get3A_89] : memref<7168x3xbf16, #tpu.memory_space<vmem>>, vector<512x3xbf16>
      %dot_general3A = arith.constant dense<0.000000e+00> : vector<512x1024xf32>
      %dot_general3A_91 = tpu.matmul %get3A_90, %get3A_79, %dot_general3A {dimension_numbers = #tpu.dot_dimension_numbers<[1], [0], [0], [1], [0, 0, 1, 1], [], []>, transpose_lhs_hint = false} : vector<512x3xbf16>, vector<3x1024xbf16>, vector<512x1024xf32> -> vector<512x1024xf32>
      %get3A_92 = arith.constant 0 : index
      %get3A_93 = arith.constant 0 : index
      %get3A_94 = vector.load %arg7[%get3A_92, %get3A_93] : memref<7168x3xbf16, #tpu.memory_space<vmem>>, vector<512x3xbf16>
      %dot_general3A_95 = arith.constant dense<0.000000e+00> : vector<512x1024xf32>
      %dot_general3A_96 = tpu.matmul %get3A_94, %get3A_82, %dot_general3A_95 {dimension_numbers = #tpu.dot_dimension_numbers<[1], [0], [0], [1], [0, 0, 1, 1], [], []>, transpose_lhs_hint = false} : vector<512x3xbf16>, vector<3x1024xbf16>, vector<512x1024xf32> -> vector<512x1024xf32>
      %get3A_97 = arith.constant 0 : index
      %get3A_98 = arith.constant 0 : index
      %get3A_99 = vector.load %arg8[%get3A_97, %get3A_98] : memref<7168x1xf32, #tpu.memory_space<vmem>>, vector<512x1xf32>
      %add3A_100 = vector.broadcast %get3A_99 : vector<512x1xf32> to vector<512x1024xf32>
      %add3A_101 = arith.addf %dot_general3A_91, %add3A_100 : vector<512x1024xf32>
      %add3A_102 = vector.broadcast %get3A_85 : vector<1x1024xf32> to vector<512x1024xf32>
      %add3A_103 = arith.addf %add3A_101, %add3A_102 : vector<512x1024xf32>
      %max3A = arith.constant 0.000000e+00 : f32
      %max3A_104 = vector.broadcast %max3A : f32 to vector<512x1024xf32>
      %max3A_105 = arith.maximumf %add3A_103, %max3A_104 : vector<512x1024xf32>
      %lt3A = arith.constant 2.500000e-03 : f32
      %lt3A_106 = vector.broadcast %lt3A : f32 to vector<512x1024xf32>
      %lt3A_107 = arith.cmpf olt, %max3A_105, %lt3A_106 : vector<512x1024xf32>
      %gt3A_108 = arith.constant 0.965925812 : f32
      %gt3A_109 = vector.broadcast %gt3A_108 : f32 to vector<512x1024xf32>
      %gt3A_110 = arith.cmpf ogt, %dot_general3A_96, %gt3A_109 : vector<512x1024xf32>
      %and3A = arith.andi %lt3A_107, %gt3A_110 : vector<512x1024xi1>
      %bitcast_convert_type3A = tpu.bitcast %max3A_105 : vector<512x1024xf32> -> vector<512x1024xi32>
      %iota3A = tpu.iota {dimensions = array<i32: 0>} : vector<512x1xi32>
      %add3A_111 = arith.constant 0 : i32
      %add3A_112 = vector.broadcast %add3A_111 : i32 to vector<512x1xi32>
      %add3A_113 = arith.addi %iota3A, %add3A_112 : vector<512x1xi32>
      %and3A_114 = arith.constant -8192 : i32
      %and3A_115 = vector.broadcast %and3A_114 : i32 to vector<512x1024xi32>
      %and3A_116 = arith.andi %bitcast_convert_type3A, %and3A_115 : vector<512x1024xi32>
      %or3A = vector.broadcast %add3A_113 : vector<512x1xi32> to vector<512x1024xi32>
      %or3A_117 = arith.ori %and3A_116, %or3A : vector<512x1024xi32>
      %sub3A = arith.constant 1610612736 : i32
      %sub3A_118 = vector.broadcast %sub3A : i32 to vector<512x1024xi32>
      %sub3A_119 = arith.subi %or3A_117, %sub3A_118 : vector<512x1024xi32>
      %select_n3A_120 = arith.select %and3A, %sub3A_119, %or3A_117 : vector<512x1024xi1>, vector<512x1024xi32>
      %reduce_min3A = arith.constant dense<2147483647> : vector<1024xi32>
      %reduce_min3A_121 = vector.multi_reduction <minsi>, %select_n3A_120, %reduce_min3A [0] : vector<512x1024xi32> to vector<1024xi32>
      %broadcast_in_dim3A_122 = vector.shape_cast %reduce_min3A_121 : vector<1024xi32> to vector<1x1024xi32>
      %min3A = arith.minsi %broadcast_in_dim3A_87, %broadcast_in_dim3A_122 : vector<1x1024xi32>
      %get3A_123 = arith.constant 512 : index
      %get3A_124 = arith.constant 0 : index
      %get3A_125 = vector.load %arg6[%get3A_123, %get3A_124] : memref<7168x3xbf16, #tpu.memory_space<vmem>>, vector<512x3xbf16>
      %dot_general3A_126 = arith.constant dense<0.000000e+00> : vector<512x1024xf32>
      %dot_general3A_127 = tpu.matmul %get3A_125, %get3A_79, %dot_general3A_126 {dimension_numbers = #tpu.dot_dimension_numbers<[1], [0], [0], [1], [0, 0, 1, 1], [], []>, transpose_lhs_hint = false} : vector<512x3xbf16>, vector<3x1024xbf16>, vector<512x1024xf32> -> vector<512x1024xf32>
      %get3A_128 = arith.constant 512 : index
      %get3A_129 = arith.constant 0 : index
      %get3A_130 = vector.load %arg7[%get3A_128, %get3A_129] : memref<7168x3xbf16, #tpu.memory_space<vmem>>, vector<512x3xbf16>
      %dot_general3A_131 = arith.constant dense<0.000000e+00> : vector<512x1024xf32>
      %dot_general3A_132 = tpu.matmul %get3A_130, %get3A_82, %dot_general3A_131 {dimension_numbers = #tpu.dot_dimension_numbers<[1], [0], [0], [1], [0, 0, 1, 1], [], []>, transpose_lhs_hint = false} : vector<512x3xbf16>, vector<3x1024xbf16>, vector<512x1024xf32> -> vector<512x1024xf32>
      %get3A_133 = arith.constant 512 : index
      %get3A_134 = arith.constant 0 : index
      %get3A_135 = vector.load %arg8[%get3A_133, %get3A_134] : memref<7168x1xf32, #tpu.memory_space<vmem>>, vector<512x1xf32>
      %add3A_136 = vector.broadcast %get3A_135 : vector<512x1xf32> to vector<512x1024xf32>
      %add3A_137 = arith.addf %dot_general3A_127, %add3A_136 : vector<512x1024xf32>
      %add3A_138 = vector.broadcast %get3A_85 : vector<1x1024xf32> to vector<512x1024xf32>
      %add3A_139 = arith.addf %add3A_137, %add3A_138 : vector<512x1024xf32>
      %max3A_140 = arith.constant 0.000000e+00 : f32
      %max3A_141 = vector.broadcast %max3A_140 : f32 to vector<512x1024xf32>
      %max3A_142 = arith.maximumf %add3A_139, %max3A_141 : vector<512x1024xf32>
      %lt3A_143 = arith.constant 2.500000e-03 : f32
      %lt3A_144 = vector.broadcast %lt3A_143 : f32 to vector<512x1024xf32>
      %lt3A_145 = arith.cmpf olt, %max3A_142, %lt3A_144 : vector<512x1024xf32>
      %gt3A_146 = arith.constant 0.965925812 : f32
      %gt3A_147 = vector.broadcast %gt3A_146 : f32 to vector<512x1024xf32>
      %gt3A_148 = arith.cmpf ogt, %dot_general3A_132, %gt3A_147 : vector<512x1024xf32>
      %and3A_149 = arith.andi %lt3A_145, %gt3A_148 : vector<512x1024xi1>
      %bitcast_convert_type3A_150 = tpu.bitcast %max3A_142 : vector<512x1024xf32> -> vector<512x1024xi32>
      %iota3A_151 = tpu.iota {dimensions = array<i32: 0>} : vector<512x1xi32>
      %add3A_152 = arith.constant 512 : i32
      %add3A_153 = vector.broadcast %add3A_152 : i32 to vector<512x1xi32>
      %add3A_154 = arith.addi %iota3A_151, %add3A_153 : vector<512x1xi32>
      %and3A_155 = arith.constant -8192 : i32
      %and3A_156 = vector.broadcast %and3A_155 : i32 to vector<512x1024xi32>
      %and3A_157 = arith.andi %bitcast_convert_type3A_150, %and3A_156 : vector<512x1024xi32>
      %or3A_158 = vector.broadcast %add3A_154 : vector<512x1xi32> to vector<512x1024xi32>
      %or3A_159 = arith.ori %and3A_157, %or3A_158 : vector<512x1024xi32>
      %sub3A_160 = arith.constant 1610612736 : i32
      %sub3A_161 = vector.broadcast %sub3A_160 : i32 to vector<512x1024xi32>
      %sub3A_162 = arith.subi %or3A_159, %sub3A_161 : vector<512x1024xi32>
      %select_n3A_163 = arith.select %and3A_149, %sub3A_162, %or3A_159 : vector<512x1024xi1>, vector<512x1024xi32>
      %reduce_min3A_164 = arith.constant dense<2147483647> : vector<1024xi32>
      %reduce_min3A_165 = vector.multi_reduction <minsi>, %select_n3A_163, %reduce_min3A_164 [0] : vector<512x1024xi32> to vector<1024xi32>
      %broadcast_in_dim3A_166 = vector.shape_cast %reduce_min3A_165 : vector<1024xi32> to vector<1x1024xi32>
      %min3A_167 = arith.minsi %min3A, %broadcast_in_dim3A_166 : vector<1x1024xi32>
      %get3A_168 = arith.constant 1024 : index
      %get3A_169 = arith.constant 0 : index
      %get3A_170 = vector.load %arg6[%get3A_168, %get3A_169] : memref<7168x3xbf16, #tpu.memory_space<vmem>>, vector<512x3xbf16>
      %dot_general3A_171 = arith.constant dense<0.000000e+00> : vector<512x1024xf32>
      %dot_general3A_172 = tpu.matmul %get3A_170, %get3A_79, %dot_general3A_171 {dimension_numbers = #tpu.dot_dimension_numbers<[1], [0], [0], [1], [0, 0, 1, 1], [], []>, transpose_lhs_hint = false} : vector<512x3xbf16>, vector<3x1024xbf16>, vector<512x1024xf32> -> vector<512x1024xf32>
      %get3A_173 = arith.constant 1024 : index
      %get3A_174 = arith.constant 0 : index
      %get3A_175 = vector.load %arg7[%get3A_173, %get3A_174] : memref<7168x3xbf16, #tpu.memory_space<vmem>>, vector<512x3xbf16>
      %dot_general3A_176 = arith.constant dense<0.000000e+00> : vector<512x1024xf32>
      %dot_general3A_177 = tpu.matmul %get3A_175, %get3A_82, %dot_general3A_176 {dimension_numbers = #tpu.dot_dimension_numbers<[1], [0], [0], [1], [0, 0, 1, 1], [], []>, transpose_lhs_hint = false} : vector<512x3xbf16>, vector<3x1024xbf16>, vector<512x1024xf32> -> vector<512x1024xf32>
      %get3A_178 = arith.constant 1024 : index
      %get3A_179 = arith.constant 0 : index
      %get3A_180 = vector.load %arg8[%get3A_178, %get3A_179] : memref<7168x1xf32, #tpu.memory_space<vmem>>, vector<512x1xf32>
      %add3A_181 = vector.broadcast %get3A_180 : vector<512x1xf32> to vector<512x1024xf32>
      %add3A_182 = arith.addf %dot_general3A_172, %add3A_181 : vector<512x1024xf32>
      %add3A_183 = vector.broadcast %get3A_85 : vector<1x1024xf32> to vector<512x1024xf32>
      %add3A_184 = arith.addf %add3A_182, %add3A_183 : vector<512x1024xf32>
      %max3A_185 = arith.constant 0.000000e+00 : f32
      %max3A_186 = vector.broadcast %max3A_185 : f32 to vector<512x1024xf32>
      %max3A_187 = arith.maximumf %add3A_184, %max3A_186 : vector<512x1024xf32>
      %lt3A_188 = arith.constant 2.500000e-03 : f32
      %lt3A_189 = vector.broadcast %lt3A_188 : f32 to vector<512x1024xf32>
      %lt3A_190 = arith.cmpf olt, %max3A_187, %lt3A_189 : vector<512x1024xf32>
      %gt3A_191 = arith.constant 0.965925812 : f32
      %gt3A_192 = vector.broadcast %gt3A_191 : f32 to vector<512x1024xf32>
      %gt3A_193 = arith.cmpf ogt, %dot_general3A_177, %gt3A_192 : vector<512x1024xf32>
      %and3A_194 = arith.andi %lt3A_190, %gt3A_193 : vector<512x1024xi1>
      %bitcast_convert_type3A_195 = tpu.bitcast %max3A_187 : vector<512x1024xf32> -> vector<512x1024xi32>
      %iota3A_196 = tpu.iota {dimensions = array<i32: 0>} : vector<512x1xi32>
      %add3A_197 = arith.constant 1024 : i32
      %add3A_198 = vector.broadcast %add3A_197 : i32 to vector<512x1xi32>
      %add3A_199 = arith.addi %iota3A_196, %add3A_198 : vector<512x1xi32>
      %and3A_200 = arith.constant -8192 : i32
      %and3A_201 = vector.broadcast %and3A_200 : i32 to vector<512x1024xi32>
      %and3A_202 = arith.andi %bitcast_convert_type3A_195, %and3A_201 : vector<512x1024xi32>
      %or3A_203 = vector.broadcast %add3A_199 : vector<512x1xi32> to vector<512x1024xi32>
      %or3A_204 = arith.ori %and3A_202, %or3A_203 : vector<512x1024xi32>
      %sub3A_205 = arith.constant 1610612736 : i32
      %sub3A_206 = vector.broadcast %sub3A_205 : i32 to vector<512x1024xi32>
      %sub3A_207 = arith.subi %or3A_204, %sub3A_206 : vector<512x1024xi32>
      %select_n3A_208 = arith.select %and3A_194, %sub3A_207, %or3A_204 : vector<512x1024xi1>, vector<512x1024xi32>
      %reduce_min3A_209 = arith.constant dense<2147483647> : vector<1024xi32>
      %reduce_min3A_210 = vector.multi_reduction <minsi>, %select_n3A_208, %reduce_min3A_209 [0] : vector<512x1024xi32> to vector<1024xi32>
      %broadcast_in_dim3A_211 = vector.shape_cast %reduce_min3A_210 : vector<1024xi32> to vector<1x1024xi32>
      %min3A_212 = arith.minsi %min3A_167, %broadcast_in_dim3A_211 : vector<1x1024xi32>
      %get3A_213 = arith.constant 1536 : index
      %get3A_214 = arith.constant 0 : index
      %get3A_215 = vector.load %arg6[%get3A_213, %get3A_214] : memref<7168x3xbf16, #tpu.memory_space<vmem>>, vector<512x3xbf16>
      %dot_general3A_216 = arith.constant dense<0.000000e+00> : vector<512x1024xf32>
      %dot_general3A_217 = tpu.matmul %get3A_215, %get3A_79, %dot_general3A_216 {dimension_numbers = #tpu.dot_dimension_numbers<[1], [0], [0], [1], [0, 0, 1, 1], [], []>, transpose_lhs_hint = false} : vector<512x3xbf16>, vector<3x1024xbf16>, vector<512x1024xf32> -> vector<512x1024xf32>
      %get3A_218 = arith.constant 1536 : index
      %get3A_219 = arith.constant 0 : index
      %get3A_220 = vector.load %arg7[%get3A_218, %get3A_219] : memref<7168x3xbf16, #tpu.memory_space<vmem>>, vector<512x3xbf16>
      %dot_general3A_221 = arith.constant dense<0.000000e+00> : vector<512x1024xf32>
      %dot_general3A_222 = tpu.matmul %get3A_220, %get3A_82, %dot_general3A_221 {dimension_numbers = #tpu.dot_dimension_numbers<[1], [0], [0], [1], [0, 0, 1, 1], [], []>, transpose_lhs_hint = false} : vector<512x3xbf16>, vector<3x1024xbf16>, vector<512x1024xf32> -> vector<512x1024xf32>
      %get3A_223 = arith.constant 1536 : index
      %get3A_224 = arith.constant 0 : index
      %get3A_225 = vector.load %arg8[%get3A_223, %get3A_224] : memref<7168x1xf32, #tpu.memory_space<vmem>>, vector<512x1xf32>
      %add3A_226 = vector.broadcast %get3A_225 : vector<512x1xf32> to vector<512x1024xf32>
      %add3A_227 = arith.addf %dot_general3A_217, %add3A_226 : vector<512x1024xf32>
      %add3A_228 = vector.broadcast %get3A_85 : vector<1x1024xf32> to vector<512x1024xf32>
      %add3A_229 = arith.addf %add3A_227, %add3A_228 : vector<512x1024xf32>
      %max3A_230 = arith.constant 0.000000e+00 : f32
      %max3A_231 = vector.broadcast %max3A_230 : f32 to vector<512x1024xf32>
      %max3A_232 = arith.maximumf %add3A_229, %max3A_231 : vector<512x1024xf32>
      %lt3A_233 = arith.constant 2.500000e-03 : f32
      %lt3A_234 = vector.broadcast %lt3A_233 : f32 to vector<512x1024xf32>
      %lt3A_235 = arith.cmpf olt, %max3A_232, %lt3A_234 : vector<512x1024xf32>
      %gt3A_236 = arith.constant 0.965925812 : f32
      %gt3A_237 = vector.broadcast %gt3A_236 : f32 to vector<512x1024xf32>
      %gt3A_238 = arith.cmpf ogt, %dot_general3A_222, %gt3A_237 : vector<512x1024xf32>
      %and3A_239 = arith.andi %lt3A_235, %gt3A_238 : vector<512x1024xi1>
      %bitcast_convert_type3A_240 = tpu.bitcast %max3A_232 : vector<512x1024xf32> -> vector<512x1024xi32>
      %iota3A_241 = tpu.iota {dimensions = array<i32: 0>} : vector<512x1xi32>
      %add3A_242 = arith.constant 1536 : i32
      %add3A_243 = vector.broadcast %add3A_242 : i32 to vector<512x1xi32>
      %add3A_244 = arith.addi %iota3A_241, %add3A_243 : vector<512x1xi32>
      %and3A_245 = arith.constant -8192 : i32
      %and3A_246 = vector.broadcast %and3A_245 : i32 to vector<512x1024xi32>
      %and3A_247 = arith.andi %bitcast_convert_type3A_240, %and3A_246 : vector<512x1024xi32>
      %or3A_248 = vector.broadcast %add3A_244 : vector<512x1xi32> to vector<512x1024xi32>
      %or3A_249 = arith.ori %and3A_247, %or3A_248 : vector<512x1024xi32>
      %sub3A_250 = arith.constant 1610612736 : i32
      %sub3A_251 = vector.broadcast %sub3A_250 : i32 to vector<512x1024xi32>
      %sub3A_252 = arith.subi %or3A_249, %sub3A_251 : vector<512x1024xi32>
      %select_n3A_253 = arith.select %and3A_239, %sub3A_252, %or3A_249 : vector<512x1024xi1>, vector<512x1024xi32>
      %reduce_min3A_254 = arith.constant dense<2147483647> : vector<1024xi32>
      %reduce_min3A_255 = vector.multi_reduction <minsi>, %select_n3A_253, %reduce_min3A_254 [0] : vector<512x1024xi32> to vector<1024xi32>
      %broadcast_in_dim3A_256 = vector.shape_cast %reduce_min3A_255 : vector<1024xi32> to vector<1x1024xi32>
      %min3A_257 = arith.minsi %min3A_212, %broadcast_in_dim3A_256 : vector<1x1024xi32>
      %get3A_258 = arith.constant 2048 : index
      %get3A_259 = arith.constant 0 : index
      %get3A_260 = vector.load %arg6[%get3A_258, %get3A_259] : memref<7168x3xbf16, #tpu.memory_space<vmem>>, vector<512x3xbf16>
      %dot_general3A_261 = arith.constant dense<0.000000e+00> : vector<512x1024xf32>
      %dot_general3A_262 = tpu.matmul %get3A_260, %get3A_79, %dot_general3A_261 {dimension_numbers = #tpu.dot_dimension_numbers<[1], [0], [0], [1], [0, 0, 1, 1], [], []>, transpose_lhs_hint = false} : vector<512x3xbf16>, vector<3x1024xbf16>, vector<512x1024xf32> -> vector<512x1024xf32>
      %get3A_263 = arith.constant 2048 : index
      %get3A_264 = arith.constant 0 : index
      %get3A_265 = vector.load %arg7[%get3A_263, %get3A_264] : memref<7168x3xbf16, #tpu.memory_space<vmem>>, vector<512x3xbf16>
      %dot_general3A_266 = arith.constant dense<0.000000e+00> : vector<512x1024xf32>
      %dot_general3A_267 = tpu.matmul %get3A_265, %get3A_82, %dot_general3A_266 {dimension_numbers = #tpu.dot_dimension_numbers<[1], [0], [0], [1], [0, 0, 1, 1], [], []>, transpose_lhs_hint = false} : vector<512x3xbf16>, vector<3x1024xbf16>, vector<512x1024xf32> -> vector<512x1024xf32>
      %get3A_268 = arith.constant 2048 : index
      %get3A_269 = arith.constant 0 : index
      %get3A_270 = vector.load %arg8[%get3A_268, %get3A_269] : memref<7168x1xf32, #tpu.memory_space<vmem>>, vector<512x1xf32>
      %add3A_271 = vector.broadcast %get3A_270 : vector<512x1xf32> to vector<512x1024xf32>
      %add3A_272 = arith.addf %dot_general3A_262, %add3A_271 : vector<512x1024xf32>
      %add3A_273 = vector.broadcast %get3A_85 : vector<1x1024xf32> to vector<512x1024xf32>
      %add3A_274 = arith.addf %add3A_272, %add3A_273 : vector<512x1024xf32>
      %max3A_275 = arith.constant 0.000000e+00 : f32
      %max3A_276 = vector.broadcast %max3A_275 : f32 to vector<512x1024xf32>
      %max3A_277 = arith.maximumf %add3A_274, %max3A_276 : vector<512x1024xf32>
      %lt3A_278 = arith.constant 2.500000e-03 : f32
      %lt3A_279 = vector.broadcast %lt3A_278 : f32 to vector<512x1024xf32>
      %lt3A_280 = arith.cmpf olt, %max3A_277, %lt3A_279 : vector<512x1024xf32>
      %gt3A_281 = arith.constant 0.965925812 : f32
      %gt3A_282 = vector.broadcast %gt3A_281 : f32 to vector<512x1024xf32>
      %gt3A_283 = arith.cmpf ogt, %dot_general3A_267, %gt3A_282 : vector<512x1024xf32>
      %and3A_284 = arith.andi %lt3A_280, %gt3A_283 : vector<512x1024xi1>
      %bitcast_convert_type3A_285 = tpu.bitcast %max3A_277 : vector<512x1024xf32> -> vector<512x1024xi32>
      %iota3A_286 = tpu.iota {dimensions = array<i32: 0>} : vector<512x1xi32>
      %add3A_287 = arith.constant 2048 : i32
      %add3A_288 = vector.broadcast %add3A_287 : i32 to vector<512x1xi32>
      %add3A_289 = arith.addi %iota3A_286, %add3A_288 : vector<512x1xi32>
      %and3A_290 = arith.constant -8192 : i32
      %and3A_291 = vector.broadcast %and3A_290 : i32 to vector<512x1024xi32>
      %and3A_292 = arith.andi %bitcast_convert_type3A_285, %and3A_291 : vector<512x1024xi32>
      %or3A_293 = vector.broadcast %add3A_289 : vector<512x1xi32> to vector<512x1024xi32>
      %or3A_294 = arith.ori %and3A_292, %or3A_293 : vector<512x1024xi32>
      %sub3A_295 = arith.constant 1610612736 : i32
      %sub3A_296 = vector.broadcast %sub3A_295 : i32 to vector<512x1024xi32>
      %sub3A_297 = arith.subi %or3A_294, %sub3A_296 : vector<512x1024xi32>
      %select_n3A_298 = arith.select %and3A_284, %sub3A_297, %or3A_294 : vector<512x1024xi1>, vector<512x1024xi32>
      %reduce_min3A_299 = arith.constant dense<2147483647> : vector<1024xi32>
      %reduce_min3A_300 = vector.multi_reduction <minsi>, %select_n3A_298, %reduce_min3A_299 [0] : vector<512x1024xi32> to vector<1024xi32>
      %broadcast_in_dim3A_301 = vector.shape_cast %reduce_min3A_300 : vector<1024xi32> to vector<1x1024xi32>
      %min3A_302 = arith.minsi %min3A_257, %broadcast_in_dim3A_301 : vector<1x1024xi32>
      %get3A_303 = arith.constant 2560 : index
      %get3A_304 = arith.constant 0 : index
      %get3A_305 = vector.load %arg6[%get3A_303, %get3A_304] : memref<7168x3xbf16, #tpu.memory_space<vmem>>, vector<512x3xbf16>
      %dot_general3A_306 = arith.constant dense<0.000000e+00> : vector<512x1024xf32>
      %dot_general3A_307 = tpu.matmul %get3A_305, %get3A_79, %dot_general3A_306 {dimension_numbers = #tpu.dot_dimension_numbers<[1], [0], [0], [1], [0, 0, 1, 1], [], []>, transpose_lhs_hint = false} : vector<512x3xbf16>, vector<3x1024xbf16>, vector<512x1024xf32> -> vector<512x1024xf32>
      %get3A_308 = arith.constant 2560 : index
      %get3A_309 = arith.constant 0 : index
      %get3A_310 = vector.load %arg7[%get3A_308, %get3A_309] : memref<7168x3xbf16, #tpu.memory_space<vmem>>, vector<512x3xbf16>
      %dot_general3A_311 = arith.constant dense<0.000000e+00> : vector<512x1024xf32>
      %dot_general3A_312 = tpu.matmul %get3A_310, %get3A_82, %dot_general3A_311 {dimension_numbers = #tpu.dot_dimension_numbers<[1], [0], [0], [1], [0, 0, 1, 1], [], []>, transpose_lhs_hint = false} : vector<512x3xbf16>, vector<3x1024xbf16>, vector<512x1024xf32> -> vector<512x1024xf32>
      %get3A_313 = arith.constant 2560 : index
      %get3A_314 = arith.constant 0 : index
      %get3A_315 = vector.load %arg8[%get3A_313, %get3A_314] : memref<7168x1xf32, #tpu.memory_space<vmem>>, vector<512x1xf32>
      %add3A_316 = vector.broadcast %get3A_315 : vector<512x1xf32> to vector<512x1024xf32>
      %add3A_317 = arith.addf %dot_general3A_307, %add3A_316 : vector<512x1024xf32>
      %add3A_318 = vector.broadcast %get3A_85 : vector<1x1024xf32> to vector<512x1024xf32>
      %add3A_319 = arith.addf %add3A_317, %add3A_318 : vector<512x1024xf32>
      %max3A_320 = arith.constant 0.000000e+00 : f32
      %max3A_321 = vector.broadcast %max3A_320 : f32 to vector<512x1024xf32>
      %max3A_322 = arith.maximumf %add3A_319, %max3A_321 : vector<512x1024xf32>
      %lt3A_323 = arith.constant 2.500000e-03 : f32
      %lt3A_324 = vector.broadcast %lt3A_323 : f32 to vector<512x1024xf32>
      %lt3A_325 = arith.cmpf olt, %max3A_322, %lt3A_324 : vector<512x1024xf32>
      %gt3A_326 = arith.constant 0.965925812 : f32
      %gt3A_327 = vector.broadcast %gt3A_326 : f32 to vector<512x1024xf32>
      %gt3A_328 = arith.cmpf ogt, %dot_general3A_312, %gt3A_327 : vector<512x1024xf32>
      %and3A_329 = arith.andi %lt3A_325, %gt3A_328 : vector<512x1024xi1>
      %bitcast_convert_type3A_330 = tpu.bitcast %max3A_322 : vector<512x1024xf32> -> vector<512x1024xi32>
      %iota3A_331 = tpu.iota {dimensions = array<i32: 0>} : vector<512x1xi32>
      %add3A_332 = arith.constant 2560 : i32
      %add3A_333 = vector.broadcast %add3A_332 : i32 to vector<512x1xi32>
      %add3A_334 = arith.addi %iota3A_331, %add3A_333 : vector<512x1xi32>
      %and3A_335 = arith.constant -8192 : i32
      %and3A_336 = vector.broadcast %and3A_335 : i32 to vector<512x1024xi32>
      %and3A_337 = arith.andi %bitcast_convert_type3A_330, %and3A_336 : vector<512x1024xi32>
      %or3A_338 = vector.broadcast %add3A_334 : vector<512x1xi32> to vector<512x1024xi32>
      %or3A_339 = arith.ori %and3A_337, %or3A_338 : vector<512x1024xi32>
      %sub3A_340 = arith.constant 1610612736 : i32
      %sub3A_341 = vector.broadcast %sub3A_340 : i32 to vector<512x1024xi32>
      %sub3A_342 = arith.subi %or3A_339, %sub3A_341 : vector<512x1024xi32>
      %select_n3A_343 = arith.select %and3A_329, %sub3A_342, %or3A_339 : vector<512x1024xi1>, vector<512x1024xi32>
      %reduce_min3A_344 = arith.constant dense<2147483647> : vector<1024xi32>
      %reduce_min3A_345 = vector.multi_reduction <minsi>, %select_n3A_343, %reduce_min3A_344 [0] : vector<512x1024xi32> to vector<1024xi32>
      %broadcast_in_dim3A_346 = vector.shape_cast %reduce_min3A_345 : vector<1024xi32> to vector<1x1024xi32>
      %min3A_347 = arith.minsi %min3A_302, %broadcast_in_dim3A_346 : vector<1x1024xi32>
      %get3A_348 = arith.constant 3072 : index
      %get3A_349 = arith.constant 0 : index
      %get3A_350 = vector.load %arg6[%get3A_348, %get3A_349] : memref<7168x3xbf16, #tpu.memory_space<vmem>>, vector<512x3xbf16>
      %dot_general3A_351 = arith.constant dense<0.000000e+00> : vector<512x1024xf32>
      %dot_general3A_352 = tpu.matmul %get3A_350, %get3A_79, %dot_general3A_351 {dimension_numbers = #tpu.dot_dimension_numbers<[1], [0], [0], [1], [0, 0, 1, 1], [], []>, transpose_lhs_hint = false} : vector<512x3xbf16>, vector<3x1024xbf16>, vector<512x1024xf32> -> vector<512x1024xf32>
      %get3A_353 = arith.constant 3072 : index
      %get3A_354 = arith.constant 0 : index
      %get3A_355 = vector.load %arg7[%get3A_353, %get3A_354] : memref<7168x3xbf16, #tpu.memory_space<vmem>>, vector<512x3xbf16>
      %dot_general3A_356 = arith.constant dense<0.000000e+00> : vector<512x1024xf32>
      %dot_general3A_357 = tpu.matmul %get3A_355, %get3A_82, %dot_general3A_356 {dimension_numbers = #tpu.dot_dimension_numbers<[1], [0], [0], [1], [0, 0, 1, 1], [], []>, transpose_lhs_hint = false} : vector<512x3xbf16>, vector<3x1024xbf16>, vector<512x1024xf32> -> vector<512x1024xf32>
      %get3A_358 = arith.constant 3072 : index
      %get3A_359 = arith.constant 0 : index
      %get3A_360 = vector.load %arg8[%get3A_358, %get3A_359] : memref<7168x1xf32, #tpu.memory_space<vmem>>, vector<512x1xf32>
      %add3A_361 = vector.broadcast %get3A_360 : vector<512x1xf32> to vector<512x1024xf32>
      %add3A_362 = arith.addf %dot_general3A_352, %add3A_361 : vector<512x1024xf32>
      %add3A_363 = vector.broadcast %get3A_85 : vector<1x1024xf32> to vector<512x1024xf32>
      %add3A_364 = arith.addf %add3A_362, %add3A_363 : vector<512x1024xf32>
      %max3A_365 = arith.constant 0.000000e+00 : f32
      %max3A_366 = vector.broadcast %max3A_365 : f32 to vector<512x1024xf32>
      %max3A_367 = arith.maximumf %add3A_364, %max3A_366 : vector<512x1024xf32>
      %lt3A_368 = arith.constant 2.500000e-03 : f32
      %lt3A_369 = vector.broadcast %lt3A_368 : f32 to vector<512x1024xf32>
      %lt3A_370 = arith.cmpf olt, %max3A_367, %lt3A_369 : vector<512x1024xf32>
      %gt3A_371 = arith.constant 0.965925812 : f32
      %gt3A_372 = vector.broadcast %gt3A_371 : f32 to vector<512x1024xf32>
      %gt3A_373 = arith.cmpf ogt, %dot_general3A_357, %gt3A_372 : vector<512x1024xf32>
      %and3A_374 = arith.andi %lt3A_370, %gt3A_373 : vector<512x1024xi1>
      %bitcast_convert_type3A_375 = tpu.bitcast %max3A_367 : vector<512x1024xf32> -> vector<512x1024xi32>
      %iota3A_376 = tpu.iota {dimensions = array<i32: 0>} : vector<512x1xi32>
      %add3A_377 = arith.constant 3072 : i32
      %add3A_378 = vector.broadcast %add3A_377 : i32 to vector<512x1xi32>
      %add3A_379 = arith.addi %iota3A_376, %add3A_378 : vector<512x1xi32>
      %and3A_380 = arith.constant -8192 : i32
      %and3A_381 = vector.broadcast %and3A_380 : i32 to vector<512x1024xi32>
      %and3A_382 = arith.andi %bitcast_convert_type3A_375, %and3A_381 : vector<512x1024xi32>
      %or3A_383 = vector.broadcast %add3A_379 : vector<512x1xi32> to vector<512x1024xi32>
      %or3A_384 = arith.ori %and3A_382, %or3A_383 : vector<512x1024xi32>
      %sub3A_385 = arith.constant 1610612736 : i32
      %sub3A_386 = vector.broadcast %sub3A_385 : i32 to vector<512x1024xi32>
      %sub3A_387 = arith.subi %or3A_384, %sub3A_386 : vector<512x1024xi32>
      %select_n3A_388 = arith.select %and3A_374, %sub3A_387, %or3A_384 : vector<512x1024xi1>, vector<512x1024xi32>
      %reduce_min3A_389 = arith.constant dense<2147483647> : vector<1024xi32>
      %reduce_min3A_390 = vector.multi_reduction <minsi>, %select_n3A_388, %reduce_min3A_389 [0] : vector<512x1024xi32> to vector<1024xi32>
      %broadcast_in_dim3A_391 = vector.shape_cast %reduce_min3A_390 : vector<1024xi32> to vector<1x1024xi32>
      %min3A_392 = arith.minsi %min3A_347, %broadcast_in_dim3A_391 : vector<1x1024xi32>
      %get3A_393 = arith.constant 3584 : index
      %get3A_394 = arith.constant 0 : index
      %get3A_395 = vector.load %arg6[%get3A_393, %get3A_394] : memref<7168x3xbf16, #tpu.memory_space<vmem>>, vector<512x3xbf16>
      %dot_general3A_396 = arith.constant dense<0.000000e+00> : vector<512x1024xf32>
      %dot_general3A_397 = tpu.matmul %get3A_395, %get3A_79, %dot_general3A_396 {dimension_numbers = #tpu.dot_dimension_numbers<[1], [0], [0], [1], [0, 0, 1, 1], [], []>, transpose_lhs_hint = false} : vector<512x3xbf16>, vector<3x1024xbf16>, vector<512x1024xf32> -> vector<512x1024xf32>
      %get3A_398 = arith.constant 3584 : index
      %get3A_399 = arith.constant 0 : index
      %get3A_400 = vector.load %arg7[%get3A_398, %get3A_399] : memref<7168x3xbf16, #tpu.memory_space<vmem>>, vector<512x3xbf16>
      %dot_general3A_401 = arith.constant dense<0.000000e+00> : vector<512x1024xf32>
      %dot_general3A_402 = tpu.matmul %get3A_400, %get3A_82, %dot_general3A_401 {dimension_numbers = #tpu.dot_dimension_numbers<[1], [0], [0], [1], [0, 0, 1, 1], [], []>, transpose_lhs_hint = false} : vector<512x3xbf16>, vector<3x1024xbf16>, vector<512x1024xf32> -> vector<512x1024xf32>
      %get3A_403 = arith.constant 3584 : index
      %get3A_404 = arith.constant 0 : index
      %get3A_405 = vector.load %arg8[%get3A_403, %get3A_404] : memref<7168x1xf32, #tpu.memory_space<vmem>>, vector<512x1xf32>
      %add3A_406 = vector.broadcast %get3A_405 : vector<512x1xf32> to vector<512x1024xf32>
      %add3A_407 = arith.addf %dot_general3A_397, %add3A_406 : vector<512x1024xf32>
      %add3A_408 = vector.broadcast %get3A_85 : vector<1x1024xf32> to vector<512x1024xf32>
      %add3A_409 = arith.addf %add3A_407, %add3A_408 : vector<512x1024xf32>
      %max3A_410 = arith.constant 0.000000e+00 : f32
      %max3A_411 = vector.broadcast %max3A_410 : f32 to vector<512x1024xf32>
      %max3A_412 = arith.maximumf %add3A_409, %max3A_411 : vector<512x1024xf32>
      %lt3A_413 = arith.constant 2.500000e-03 : f32
      %lt3A_414 = vector.broadcast %lt3A_413 : f32 to vector<512x1024xf32>
      %lt3A_415 = arith.cmpf olt, %max3A_412, %lt3A_414 : vector<512x1024xf32>
      %gt3A_416 = arith.constant 0.965925812 : f32
      %gt3A_417 = vector.broadcast %gt3A_416 : f32 to vector<512x1024xf32>
      %gt3A_418 = arith.cmpf ogt, %dot_general3A_402, %gt3A_417 : vector<512x1024xf32>
      %and3A_419 = arith.andi %lt3A_415, %gt3A_418 : vector<512x1024xi1>
      %bitcast_convert_type3A_420 = tpu.bitcast %max3A_412 : vector<512x1024xf32> -> vector<512x1024xi32>
      %iota3A_421 = tpu.iota {dimensions = array<i32: 0>} : vector<512x1xi32>
      %add3A_422 = arith.constant 3584 : i32
      %add3A_423 = vector.broadcast %add3A_422 : i32 to vector<512x1xi32>
      %add3A_424 = arith.addi %iota3A_421, %add3A_423 : vector<512x1xi32>
      %and3A_425 = arith.constant -8192 : i32
      %and3A_426 = vector.broadcast %and3A_425 : i32 to vector<512x1024xi32>
      %and3A_427 = arith.andi %bitcast_convert_type3A_420, %and3A_426 : vector<512x1024xi32>
      %or3A_428 = vector.broadcast %add3A_424 : vector<512x1xi32> to vector<512x1024xi32>
      %or3A_429 = arith.ori %and3A_427, %or3A_428 : vector<512x1024xi32>
      %sub3A_430 = arith.constant 1610612736 : i32
      %sub3A_431 = vector.broadcast %sub3A_430 : i32 to vector<512x1024xi32>
      %sub3A_432 = arith.subi %or3A_429, %sub3A_431 : vector<512x1024xi32>
      %select_n3A_433 = arith.select %and3A_419, %sub3A_432, %or3A_429 : vector<512x1024xi1>, vector<512x1024xi32>
      %reduce_min3A_434 = arith.constant dense<2147483647> : vector<1024xi32>
      %reduce_min3A_435 = vector.multi_reduction <minsi>, %select_n3A_433, %reduce_min3A_434 [0] : vector<512x1024xi32> to vector<1024xi32>
      %broadcast_in_dim3A_436 = vector.shape_cast %reduce_min3A_435 : vector<1024xi32> to vector<1x1024xi32>
      %min3A_437 = arith.minsi %min3A_392, %broadcast_in_dim3A_436 : vector<1x1024xi32>
      %get3A_438 = arith.constant 4096 : index
      %get3A_439 = arith.constant 0 : index
      %get3A_440 = vector.load %arg6[%get3A_438, %get3A_439] : memref<7168x3xbf16, #tpu.memory_space<vmem>>, vector<512x3xbf16>
      %dot_general3A_441 = arith.constant dense<0.000000e+00> : vector<512x1024xf32>
      %dot_general3A_442 = tpu.matmul %get3A_440, %get3A_79, %dot_general3A_441 {dimension_numbers = #tpu.dot_dimension_numbers<[1], [0], [0], [1], [0, 0, 1, 1], [], []>, transpose_lhs_hint = false} : vector<512x3xbf16>, vector<3x1024xbf16>, vector<512x1024xf32> -> vector<512x1024xf32>
      %get3A_443 = arith.constant 4096 : index
      %get3A_444 = arith.constant 0 : index
      %get3A_445 = vector.load %arg7[%get3A_443, %get3A_444] : memref<7168x3xbf16, #tpu.memory_space<vmem>>, vector<512x3xbf16>
      %dot_general3A_446 = arith.constant dense<0.000000e+00> : vector<512x1024xf32>
      %dot_general3A_447 = tpu.matmul %get3A_445, %get3A_82, %dot_general3A_446 {dimension_numbers = #tpu.dot_dimension_numbers<[1], [0], [0], [1], [0, 0, 1, 1], [], []>, transpose_lhs_hint = false} : vector<512x3xbf16>, vector<3x1024xbf16>, vector<512x1024xf32> -> vector<512x1024xf32>
      %get3A_448 = arith.constant 4096 : index
      %get3A_449 = arith.constant 0 : index
      %get3A_450 = vector.load %arg8[%get3A_448, %get3A_449] : memref<7168x1xf32, #tpu.memory_space<vmem>>, vector<512x1xf32>
      %add3A_451 = vector.broadcast %get3A_450 : vector<512x1xf32> to vector<512x1024xf32>
      %add3A_452 = arith.addf %dot_general3A_442, %add3A_451 : vector<512x1024xf32>
      %add3A_453 = vector.broadcast %get3A_85 : vector<1x1024xf32> to vector<512x1024xf32>
      %add3A_454 = arith.addf %add3A_452, %add3A_453 : vector<512x1024xf32>
      %max3A_455 = arith.constant 0.000000e+00 : f32
      %max3A_456 = vector.broadcast %max3A_455 : f32 to vector<512x1024xf32>
      %max3A_457 = arith.maximumf %add3A_454, %max3A_456 : vector<512x1024xf32>
      %lt3A_458 = arith.constant 2.500000e-03 : f32
      %lt3A_459 = vector.broadcast %lt3A_458 : f32 to vector<512x1024xf32>
      %lt3A_460 = arith.cmpf olt, %max3A_457, %lt3A_459 : vector<512x1024xf32>
      %gt3A_461 = arith.constant 0.965925812 : f32
      %gt3A_462 = vector.broadcast %gt3A_461 : f32 to vector<512x1024xf32>
      %gt3A_463 = arith.cmpf ogt, %dot_general3A_447, %gt3A_462 : vector<512x1024xf32>
      %and3A_464 = arith.andi %lt3A_460, %gt3A_463 : vector<512x1024xi1>
      %bitcast_convert_type3A_465 = tpu.bitcast %max3A_457 : vector<512x1024xf32> -> vector<512x1024xi32>
      %iota3A_466 = tpu.iota {dimensions = array<i32: 0>} : vector<512x1xi32>
      %add3A_467 = arith.constant 4096 : i32
      %add3A_468 = vector.broadcast %add3A_467 : i32 to vector<512x1xi32>
      %add3A_469 = arith.addi %iota3A_466, %add3A_468 : vector<512x1xi32>
      %and3A_470 = arith.constant -8192 : i32
      %and3A_471 = vector.broadcast %and3A_470 : i32 to vector<512x1024xi32>
      %and3A_472 = arith.andi %bitcast_convert_type3A_465, %and3A_471 : vector<512x1024xi32>
      %or3A_473 = vector.broadcast %add3A_469 : vector<512x1xi32> to vector<512x1024xi32>
      %or3A_474 = arith.ori %and3A_472, %or3A_473 : vector<512x1024xi32>
      %sub3A_475 = arith.constant 1610612736 : i32
      %sub3A_476 = vector.broadcast %sub3A_475 : i32 to vector<512x1024xi32>
      %sub3A_477 = arith.subi %or3A_474, %sub3A_476 : vector<512x1024xi32>
      %select_n3A_478 = arith.select %and3A_464, %sub3A_477, %or3A_474 : vector<512x1024xi1>, vector<512x1024xi32>
      %reduce_min3A_479 = arith.constant dense<2147483647> : vector<1024xi32>
      %reduce_min3A_480 = vector.multi_reduction <minsi>, %select_n3A_478, %reduce_min3A_479 [0] : vector<512x1024xi32> to vector<1024xi32>
      %broadcast_in_dim3A_481 = vector.shape_cast %reduce_min3A_480 : vector<1024xi32> to vector<1x1024xi32>
      %min3A_482 = arith.minsi %min3A_437, %broadcast_in_dim3A_481 : vector<1x1024xi32>
      %get3A_483 = arith.constant 4608 : index
      %get3A_484 = arith.constant 0 : index
      %get3A_485 = vector.load %arg6[%get3A_483, %get3A_484] : memref<7168x3xbf16, #tpu.memory_space<vmem>>, vector<512x3xbf16>
      %dot_general3A_486 = arith.constant dense<0.000000e+00> : vector<512x1024xf32>
      %dot_general3A_487 = tpu.matmul %get3A_485, %get3A_79, %dot_general3A_486 {dimension_numbers = #tpu.dot_dimension_numbers<[1], [0], [0], [1], [0, 0, 1, 1], [], []>, transpose_lhs_hint = false} : vector<512x3xbf16>, vector<3x1024xbf16>, vector<512x1024xf32> -> vector<512x1024xf32>
      %get3A_488 = arith.constant 4608 : index
      %get3A_489 = arith.constant 0 : index
      %get3A_490 = vector.load %arg7[%get3A_488, %get3A_489] : memref<7168x3xbf16, #tpu.memory_space<vmem>>, vector<512x3xbf16>
      %dot_general3A_491 = arith.constant dense<0.000000e+00> : vector<512x1024xf32>
      %dot_general3A_492 = tpu.matmul %get3A_490, %get3A_82, %dot_general3A_491 {dimension_numbers = #tpu.dot_dimension_numbers<[1], [0], [0], [1], [0, 0, 1, 1], [], []>, transpose_lhs_hint = false} : vector<512x3xbf16>, vector<3x1024xbf16>, vector<512x1024xf32> -> vector<512x1024xf32>
      %get3A_493 = arith.constant 4608 : index
      %get3A_494 = arith.constant 0 : index
      %get3A_495 = vector.load %arg8[%get3A_493, %get3A_494] : memref<7168x1xf32, #tpu.memory_space<vmem>>, vector<512x1xf32>
      %add3A_496 = vector.broadcast %get3A_495 : vector<512x1xf32> to vector<512x1024xf32>
      %add3A_497 = arith.addf %dot_general3A_487, %add3A_496 : vector<512x1024xf32>
      %add3A_498 = vector.broadcast %get3A_85 : vector<1x1024xf32> to vector<512x1024xf32>
      %add3A_499 = arith.addf %add3A_497, %add3A_498 : vector<512x1024xf32>
      %max3A_500 = arith.constant 0.000000e+00 : f32
      %max3A_501 = vector.broadcast %max3A_500 : f32 to vector<512x1024xf32>
      %max3A_502 = arith.maximumf %add3A_499, %max3A_501 : vector<512x1024xf32>
      %lt3A_503 = arith.constant 2.500000e-03 : f32
      %lt3A_504 = vector.broadcast %lt3A_503 : f32 to vector<512x1024xf32>
      %lt3A_505 = arith.cmpf olt, %max3A_502, %lt3A_504 : vector<512x1024xf32>
      %gt3A_506 = arith.constant 0.965925812 : f32
      %gt3A_507 = vector.broadcast %gt3A_506 : f32 to vector<512x1024xf32>
      %gt3A_508 = arith.cmpf ogt, %dot_general3A_492, %gt3A_507 : vector<512x1024xf32>
      %and3A_509 = arith.andi %lt3A_505, %gt3A_508 : vector<512x1024xi1>
      %bitcast_convert_type3A_510 = tpu.bitcast %max3A_502 : vector<512x1024xf32> -> vector<512x1024xi32>
      %iota3A_511 = tpu.iota {dimensions = array<i32: 0>} : vector<512x1xi32>
      %add3A_512 = arith.constant 4608 : i32
      %add3A_513 = vector.broadcast %add3A_512 : i32 to vector<512x1xi32>
      %add3A_514 = arith.addi %iota3A_511, %add3A_513 : vector<512x1xi32>
      %and3A_515 = arith.constant -8192 : i32
      %and3A_516 = vector.broadcast %and3A_515 : i32 to vector<512x1024xi32>
      %and3A_517 = arith.andi %bitcast_convert_type3A_510, %and3A_516 : vector<512x1024xi32>
      %or3A_518 = vector.broadcast %add3A_514 : vector<512x1xi32> to vector<512x1024xi32>
      %or3A_519 = arith.ori %and3A_517, %or3A_518 : vector<512x1024xi32>
      %sub3A_520 = arith.constant 1610612736 : i32
      %sub3A_521 = vector.broadcast %sub3A_520 : i32 to vector<512x1024xi32>
      %sub3A_522 = arith.subi %or3A_519, %sub3A_521 : vector<512x1024xi32>
      %select_n3A_523 = arith.select %and3A_509, %sub3A_522, %or3A_519 : vector<512x1024xi1>, vector<512x1024xi32>
      %reduce_min3A_524 = arith.constant dense<2147483647> : vector<1024xi32>
      %reduce_min3A_525 = vector.multi_reduction <minsi>, %select_n3A_523, %reduce_min3A_524 [0] : vector<512x1024xi32> to vector<1024xi32>
      %broadcast_in_dim3A_526 = vector.shape_cast %reduce_min3A_525 : vector<1024xi32> to vector<1x1024xi32>
      %min3A_527 = arith.minsi %min3A_482, %broadcast_in_dim3A_526 : vector<1x1024xi32>
      %get3A_528 = arith.constant 5120 : index
      %get3A_529 = arith.constant 0 : index
      %get3A_530 = vector.load %arg6[%get3A_528, %get3A_529] : memref<7168x3xbf16, #tpu.memory_space<vmem>>, vector<512x3xbf16>
      %dot_general3A_531 = arith.constant dense<0.000000e+00> : vector<512x1024xf32>
      %dot_general3A_532 = tpu.matmul %get3A_530, %get3A_79, %dot_general3A_531 {dimension_numbers = #tpu.dot_dimension_numbers<[1], [0], [0], [1], [0, 0, 1, 1], [], []>, transpose_lhs_hint = false} : vector<512x3xbf16>, vector<3x1024xbf16>, vector<512x1024xf32> -> vector<512x1024xf32>
      %get3A_533 = arith.constant 5120 : index
      %get3A_534 = arith.constant 0 : index
      %get3A_535 = vector.load %arg7[%get3A_533, %get3A_534] : memref<7168x3xbf16, #tpu.memory_space<vmem>>, vector<512x3xbf16>
      %dot_general3A_536 = arith.constant dense<0.000000e+00> : vector<512x1024xf32>
      %dot_general3A_537 = tpu.matmul %get3A_535, %get3A_82, %dot_general3A_536 {dimension_numbers = #tpu.dot_dimension_numbers<[1], [0], [0], [1], [0, 0, 1, 1], [], []>, transpose_lhs_hint = false} : vector<512x3xbf16>, vector<3x1024xbf16>, vector<512x1024xf32> -> vector<512x1024xf32>
      %get3A_538 = arith.constant 5120 : index
      %get3A_539 = arith.constant 0 : index
      %get3A_540 = vector.load %arg8[%get3A_538, %get3A_539] : memref<7168x1xf32, #tpu.memory_space<vmem>>, vector<512x1xf32>
      %add3A_541 = vector.broadcast %get3A_540 : vector<512x1xf32> to vector<512x1024xf32>
      %add3A_542 = arith.addf %dot_general3A_532, %add3A_541 : vector<512x1024xf32>
      %add3A_543 = vector.broadcast %get3A_85 : vector<1x1024xf32> to vector<512x1024xf32>
      %add3A_544 = arith.addf %add3A_542, %add3A_543 : vector<512x1024xf32>
      %max3A_545 = arith.constant 0.000000e+00 : f32
      %max3A_546 = vector.broadcast %max3A_545 : f32 to vector<512x1024xf32>
      %max3A_547 = arith.maximumf %add3A_544, %max3A_546 : vector<512x1024xf32>
      %lt3A_548 = arith.constant 2.500000e-03 : f32
      %lt3A_549 = vector.broadcast %lt3A_548 : f32 to vector<512x1024xf32>
      %lt3A_550 = arith.cmpf olt, %max3A_547, %lt3A_549 : vector<512x1024xf32>
      %gt3A_551 = arith.constant 0.965925812 : f32
      %gt3A_552 = vector.broadcast %gt3A_551 : f32 to vector<512x1024xf32>
      %gt3A_553 = arith.cmpf ogt, %dot_general3A_537, %gt3A_552 : vector<512x1024xf32>
      %and3A_554 = arith.andi %lt3A_550, %gt3A_553 : vector<512x1024xi1>
      %bitcast_convert_type3A_555 = tpu.bitcast %max3A_547 : vector<512x1024xf32> -> vector<512x1024xi32>
      %iota3A_556 = tpu.iota {dimensions = array<i32: 0>} : vector<512x1xi32>
      %add3A_557 = arith.constant 5120 : i32
      %add3A_558 = vector.broadcast %add3A_557 : i32 to vector<512x1xi32>
      %add3A_559 = arith.addi %iota3A_556, %add3A_558 : vector<512x1xi32>
      %and3A_560 = arith.constant -8192 : i32
      %and3A_561 = vector.broadcast %and3A_560 : i32 to vector<512x1024xi32>
      %and3A_562 = arith.andi %bitcast_convert_type3A_555, %and3A_561 : vector<512x1024xi32>
      %or3A_563 = vector.broadcast %add3A_559 : vector<512x1xi32> to vector<512x1024xi32>
      %or3A_564 = arith.ori %and3A_562, %or3A_563 : vector<512x1024xi32>
      %sub3A_565 = arith.constant 1610612736 : i32
      %sub3A_566 = vector.broadcast %sub3A_565 : i32 to vector<512x1024xi32>
      %sub3A_567 = arith.subi %or3A_564, %sub3A_566 : vector<512x1024xi32>
      %select_n3A_568 = arith.select %and3A_554, %sub3A_567, %or3A_564 : vector<512x1024xi1>, vector<512x1024xi32>
      %reduce_min3A_569 = arith.constant dense<2147483647> : vector<1024xi32>
      %reduce_min3A_570 = vector.multi_reduction <minsi>, %select_n3A_568, %reduce_min3A_569 [0] : vector<512x1024xi32> to vector<1024xi32>
      %broadcast_in_dim3A_571 = vector.shape_cast %reduce_min3A_570 : vector<1024xi32> to vector<1x1024xi32>
      %min3A_572 = arith.minsi %min3A_527, %broadcast_in_dim3A_571 : vector<1x1024xi32>
      %get3A_573 = arith.constant 5632 : index
      %get3A_574 = arith.constant 0 : index
      %get3A_575 = vector.load %arg6[%get3A_573, %get3A_574] : memref<7168x3xbf16, #tpu.memory_space<vmem>>, vector<512x3xbf16>
      %dot_general3A_576 = arith.constant dense<0.000000e+00> : vector<512x1024xf32>
      %dot_general3A_577 = tpu.matmul %get3A_575, %get3A_79, %dot_general3A_576 {dimension_numbers = #tpu.dot_dimension_numbers<[1], [0], [0], [1], [0, 0, 1, 1], [], []>, transpose_lhs_hint = false} : vector<512x3xbf16>, vector<3x1024xbf16>, vector<512x1024xf32> -> vector<512x1024xf32>
      %get3A_578 = arith.constant 5632 : index
      %get3A_579 = arith.constant 0 : index
      %get3A_580 = vector.load %arg7[%get3A_578, %get3A_579] : memref<7168x3xbf16, #tpu.memory_space<vmem>>, vector<512x3xbf16>
      %dot_general3A_581 = arith.constant dense<0.000000e+00> : vector<512x1024xf32>
      %dot_general3A_582 = tpu.matmul %get3A_580, %get3A_82, %dot_general3A_581 {dimension_numbers = #tpu.dot_dimension_numbers<[1], [0], [0], [1], [0, 0, 1, 1], [], []>, transpose_lhs_hint = false} : vector<512x3xbf16>, vector<3x1024xbf16>, vector<512x1024xf32> -> vector<512x1024xf32>
      %get3A_583 = arith.constant 5632 : index
      %get3A_584 = arith.constant 0 : index
      %get3A_585 = vector.load %arg8[%get3A_583, %get3A_584] : memref<7168x1xf32, #tpu.memory_space<vmem>>, vector<512x1xf32>
      %add3A_586 = vector.broadcast %get3A_585 : vector<512x1xf32> to vector<512x1024xf32>
      %add3A_587 = arith.addf %dot_general3A_577, %add3A_586 : vector<512x1024xf32>
      %add3A_588 = vector.broadcast %get3A_85 : vector<1x1024xf32> to vector<512x1024xf32>
      %add3A_589 = arith.addf %add3A_587, %add3A_588 : vector<512x1024xf32>
      %max3A_590 = arith.constant 0.000000e+00 : f32
      %max3A_591 = vector.broadcast %max3A_590 : f32 to vector<512x1024xf32>
      %max3A_592 = arith.maximumf %add3A_589, %max3A_591 : vector<512x1024xf32>
      %lt3A_593 = arith.constant 2.500000e-03 : f32
      %lt3A_594 = vector.broadcast %lt3A_593 : f32 to vector<512x1024xf32>
      %lt3A_595 = arith.cmpf olt, %max3A_592, %lt3A_594 : vector<512x1024xf32>
      %gt3A_596 = arith.constant 0.965925812 : f32
      %gt3A_597 = vector.broadcast %gt3A_596 : f32 to vector<512x1024xf32>
      %gt3A_598 = arith.cmpf ogt, %dot_general3A_582, %gt3A_597 : vector<512x1024xf32>
      %and3A_599 = arith.andi %lt3A_595, %gt3A_598 : vector<512x1024xi1>
      %bitcast_convert_type3A_600 = tpu.bitcast %max3A_592 : vector<512x1024xf32> -> vector<512x1024xi32>
      %iota3A_601 = tpu.iota {dimensions = array<i32: 0>} : vector<512x1xi32>
      %add3A_602 = arith.constant 5632 : i32
      %add3A_603 = vector.broadcast %add3A_602 : i32 to vector<512x1xi32>
      %add3A_604 = arith.addi %iota3A_601, %add3A_603 : vector<512x1xi32>
      %and3A_605 = arith.constant -8192 : i32
      %and3A_606 = vector.broadcast %and3A_605 : i32 to vector<512x1024xi32>
      %and3A_607 = arith.andi %bitcast_convert_type3A_600, %and3A_606 : vector<512x1024xi32>
      %or3A_608 = vector.broadcast %add3A_604 : vector<512x1xi32> to vector<512x1024xi32>
      %or3A_609 = arith.ori %and3A_607, %or3A_608 : vector<512x1024xi32>
      %sub3A_610 = arith.constant 1610612736 : i32
      %sub3A_611 = vector.broadcast %sub3A_610 : i32 to vector<512x1024xi32>
      %sub3A_612 = arith.subi %or3A_609, %sub3A_611 : vector<512x1024xi32>
      %select_n3A_613 = arith.select %and3A_599, %sub3A_612, %or3A_609 : vector<512x1024xi1>, vector<512x1024xi32>
      %reduce_min3A_614 = arith.constant dense<2147483647> : vector<1024xi32>
      %reduce_min3A_615 = vector.multi_reduction <minsi>, %select_n3A_613, %reduce_min3A_614 [0] : vector<512x1024xi32> to vector<1024xi32>
      %broadcast_in_dim3A_616 = vector.shape_cast %reduce_min3A_615 : vector<1024xi32> to vector<1x1024xi32>
      %min3A_617 = arith.minsi %min3A_572, %broadcast_in_dim3A_616 : vector<1x1024xi32>
      %get3A_618 = arith.constant 6144 : index
      %get3A_619 = arith.constant 0 : index
      %get3A_620 = vector.load %arg6[%get3A_618, %get3A_619] : memref<7168x3xbf16, #tpu.memory_space<vmem>>, vector<512x3xbf16>
      %dot_general3A_621 = arith.constant dense<0.000000e+00> : vector<512x1024xf32>
      %dot_general3A_622 = tpu.matmul %get3A_620, %get3A_79, %dot_general3A_621 {dimension_numbers = #tpu.dot_dimension_numbers<[1], [0], [0], [1], [0, 0, 1, 1], [], []>, transpose_lhs_hint = false} : vector<512x3xbf16>, vector<3x1024xbf16>, vector<512x1024xf32> -> vector<512x1024xf32>
      %get3A_623 = arith.constant 6144 : index
      %get3A_624 = arith.constant 0 : index
      %get3A_625 = vector.load %arg7[%get3A_623, %get3A_624] : memref<7168x3xbf16, #tpu.memory_space<vmem>>, vector<512x3xbf16>
      %dot_general3A_626 = arith.constant dense<0.000000e+00> : vector<512x1024xf32>
      %dot_general3A_627 = tpu.matmul %get3A_625, %get3A_82, %dot_general3A_626 {dimension_numbers = #tpu.dot_dimension_numbers<[1], [0], [0], [1], [0, 0, 1, 1], [], []>, transpose_lhs_hint = false} : vector<512x3xbf16>, vector<3x1024xbf16>, vector<512x1024xf32> -> vector<512x1024xf32>
      %get3A_628 = arith.constant 6144 : index
      %get3A_629 = arith.constant 0 : index
      %get3A_630 = vector.load %arg8[%get3A_628, %get3A_629] : memref<7168x1xf32, #tpu.memory_space<vmem>>, vector<512x1xf32>
      %add3A_631 = vector.broadcast %get3A_630 : vector<512x1xf32> to vector<512x1024xf32>
      %add3A_632 = arith.addf %dot_general3A_622, %add3A_631 : vector<512x1024xf32>
      %add3A_633 = vector.broadcast %get3A_85 : vector<1x1024xf32> to vector<512x1024xf32>
      %add3A_634 = arith.addf %add3A_632, %add3A_633 : vector<512x1024xf32>
      %max3A_635 = arith.constant 0.000000e+00 : f32
      %max3A_636 = vector.broadcast %max3A_635 : f32 to vector<512x1024xf32>
      %max3A_637 = arith.maximumf %add3A_634, %max3A_636 : vector<512x1024xf32>
      %lt3A_638 = arith.constant 2.500000e-03 : f32
      %lt3A_639 = vector.broadcast %lt3A_638 : f32 to vector<512x1024xf32>
      %lt3A_640 = arith.cmpf olt, %max3A_637, %lt3A_639 : vector<512x1024xf32>
      %gt3A_641 = arith.constant 0.965925812 : f32
      %gt3A_642 = vector.broadcast %gt3A_641 : f32 to vector<512x1024xf32>
      %gt3A_643 = arith.cmpf ogt, %dot_general3A_627, %gt3A_642 : vector<512x1024xf32>
      %and3A_644 = arith.andi %lt3A_640, %gt3A_643 : vector<512x1024xi1>
      %bitcast_convert_type3A_645 = tpu.bitcast %max3A_637 : vector<512x1024xf32> -> vector<512x1024xi32>
      %iota3A_646 = tpu.iota {dimensions = array<i32: 0>} : vector<512x1xi32>
      %add3A_647 = arith.constant 6144 : i32
      %add3A_648 = vector.broadcast %add3A_647 : i32 to vector<512x1xi32>
      %add3A_649 = arith.addi %iota3A_646, %add3A_648 : vector<512x1xi32>
      %and3A_650 = arith.constant -8192 : i32
      %and3A_651 = vector.broadcast %and3A_650 : i32 to vector<512x1024xi32>
      %and3A_652 = arith.andi %bitcast_convert_type3A_645, %and3A_651 : vector<512x1024xi32>
      %or3A_653 = vector.broadcast %add3A_649 : vector<512x1xi32> to vector<512x1024xi32>
      %or3A_654 = arith.ori %and3A_652, %or3A_653 : vector<512x1024xi32>
      %sub3A_655 = arith.constant 1610612736 : i32
      %sub3A_656 = vector.broadcast %sub3A_655 : i32 to vector<512x1024xi32>
      %sub3A_657 = arith.subi %or3A_654, %sub3A_656 : vector<512x1024xi32>
      %select_n3A_658 = arith.select %and3A_644, %sub3A_657, %or3A_654 : vector<512x1024xi1>, vector<512x1024xi32>
      %reduce_min3A_659 = arith.constant dense<2147483647> : vector<1024xi32>
      %reduce_min3A_660 = vector.multi_reduction <minsi>, %select_n3A_658, %reduce_min3A_659 [0] : vector<512x1024xi32> to vector<1024xi32>
      %broadcast_in_dim3A_661 = vector.shape_cast %reduce_min3A_660 : vector<1024xi32> to vector<1x1024xi32>
      %min3A_662 = arith.minsi %min3A_617, %broadcast_in_dim3A_661 : vector<1x1024xi32>
      %get3A_663 = arith.constant 6656 : index
      %get3A_664 = arith.constant 0 : index
      %get3A_665 = vector.load %arg6[%get3A_663, %get3A_664] : memref<7168x3xbf16, #tpu.memory_space<vmem>>, vector<512x3xbf16>
      %dot_general3A_666 = arith.constant dense<0.000000e+00> : vector<512x1024xf32>
      %dot_general3A_667 = tpu.matmul %get3A_665, %get3A_79, %dot_general3A_666 {dimension_numbers = #tpu.dot_dimension_numbers<[1], [0], [0], [1], [0, 0, 1, 1], [], []>, transpose_lhs_hint = false} : vector<512x3xbf16>, vector<3x1024xbf16>, vector<512x1024xf32> -> vector<512x1024xf32>
      %get3A_668 = arith.constant 6656 : index
      %get3A_669 = arith.constant 0 : index
      %get3A_670 = vector.load %arg7[%get3A_668, %get3A_669] : memref<7168x3xbf16, #tpu.memory_space<vmem>>, vector<512x3xbf16>
      %dot_general3A_671 = arith.constant dense<0.000000e+00> : vector<512x1024xf32>
      %dot_general3A_672 = tpu.matmul %get3A_670, %get3A_82, %dot_general3A_671 {dimension_numbers = #tpu.dot_dimension_numbers<[1], [0], [0], [1], [0, 0, 1, 1], [], []>, transpose_lhs_hint = false} : vector<512x3xbf16>, vector<3x1024xbf16>, vector<512x1024xf32> -> vector<512x1024xf32>
      %get3A_673 = arith.constant 6656 : index
      %get3A_674 = arith.constant 0 : index
      %get3A_675 = vector.load %arg8[%get3A_673, %get3A_674] : memref<7168x1xf32, #tpu.memory_space<vmem>>, vector<512x1xf32>
      %add3A_676 = vector.broadcast %get3A_675 : vector<512x1xf32> to vector<512x1024xf32>
      %add3A_677 = arith.addf %dot_general3A_667, %add3A_676 : vector<512x1024xf32>
      %add3A_678 = vector.broadcast %get3A_85 : vector<1x1024xf32> to vector<512x1024xf32>
      %add3A_679 = arith.addf %add3A_677, %add3A_678 : vector<512x1024xf32>
      %max3A_680 = arith.constant 0.000000e+00 : f32
      %max3A_681 = vector.broadcast %max3A_680 : f32 to vector<512x1024xf32>
      %max3A_682 = arith.maximumf %add3A_679, %max3A_681 : vector<512x1024xf32>
      %lt3A_683 = arith.constant 2.500000e-03 : f32
      %lt3A_684 = vector.broadcast %lt3A_683 : f32 to vector<512x1024xf32>
      %lt3A_685 = arith.cmpf olt, %max3A_682, %lt3A_684 : vector<512x1024xf32>
      %gt3A_686 = arith.constant 0.965925812 : f32
      %gt3A_687 = vector.broadcast %gt3A_686 : f32 to vector<512x1024xf32>
      %gt3A_688 = arith.cmpf ogt, %dot_general3A_672, %gt3A_687 : vector<512x1024xf32>
      %and3A_689 = arith.andi %lt3A_685, %gt3A_688 : vector<512x1024xi1>
      %bitcast_convert_type3A_690 = tpu.bitcast %max3A_682 : vector<512x1024xf32> -> vector<512x1024xi32>
      %iota3A_691 = tpu.iota {dimensions = array<i32: 0>} : vector<512x1xi32>
      %add3A_692 = arith.constant 6656 : i32
      %add3A_693 = vector.broadcast %add3A_692 : i32 to vector<512x1xi32>
      %add3A_694 = arith.addi %iota3A_691, %add3A_693 : vector<512x1xi32>
      %and3A_695 = arith.constant -8192 : i32
      %and3A_696 = vector.broadcast %and3A_695 : i32 to vector<512x1024xi32>
      %and3A_697 = arith.andi %bitcast_convert_type3A_690, %and3A_696 : vector<512x1024xi32>
      %or3A_698 = vector.broadcast %add3A_694 : vector<512x1xi32> to vector<512x1024xi32>
      %or3A_699 = arith.ori %and3A_697, %or3A_698 : vector<512x1024xi32>
      %sub3A_700 = arith.constant 1610612736 : i32
      %sub3A_701 = vector.broadcast %sub3A_700 : i32 to vector<512x1024xi32>
      %sub3A_702 = arith.subi %or3A_699, %sub3A_701 : vector<512x1024xi32>
      %select_n3A_703 = arith.select %and3A_689, %sub3A_702, %or3A_699 : vector<512x1024xi1>, vector<512x1024xi32>
      %reduce_min3A_704 = arith.constant dense<2147483647> : vector<1024xi32>
      %reduce_min3A_705 = vector.multi_reduction <minsi>, %select_n3A_703, %reduce_min3A_704 [0] : vector<512x1024xi32> to vector<1024xi32>
      %broadcast_in_dim3A_706 = vector.shape_cast %reduce_min3A_705 : vector<1024xi32> to vector<1x1024xi32>
      %min3A_707 = arith.minsi %min3A_662, %broadcast_in_dim3A_706 : vector<1x1024xi32>
      %and3A_708 = arith.constant 8191 : i32
      %and3A_709 = vector.broadcast %and3A_708 : i32 to vector<1x1024xi32>
      %and3A_710 = arith.andi %min3A_707, %and3A_709 : vector<1x1024xi32>
      %swap3A_711 = arith.constant 0 : index
      %swap3A_712 = arith.index_cast %mul3A_76 : i32 to index
      %swap3A_713 = vector.load %arg5[%swap3A_711, %swap3A_712] : memref<1x8192xi32, #tpu.memory_space<vmem>>, vector<1x1024xi32>
      tpu.vector_store %arg5[%swap3A_711, %swap3A_712], %and3A_710 {strides = array<i32>} : memref<1x8192xi32, #tpu.memory_space<vmem>>, vector<1x1024xi32>,
    }
    %scan3A_73 = arith.constant 8 : i32
    return
  }
}

module attributes {stable_mosaic.version = 14 : i64} {
  func.func @_loss_body(%arg0: memref<3x7168xf32, #tpu.memory_space<vmem>>, %arg1: memref<3x7168xf32, #tpu.memory_space<vmem>>, %arg2: memref<1x7168xf32, #tpu.memory_space<vmem>>, %arg3: memref<3x8192xf32, #tpu.memory_space<vmem>>, %arg4: memref<3x8192xf32, #tpu.memory_space<vmem>>, %arg5: memref<1x1xf32, #tpu.memory_space<vmem>>) attributes {dimension_semantics = [], scalar_prefetch = 0 : i64, scratch_operands = 0 : i64, tpu.core_type = #tpu.core_type<tc>} {
    %get3A = arith.constant 0 : index
    %get3A_0 = arith.constant 0 : index
    %get3A_1 = vector.load %arg0[%get3A, %get3A_0] : memref<3x7168xf32, #tpu.memory_space<vmem>>, vector<1x7168xf32>
    %get3A_2 = arith.constant 0 : index
    %get3A_3 = arith.constant 0 : index
    %get3A_4 = vector.load %arg1[%get3A_2, %get3A_3] : memref<3x7168xf32, #tpu.memory_space<vmem>>, vector<1x7168xf32>
    %sub3A = arith.subf %get3A_1, %get3A_4 : vector<1x7168xf32>
    %get3A_5 = arith.constant 1 : index
    %get3A_6 = arith.constant 0 : index
    %get3A_7 = vector.load %arg0[%get3A_5, %get3A_6] : memref<3x7168xf32, #tpu.memory_space<vmem>>, vector<1x7168xf32>
    %get3A_8 = arith.constant 1 : index
    %get3A_9 = arith.constant 0 : index
    %get3A_10 = vector.load %arg1[%get3A_8, %get3A_9] : memref<3x7168xf32, #tpu.memory_space<vmem>>, vector<1x7168xf32>
    %sub3A_11 = arith.subf %get3A_7, %get3A_10 : vector<1x7168xf32>
    %get3A_12 = arith.constant 2 : index
    %get3A_13 = arith.constant 0 : index
    %get3A_14 = vector.load %arg0[%get3A_12, %get3A_13] : memref<3x7168xf32, #tpu.memory_space<vmem>>, vector<1x7168xf32>
    %get3A_15 = arith.constant 2 : index
    %get3A_16 = arith.constant 0 : index
    %get3A_17 = vector.load %arg1[%get3A_15, %get3A_16] : memref<3x7168xf32, #tpu.memory_space<vmem>>, vector<1x7168xf32>
    %sub3A_18 = arith.subf %get3A_14, %get3A_17 : vector<1x7168xf32>
    %mul3A = arith.mulf %sub3A, %sub3A : vector<1x7168xf32>
    %mul3A_19 = arith.mulf %sub3A_11, %sub3A_11 : vector<1x7168xf32>
    %add3A = arith.addf %mul3A, %mul3A_19 : vector<1x7168xf32>
    %mul3A_20 = arith.mulf %sub3A_18, %sub3A_18 : vector<1x7168xf32>
    %add3A_21 = arith.addf %add3A, %mul3A_20 : vector<1x7168xf32>
    %add3A_22 = arith.constant 9.99999996E-13 : f32
    %add3A_23 = vector.broadcast %add3A_22 : f32 to vector<1x7168xf32>
    %add3A_24 = arith.addf %add3A_21, %add3A_23 : vector<1x7168xf32>
    %sqrt3A = math.sqrt %add3A_24 : vector<1x7168xf32>
    %get3A_25 = arith.constant 0 : index
    %get3A_26 = arith.constant 0 : index
    %get3A_27 = vector.load %arg2[%get3A_25, %get3A_26] : memref<1x7168xf32, #tpu.memory_space<vmem>>, vector<1x7168xf32>
    %mul3A_28 = arith.mulf %get3A_27, %sqrt3A : vector<1x7168xf32>
    %reduce_sum3A = arith.constant dense<0.000000e+00> : vector<1xf32>
    %reduce_sum3A_29 = vector.multi_reduction <add>, %mul3A_28, %reduce_sum3A [1] : vector<1x7168xf32> to vector<1xf32>
    %broadcast_in_dim3A = vector.shape_cast %reduce_sum3A_29 : vector<1xf32> to vector<1x1xf32>
    %get3A_30 = arith.constant 0 : index
    %get3A_31 = arith.constant 0 : index
    %get3A_32 = vector.load %arg2[%get3A_30, %get3A_31] : memref<1x7168xf32, #tpu.memory_space<vmem>>, vector<1x7168xf32>
    %reduce_sum3A_33 = arith.constant dense<0.000000e+00> : vector<1xf32>
    %reduce_sum3A_34 = vector.multi_reduction <add>, %get3A_32, %reduce_sum3A_33 [1] : vector<1x7168xf32> to vector<1xf32>
    %broadcast_in_dim3A_35 = vector.shape_cast %reduce_sum3A_34 : vector<1xf32> to vector<1x1xf32>
    %get3A_36 = arith.constant 0 : index
    %get3A_37 = arith.constant 0 : index
    %get3A_38 = vector.load %arg3[%get3A_36, %get3A_37] : memref<3x8192xf32, #tpu.memory_space<vmem>>, vector<1x8192xf32>
    %get3A_39 = arith.constant 0 : index
    %get3A_40 = arith.constant 0 : index
    %get3A_41 = vector.load %arg4[%get3A_39, %get3A_40] : memref<3x8192xf32, #tpu.memory_space<vmem>>, vector<1x8192xf32>
    %sub3A_42 = arith.subf %get3A_38, %get3A_41 : vector<1x8192xf32>
    %get3A_43 = arith.constant 1 : index
    %get3A_44 = arith.constant 0 : index
    %get3A_45 = vector.load %arg3[%get3A_43, %get3A_44] : memref<3x8192xf32, #tpu.memory_space<vmem>>, vector<1x8192xf32>
    %get3A_46 = arith.constant 1 : index
    %get3A_47 = arith.constant 0 : index
    %get3A_48 = vector.load %arg4[%get3A_46, %get3A_47] : memref<3x8192xf32, #tpu.memory_space<vmem>>, vector<1x8192xf32>
    %sub3A_49 = arith.subf %get3A_45, %get3A_48 : vector<1x8192xf32>
    %get3A_50 = arith.constant 2 : index
    %get3A_51 = arith.constant 0 : index
    %get3A_52 = vector.load %arg3[%get3A_50, %get3A_51] : memref<3x8192xf32, #tpu.memory_space<vmem>>, vector<1x8192xf32>
    %get3A_53 = arith.constant 2 : index
    %get3A_54 = arith.constant 0 : index
    %get3A_55 = vector.load %arg4[%get3A_53, %get3A_54] : memref<3x8192xf32, #tpu.memory_space<vmem>>, vector<1x8192xf32>
    %sub3A_56 = arith.subf %get3A_52, %get3A_55 : vector<1x8192xf32>
    %mul3A_57 = arith.mulf %sub3A_42, %sub3A_42 : vector<1x8192xf32>
    %mul3A_58 = arith.mulf %sub3A_49, %sub3A_49 : vector<1x8192xf32>
    %add3A_59 = arith.addf %mul3A_57, %mul3A_58 : vector<1x8192xf32>
    %mul3A_60 = arith.mulf %sub3A_56, %sub3A_56 : vector<1x8192xf32>
    %add3A_61 = arith.addf %add3A_59, %mul3A_60 : vector<1x8192xf32>
    %add3A_62 = arith.constant 9.99999996E-13 : f32
    %add3A_63 = vector.broadcast %add3A_62 : f32 to vector<1x8192xf32>
    %add3A_64 = arith.addf %add3A_61, %add3A_63 : vector<1x8192xf32>
    %sqrt3A_65 = math.sqrt %add3A_64 : vector<1x8192xf32>
    %reduce_sum3A_66 = arith.constant dense<0.000000e+00> : vector<1xf32>
    %reduce_sum3A_67 = vector.multi_reduction <add>, %sqrt3A_65, %reduce_sum3A_66 [1] : vector<1x8192xf32> to vector<1xf32>
    %broadcast_in_dim3A_68 = vector.shape_cast %reduce_sum3A_67 : vector<1xf32> to vector<1x1xf32>
    %max3A = arith.constant 1.000000e+00 : f32
    %max3A_69 = vector.broadcast %max3A : f32 to vector<1x1xf32>
    %max3A_70 = arith.maximumf %broadcast_in_dim3A_35, %max3A_69 : vector<1x1xf32>
    %div3A = arith.divf %broadcast_in_dim3A, %max3A_70 : vector<1x1xf32>
    %div3A_71 = arith.constant 8.192000e+03 : f32
    %div3A_72 = vector.broadcast %div3A_71 : f32 to vector<1x1xf32>
    %div3A_73 = arith.divf %broadcast_in_dim3A_68, %div3A_72 : vector<1x1xf32>
    %add3A_74 = arith.addf %div3A, %div3A_73 : vector<1x1xf32>
    %swap3A = arith.constant 0 : index
    %swap3A_75 = arith.constant 0 : index
    %swap3A_76 = vector.load %arg5[%swap3A, %swap3A_75] : memref<1x1xf32, #tpu.memory_space<vmem>>, vector<1x1xf32>
    tpu.vector_store %arg5[%swap3A, %swap3A_75], %add3A_74 {strides = array<i32>} : memref<1x1xf32, #tpu.memory_space<vmem>>, vector<1x1xf32>,
    return
  }
}

</mosaic_0001>

<sc_bundles>
// kernel: _run.10.cloned.1.call-start
scs
__scs_entry_jumppad:
0x0: {  	(pc) =	sbr.rel $0x88, $3  }
0x1: {  	(tag) =	ssettag $0x0;
	lr =	simm.s32 $0x1  }
0x2: {  	[smem:$0x3F9C] =	sst lr;
	_ =	strace $0xD0000000  }
0x3: {  	_ = 	snop  }
0x4: {  	_ = 	snop  }
0x5: {  	_ = 	snop  }
0x6: {  	_ = 	snop  }
0x7: {  	_ = 	snop  }
__scs_overlays_trampoline_lowered:
0x8: {  	[smem:$0x3FAB] =	sst s0  }
0x9: {  	[smem:$0x3FAC] =	sst s1  }
0xa: {  	[smem:$0x3FAD] =	sst s2  }
0xb: {  	[smem:$0x3FAE] =	sst s3  }
0xc: {  	[smem:$0x3FAF] =	sst s4  }
0xd: {  	[smem:$0x3FB0] =	sst s5  }
0xe: {  	[smem:$0x3FB1] =	sst s6  }
0xf: {  	[smem:$0x3FB2] =	sst s7  }
0x10: {  	[smem:$0x3FB3] =	sst s8  }
0x11: {  	[smem:$0x3FB4] =	sst s9;
	s0 =	simm.s32 @!p0 $0x0  }
0x12: {  	s1 =	sld [smem:$0x3F9A];
	s0 =	simm.s32 @p0 $0x1  }
0x13: {  	[smem:$0x3FB5] =	sst s0;
	s0 =	simm.s32 @!p1 $0x0  }
0x14: {  	s2 =	sld [smem:$0x3F99];
	s0 =	simm.s32 @p1 $0x1  }
0x15: {  	[smem:$0x3FB6] =	sst s0;
	s0 =	simm.s32 @!p2 $0x0  }
0x16: {  	s3 =	sld [smem:$0x3FDB];
	s0 =	simm.s32 @p2 $0x1  }
0x17: {  	s4 =	simm.s32 $0x1BF5;
	[smem:$0x3FB8] =	sst s0  }
0x18: {  	s0 =	sld [smem:$0x3F9B];
	_ =	swait.ge [sflag:s4], $0x0  }
0x19: {  	s7 =	sld [smem:$0x3F9C]  }
0x1a: {  	s8 =	sadd.s32 $0xFFFFE003, lr  }
0x1b: {  	s9 =	sadd.s32 $0xFFFFFEF7, lr;
	s5 =	simm.s32 $0xFFFFFFFF;
	p2 =	slt.u32 s8, $0xFFFFF086  }
0x1c: {  	p1 =	slt.u32 s9, $0xF7A;
	s5 =	simm.s32 @!p2 $0x0  }
0x1d: {  	s5 =	simm.s32 @p1 $0x1;
	p0 =	seq.s32 s7, s2  }
0x1e: {  	s7 =	smul.u32 @!p0 $0xF7A, s2;
	p2 =	seq.s32 @!p0 s5, $0x0  }
0x1f: {  	s9 =	smul.u32 $0xF7A, s1;
	s8 =	simm.s32 @!p0 $0x1BF5;
	p2 =	por !p2, p0  }
0x20: {  	[sflag:s8] =	ssyncset.s32 @!p0 $0xFFFFF086;
	s6 =	sadd.s32 @!p0 s3, s7;
	s7 =	simm.s32 @!p0 $0x108  }
0x21: {  	s3 =	sadd.s32 s3, s9;
	s6 =	sadd.s32 @!p0 $0x88, s6;
	s7 =	simm.s32 @p2 $0x1082  }
0x22: {  	[simem:s7], [sflag:s8] =	dma.local @!p0 [hbm:s6], $0xF7A  }
0x23: {  	s9 =	sor.u32 $0xD0000000, s2;
	s6 =	simm.s32 $0x108;
	_ =	swait.ge @!p0 [sflag:s8], $0x0  }
0x24: {  	s3 =	sadd.s32 $0x88, s3;
	s6 =	simm.s32 @!p1 $0x1082;
	[sflag:s4] =	ssyncset.s32 $0xFFFFF086  }
0x25: {  	[simem:s6], [sflag:s4] =	dma.local [hbm:s3], $0xF7A  }
0x26: {  	[smem:$0x3F9C] =	sst s1;
	(tag) =	ssettag s2;
	_ =	strace s9  }
0x27: {  	s1 =	sld [smem:$0x3FAC]  }
0x28: {  	s2 =	sld [smem:$0x3FAD]  }
0x29: {  	s4 =	sld [smem:$0x3FAF]  }
0x2a: {  	p0 =	seq.s32 s5, $0x0;
	s5 =	sld [smem:$0x3FB0]  }
0x2b: {  	s6 =	sld [smem:$0x3FB1]  }
0x2c: {  	s7 =	sld [smem:$0x3FB2]  }
0x2d: {  	s3 =	simm.s32 $0x108;
	s8 =	sld [smem:$0x3FB3]  }
0x2e: {  	s3 =	simm.s32 @!p0 $0x1082;
	s9 =	sld [smem:$0x3FB4]  }
0x2f: {  	lr =	sadd.s32 s0, s3;
	s0 =	sld [smem:$0x3FAB]  }
0x30: {  	s3 =	sld [smem:$0x3FAE]  }
0x31: {  	[smem:$0x3FB7] =	sst s10  }
0x32: {  	s10 =	sld [smem:$0x3FB5];
	_ =	sdelay $0x3  }
0x33: {  	p0 =	seq.s32 s10, $0x1;
	s10 =	sld [smem:$0x3FB7];
	_ =	sdelay $0x3  }
0x34: {  	[smem:$0x3FB7] =	sst s10  }
0x35: {  	s10 =	sld [smem:$0x3FB6];
	_ =	sdelay $0x3  }
0x36: {  	p1 =	seq.s32 s10, $0x1;
	s10 =	sld [smem:$0x3FB7];
	_ =	sdelay $0x3  }
0x37: {  	[smem:$0x3FB7] =	sst s10  }
0x38: {  	s10 =	sld [smem:$0x3FB8]  }
0x39: {  	_ = 	snop;
	(pc) =	sbr.ind lr, $3  }
0x3a: {  	_ = 	snop  }
0x3b: {  	_ = 	snop  }
0x3c: {  	p2 =	seq.s32 s10, $0x1;
	s10 =	sld [smem:$0x3FB7]  }
0x3d: {  	_ =	shalt  }
0x3e: {  	_ =	shalt  }
0x3f: {  	_ =	shalt  }
0x40: {  	_ =	shalt  }
0x41: {  	_ =	shalt  }
0x42: {  	_ =	shalt  }
0x43: {  	_ =	shalt  }
0x44: {  	_ =	shalt  }
0x45: {  	_ =	shalt  }
0x46: {  	_ =	shalt  }
0x47: {  	_ =	shalt  }
0x48: {  	_ =	shalt  }
0x49: {  	_ =	shalt  }
0x4a: {  	_ =	shalt  }
0x4b: {  	_ =	shalt  }
0x4c: {  	_ =	shalt  }
0x4d: {  	_ =	shalt  }
0x4e: {  	_ =	shalt  }
0x4f: {  	_ =	shalt  }
0x50: {  	_ =	shalt  }
0x51: {  	_ =	shalt  }
0x52: {  	_ =	shalt  }
0x53: {  	_ =	shalt  }
0x54: {  	_ =	shalt  }
0x55: {  	_ =	shalt  }
0x56: {  	_ =	shalt  }
0x57: {  	_ =	shalt  }
0x58: {  	_ =	shalt  }
0x59: {  	_ =	shalt  }
0x5a: {  	_ =	shalt  }
0x5b: {  	_ =	shalt  }
0x5c: {  	_ =	shalt  }
0x5d: {  	_ =	shalt  }
0x5e: {  	_ =	shalt  }
0x5f: {  	_ =	shalt  }
0x60: {  	_ =	shalt  }
0x61: {  	_ =	shalt  }
0x62: {  	_ =	shalt  }
0x63: {  	_ =	shalt  }
0x64: {  	_ =	shalt  }
0x65: {  	_ =	shalt  }
0x66: {  	_ =	shalt  }
0x67: {  	_ =	shalt  }
0x68: {  	_ =	shalt  }
0x69: {  	_ =	shalt  }
0x6a: {  	_ =	shalt  }
0x6b: {  	_ =	shalt  }
0x6c: {  	_ =	shalt  }
0x6d: {  	_ =	shalt  }
0x6e: {  	_ =	shalt  }
0x6f: {  	_ =	shalt  }
0x70: {  	_ =	shalt  }
0x71: {  	_ =	shalt  }
0x72: {  	_ =	shalt  }
0x73: {  	_ =	shalt  }
0x74: {  	_ =	shalt  }
0x75: {  	_ =	shalt  }
0x76: {  	_ =	shalt  }
0x77: {  	_ =	shalt  }
0x78: {  	_ =	shalt  }
0x79: {  	_ =	shalt  }
0x7a: {  	_ =	shalt  }
0x7b: {  	_ =	shalt  }
0x7c: {  	_ =	shalt  }
0x7d: {  	_ =	shalt  }
0x7e: {  	_ =	shalt  }
0x7f: {  	_ =	shalt  }
0x80: {  	_ =	shalt  }
0x81: {  	_ =	shalt  }
0x82: {  	_ =	shalt  }
0x83: {  	_ =	shalt  }
0x84: {  	_ =	shalt  }
0x85: {  	_ =	shalt  }
0x86: {  	_ =	shalt  }
0x87: {  	_ =	shalt  }
.Lfunc_end0:
.L_simem_size_0:
called_computation.1_lowered:
.L_overlay_start_0:
0x88: {  	s2 =	sld [smem:$0x3FD9]  }
0x89: {  	s3 =	sld [smem:$0x3FFE];
	_ =	sdelay $0x1  }
0x8a: {  	s1 =	srdreg.scid  }
0x8b: {  	s0 =	sand.u32 $0x1, s1  }
0x8c: {  	s17 =	sshll.u32 s0, $0xA;
	s2 =	sadd.s32 s3, s2  }
0x8d: {  	s2 =	sadd.s32 s2, s17  }
0x8e: {  	[smem:$0x3FC3] =	sst s2  }
0x8f: {  	_ = 	snop  }
0x90: {  	(tm) =	ssettm $0x1  }
0x91: {  	s18 =	sld [smem:$0x3FFB];
	_ =	sdelay $0x3  }
0x92: {  	_ =	strace s18  }
0x93: {  	s2 =	sld [smem:$0x3FFC];
	_ =	sdelay $0x3  }
0x94: {  	_ =	strace s2  }
0x95: {  	s2 =	sld [smem:$0x3FFD];
	_ =	sdelay $0x3  }
0x96: {  	_ =	strace s2  }
0x97: {  	_ =	strace $0x8FFFFFFF  }
0x98: {  	s19 =	sld [smem:$0x3FDB];
	_ =	sdelay $0x1  }
0x99: {  	s20 =	simm.s32 $_scs_section_size  }
0x9a: {  	s4 =	simm.s32 $_size__tile_overlayer_lowered;
	s5 =	simm.s32 $_tile_overlayer_lowered  }
0x9b: {  	s6 =	simm.s32 $0x1BFF;
	s21 =	sshll.u32 s5, $0x1;
	s3 =	sadd.s32 s20, s19  }
0x9c: {  	s22 =	simm.s32 $0x0;
	s4 =	sshll.u32 s4, $0x1;
	s5 =	sadd.s32 s21, s3  }
0x9d: {  	[timem:s22], [sflag:s6] =	dma.local [hbm:s5], s4  }
0x9e: {  	_ =	swait.ge [sflag:s6], s4  }
0x9f: {  	s4 =	ssub.s32 $0x0, s4;
	[sflag:s6] =	ssyncset.done $0x0  }
0xa0: {  	[sflag:s6] =	ssyncadd.s32 s4;
	_ =	sdelay $0x1  }
0xa1: {  	s23 =	simm.s32 $0x1B8B  }
0xa2: {  	_ =	swait.ge [sflag:s23], $0x1  }
0xa3: {  	[sflag:s23] =	ssyncset.done $0x0  }
0xa4: {  	[sflag:s23] =	ssyncadd.s32 $0xFFFFFFFF  }
0xa5: {  	s4 =	sld [smem:$0x0]  }
0xa6: {  	s5 =	sand.u32 $0xFFFFFFFE, s1  }
0xa7: {  	p0 =	sne.s32 s1, s5  }
0xa8: {  	s5 =	sshll.u32 @p0 s5, $0xE  }
0xa9: {  	s5 =	sadd.s32 @p0 $0x11B8D, s5;
	s6 =	sshll.u32 @p0 s4, $0x11  }
0xaa: {  	s5 =	sor.u32 @p0 s6, s5  }
0xab: {  	[sflag:s5] =	ssyncadd.remote.s32 @p0 $0x1;
	_ =	sdelay $0x1  }
0xac: {  	s5 =	simm.s32 @p0 $0x1B8D  }
0xad: {  	_ =	swait.eq @p0 [sflag:s5], $0x1  }
0xae: {  	[sflag:s5] =	ssyncadd.s32 @p0 $0xFFFFFFFF  }
0xaf: {  	s6 =	sshll.u32 @!p0 s1, $0xE  }
0xb0: {  	s6 =	sor.u32 @!p0 $0x4000, s6;
	s5 =	simm.s32 @!p0 $0x1B8D  }
0xb1: {  	s4 =	sshll.u32 @!p0 s4, $0x11;
	s6 =	sadd.s32 @!p0 $0x11B8D, s6;
	_ =	swait.eq @!p0 [sflag:s5], $0x1  }
0xb2: {  	s4 =	sor.u32 @!p0 s4, s6;
	[sflag:s5] =	ssyncadd.s32 @!p0 $0xFFFFFFFF  }
0xb3: {  	s25 =	simm.s32 $0x1B8E;
	s24 =	sld [smem:$0x3FFE];
	[sflag:s4] =	ssyncadd.remote.s32 @!p0 $0x1  }
0xb4: {  	s26 =	simm.s32 $execute0_lowered;
	[smem:$0x3FD2] =	sst s25  }
0xb5: {  	s5 =	sshll.u32 s26, $0x1;
	_ =	strace $0x80000049;
	[dreg:$0x1] =	wrdreg $0xFFFFFFFF  }
0xb6: {  	s28 =	simm.s32 $_size_execute0_lowered;
	s3 =	sadd.s32 s3, s5;
	[dreg:$0x0] =	wrdreg $0x0  }
0xb7: {  	s5 =	sshll.u32 s28, $0x1;
	[dreg:$0x2] =	wrdreg s3  }
0xb8: {  	[dreg:$0x3] =	wrdreg s5  }
0xb9: {  	[dreg:$0x4] =	wrdreg $0xC0  }
0xba: {  	_ =	task [dreg:s22], $0x5FFFF  }
0xbb: {  	[dreg:$0x1] =	wrdreg $0xFFFFFFFF  }
0xbc: {  	[dreg:$0x0] =	wrdreg $0x60  }
0xbd: {  	[dreg:$0x2] =	wrdreg s24  }
0xbe: {  	[dreg:$0x3] =	wrdreg $0xA  }
0xbf: {  	_ =	task.clear_ibuf [dreg:s22], $0x4FFFF;
	_ =	strace $0x90000049  }
0xc0: {  	s29 =	simm.s32 $0xA;
	_ =	strace $0x8000004B  }
0xc1: {  	_ =	swait.ge [sflag:s29], $0x1  }
0xc2: {  	[sflag:s29] =	ssyncadd.s32 $0xFFFFFFFF  }
0xc3: {  	_ =	strace $0x9000004B  }
0xc4: {  	_ =	sfence  }
0xc5: {  	s30 =	sld [smem:$0x0];
	_ =	sdelay $0x2  }
0xc6: {  	s31 =	sshll.u32 s1, $0xD;
	s1 =	sshrl.u32 s1, $0x2  }
0xc7: {  	s4 =	sand.u32 $0x4000, s31;
	s1 =	sadd.s32 s1, s30  }
0xc8: {  	s0 =	sor.u32 s4, s0;
	s1 =	sshll.u32 s1, $0x11  }
0xc9: {  	s0 =	sor.u32 s1, s0  }
0xca: {  	s0 =	sadd.s32 $0x8F2B, s0  }
0xcb: {  	[sflag:s0] =	ssyncadd.remote.s32 $0x1  }
0xcc: {  	_ =	sfence.sel $0xFFFF  }
0xcd: {  	[dreg:$0x0] =	wrdreg $0xFFFFFFFF;
	(pc) =	sbr.abs _section_cstart, $3  }
0xce: {  	[dreg:$0x1] =	wrdreg $0xFFFFFFFF  }
0xcf: {  	_ =	task.clear_ibuf [dreg:s22], $0x2FFFF;
	_ =	strace $0x9FFFFFFF  }
0xd0: {  	(tm) =	ssettm $0x7FFFFFFF  }
0xd1: {  	_ =	shalt  }
tec
execute0_lowered:
.L_overlay_start_1:
0x0: {  	(tag) =	ssettag $0x1  }
0x1: {  	s4 =	rddreg [dreg:$0x0]  }
0x2: {  	s0 =	rddreg [dreg:$0x1];
	s2 =	simm.s32 $0x0;
	s3 =	srdreg.scid  }
0x3: {  	s1 =	stileid.u32;
	s10 =	simm.s32 $0x80;
	s11 =	simm.s32 $0x100  }
0x4: {  	s12 =	simm.s32 $0x200;
	s13 =	simm.s32 $0x1;
	s14 =	simm.s32 $0x180  }
0x5: {  	s15 =	simm.s32 $0x280;
	[smem:$0x7FF] =	sst s2;
	s3 =	sand.u32 $0x1, s3  }
0x6: {  	s5 =	sshll.u32 s1, $0x6;
	s6 =	sshll.u32 s3, $0x5;
	s7 =	ssub.s32 $0x2, s3  }
0x7: {  	_ =	strace $0x8000004A;
	s5 =	sor.u32 s6, s5;
	s31 =	sshrl.u32 s7, $0x1  }
0x8: {  	s3 =	sadd.s32 $0x3600, s4;
	s8 =	sadd.s32 s5, s4;
	s9 =	ssub.s32 s7, s31  }
0x9: {  	s4 =	sadd.s32 $0x4200, s8;
	s5 =	sadd.s32 $0x4600, s8;
	s6 =	sadd.s32 $0x4A00, s8  }
0xa: {  	s7 =	sadd.s32 $0x4E00, s8;
	s8 =	smax.u32 s9, $0x1;
	s9 =	simm.s32 $0x2  }
.LBB2_1:
0xb: {  	[tilespmem:s2], [sflag:$0x2] =	stream.linear.gather [hbm4b:s4+s2], $0x100, $0x38;
	[tilespmem:$0x300] =	vst v63  }
0xc: {  	_ =	swait.ge [sflag:s9], $0x100  }
0xd: {  	[sflag:s9] =	ssyncset.done $0x0  }
0xe: {  	[sflag:s9] =	ssyncadd.s32 $0xFFFFFF00  }
0xf: {  	v0 =	vld [tilespmem:$0x0]  }
0x10: {  	v1 =	vld [tilespmem:$0x10]  }
0x11: {  	v2 =	vld [tilespmem:$0x20]  }
0x12: {  	v3 =	vld [tilespmem:$0x30]  }
0x13: {  	v4 =	vld [tilespmem:$0x40]  }
0x14: {  	v48 =	vld [tilespmem:$0x50];
	[tilespmem:$0x100] =	vst v0  }
0x15: {  	v49 =	vld [tilespmem:$0x60];
	[tilespmem:$0x110] =	vst v1  }
0x16: {  	v50 =	vld [tilespmem:$0x70];
	[tilespmem:$0x120] =	vst v2  }
0x17: {  	v51 =	vld [tilespmem:$0x80];
	[tilespmem:$0x130] =	vst v3  }
0x18: {  	v52 =	vld [tilespmem:$0x90];
	[tilespmem:$0x140] =	vst v4  }
0x19: {  	v53 =	vld [tilespmem:$0xA0];
	[tilespmem:$0x150] =	vst v48  }
0x1a: {  	v54 =	vld [tilespmem:$0xB0];
	[tilespmem:$0x160] =	vst v49  }
0x1b: {  	v55 =	vld [tilespmem:$0xC0];
	[tilespmem:$0x170] =	vst v50  }
0x1c: {  	v56 =	vld [tilespmem:$0xD0];
	[tilespmem:$0x180] =	vst v51  }
0x1d: {  	v57 =	vld [tilespmem:$0xE0];
	[tilespmem:$0x190] =	vst v52  }
0x1e: {  	v58 =	vld [tilespmem:$0xF0];
	[tilespmem:$0x1A0] =	vst v53  }
0x1f: {  	[tilespmem:$0x1B0] =	vst v54  }
0x20: {  	[tilespmem:$0x1C0] =	vst v55  }
0x21: {  	[tilespmem:$0x1D0] =	vst v56  }
0x22: {  	[tilespmem:$0x1E0] =	vst v57  }
0x23: {  	[tilespmem:$0x1F0] =	vst v58  }
0x24: {  	[tilespmem:s12], [sflag:$0x1] =	stream.indirect.gather [hbm4b:s3+s10], $0x1, s11, s10, $0xb8;
	[tilespmem:$0x300] =	vst v63  }
0x25: {  	_ =	swait.ge [sflag:s13], $0x80  }
0x26: {  	[sflag:s13] =	ssyncset.done $0x0  }
0x27: {  	[sflag:s13] =	ssyncadd.s32 $0xFFFFFF80  }
0x28: {  	[tilespmem:s15], [sflag:$0x1] =	stream.indirect.gather [hbm4b:s3+s10], $0x1, s14, s10, $0xb8;
	[tilespmem:$0x300] =	vst v63  }
0x29: {  	_ =	swait.ge [sflag:s13], $0x80  }
0x2a: {  	[sflag:s13] =	ssyncset.done $0x0  }
0x2b: {  	[sflag:s13] =	ssyncadd.s32 $0xFFFFFF80  }
0x2c: {  	[hbm4b:s5+s2] =	stream.linear.scatter [tilespmem:s12], [sflag:$0x2], $0x100, $0x38;
	[tilespmem:$0x300] =	vst v63  }
0x2d: {  	_ =	swait.ge [sflag:s9], $0x100  }
0x2e: {  	[sflag:s9] =	ssyncset.done $0x0  }
0x2f: {  	[sflag:s9] =	ssyncadd.s32 $0xFFFFFF00  }
0x30: {  	v59 =	vld [tilespmem:$0x0]  }
0x31: {  	v60 =	vld [tilespmem:$0x10]  }
0x32: {  	v61 =	vld [tilespmem:$0x20]  }
0x33: {  	v62 =	vld [tilespmem:$0x30]  }
0x34: {  	v63 =	vld [tilespmem:$0x40]  }
0x35: {  	v5 =	vld [tilespmem:$0x50];
	v0 =	vadd.s32 $0x1C00, v59  }
0x36: {  	v9 =	vld [tilespmem:$0x60];
	v8 =	vadd.s32 $0x1C00, v60;
	[tilespmem:$0x100] =	vst v0  }
0x37: {  	v11 =	vld [tilespmem:$0x70];
	v10 =	vadd.s32 $0x1C00, v61;
	[tilespmem:$0x110] =	vst v8  }
0x38: {  	v13 =	vld [tilespmem:$0x80];
	v12 =	vadd.s32 $0x1C00, v62;
	[tilespmem:$0x120] =	vst v10  }
0x39: {  	v15 =	vld [tilespmem:$0x90];
	v14 =	vadd.s32 $0x1C00, v63;
	[tilespmem:$0x130] =	vst v12  }
0x3a: {  	v17 =	vld [tilespmem:$0xA0];
	v16 =	vadd.s32 $0x1C00, v5;
	[tilespmem:$0x140] =	vst v14  }
0x3b: {  	v19 =	vld [tilespmem:$0xB0];
	v18 =	vadd.s32 $0x1C00, v9;
	[tilespmem:$0x150] =	vst v16  }
0x3c: {  	v21 =	vld [tilespmem:$0xC0];
	v20 =	vadd.s32 $0x1C00, v11;
	[tilespmem:$0x160] =	vst v18  }
0x3d: {  	v23 =	vld [tilespmem:$0xD0];
	v22 =	vadd.s32 $0x1C00, v13;
	[tilespmem:$0x170] =	vst v20  }
0x3e: {  	v25 =	vld [tilespmem:$0xE0];
	v24 =	vadd.s32 $0x1C00, v15;
	[tilespmem:$0x180] =	vst v22  }
0x3f: {  	v27 =	vld [tilespmem:$0xF0];
	v26 =	vadd.s32 $0x1C00, v17;
	[tilespmem:$0x190] =	vst v24  }
0x40: {  	v28 =	vadd.s32 $0x1C00, v19;
	[tilespmem:$0x1A0] =	vst v26  }
0x41: {  	v29 =	vadd.s32 $0x1C00, v21;
	[tilespmem:$0x1B0] =	vst v28  }
0x42: {  	v30 =	vadd.s32 $0x1C00, v23;
	[tilespmem:$0x1C0] =	vst v29  }
0x43: {  	v31 =	vadd.s32 $0x1C00, v25;
	[tilespmem:$0x1D0] =	vst v30  }
0x44: {  	v32 =	vadd.s32 $0x1C00, v27;
	[tilespmem:$0x1E0] =	vst v31  }
0x45: {  	[tilespmem:$0x1F0] =	vst v32  }
0x46: {  	[tilespmem:s12], [sflag:$0x1] =	stream.indirect.gather [hbm4b:s3+s10], $0x1, s11, s10, $0xb8;
	[tilespmem:$0x300] =	vst v63  }
0x47: {  	_ =	swait.ge [sflag:s13], $0x80  }
0x48: {  	[sflag:s13] =	ssyncset.done $0x0  }
0x49: {  	[sflag:s13] =	ssyncadd.s32 $0xFFFFFF80  }
0x4a: {  	[tilespmem:s15], [sflag:$0x1] =	stream.indirect.gather [hbm4b:s3+s10], $0x1, s14, s10, $0xb8;
	[tilespmem:$0x300] =	vst v63  }
0x4b: {  	_ =	swait.ge [sflag:s13], $0x80  }
0x4c: {  	[sflag:s13] =	ssyncset.done $0x0  }
0x4d: {  	[sflag:s13] =	ssyncadd.s32 $0xFFFFFF80  }
0x4e: {  	[hbm4b:s6+s2] =	stream.linear.scatter [tilespmem:s12], [sflag:$0x2], $0x100, $0x38;
	[tilespmem:$0x300] =	vst v63  }
0x4f: {  	_ =	swait.ge [sflag:s9], $0x100  }
0x50: {  	[sflag:s9] =	ssyncset.done $0x0  }
0x51: {  	[sflag:s9] =	ssyncadd.s32 $0xFFFFFF00  }
0x52: {  	v33 =	vld [tilespmem:$0x0]  }
0x53: {  	v34 =	vld [tilespmem:$0x10]  }
0x54: {  	v35 =	vld [tilespmem:$0x20]  }
0x55: {  	v36 =	vld [tilespmem:$0x30]  }
0x56: {  	v37 =	vld [tilespmem:$0x40]  }
0x57: {  	v38 =	vld [tilespmem:$0x50];
	v0 =	vadd.s32 $0x3800, v33  }
0x58: {  	v40 =	vld [tilespmem:$0x60];
	v39 =	vadd.s32 $0x3800, v34;
	[tilespmem:$0x100] =	vst v0  }
0x59: {  	v42 =	vld [tilespmem:$0x70];
	v41 =	vadd.s32 $0x3800, v35;
	[tilespmem:$0x110] =	vst v39  }
0x5a: {  	v44 =	vld [tilespmem:$0x80];
	v43 =	vadd.s32 $0x3800, v36;
	[tilespmem:$0x120] =	vst v41  }
0x5b: {  	v46 =	vld [tilespmem:$0x90];
	v45 =	vadd.s32 $0x3800, v37;
	[tilespmem:$0x130] =	vst v43  }
0x5c: {  	v48 =	vld [tilespmem:$0xA0];
	v47 =	vadd.s32 $0x3800, v38;
	[tilespmem:$0x140] =	vst v45  }
0x5d: {  	v50 =	vld [tilespmem:$0xB0];
	v49 =	vadd.s32 $0x3800, v40;
	[tilespmem:$0x150] =	vst v47  }
0x5e: {  	v52 =	vld [tilespmem:$0xC0];
	v51 =	vadd.s32 $0x3800, v42;
	[tilespmem:$0x160] =	vst v49  }
0x5f: {  	v54 =	vld [tilespmem:$0xD0];
	v53 =	vadd.s32 $0x3800, v44;
	[tilespmem:$0x170] =	vst v51  }
0x60: {  	v56 =	vld [tilespmem:$0xE0];
	v55 =	vadd.s32 $0x3800, v46;
	[tilespmem:$0x180] =	vst v53  }
0x61: {  	v58 =	vld [tilespmem:$0xF0];
	v57 =	vadd.s32 $0x3800, v48;
	[tilespmem:$0x190] =	vst v55  }
0x62: {  	v59 =	vadd.s32 $0x3800, v50;
	[tilespmem:$0x1A0] =	vst v57  }
0x63: {  	v60 =	vadd.s32 $0x3800, v52;
	[tilespmem:$0x1B0] =	vst v59  }
0x64: {  	v61 =	vadd.s32 $0x3800, v54;
	[tilespmem:$0x1C0] =	vst v60  }
0x65: {  	v62 =	vadd.s32 $0x3800, v56;
	[tilespmem:$0x1D0] =	vst v61  }
0x66: {  	v63 =	vadd.s32 $0x3800, v58;
	[tilespmem:$0x1E0] =	vst v62  }
0x67: {  	[tilespmem:$0x1F0] =	vst v63  }
0x68: {  	[tilespmem:s12], [sflag:$0x1] =	stream.indirect.gather [hbm4b:s3+s10], $0x1, s11, s10, $0xb8;
	[tilespmem:$0x300] =	vst v63  }
0x69: {  	_ =	swait.ge [sflag:s13], $0x80  }
0x6a: {  	[sflag:s13] =	ssyncset.done $0x0  }
0x6b: {  	[sflag:s13] =	ssyncadd.s32 $0xFFFFFF80  }
0x6c: {  	[tilespmem:s15], [sflag:$0x1] =	stream.indirect.gather [hbm4b:s3+s10], $0x1, s14, s10, $0xb8;
	[tilespmem:$0x300] =	vst v63  }
0x6d: {  	_ =	swait.ge [sflag:s13], $0x80  }
0x6e: {  	p0 =	sne.s32 s8, $0x1;
	[sflag:s13] =	ssyncset.done $0x0  }
.Ltmp0:
0x6f: {  	[sflag:s13] =	ssyncadd.s32 $0xFFFFFF80;
	(pc) =	sbr.rel @p0 .LBB2_1-.Ltmp0, $4  }
0x70: {  	[hbm4b:s7+s2] =	stream.linear.scatter [tilespmem:s12], [sflag:$0x2], $0x100, $0x38;
	[tilespmem:$0x300] =	vst v63  }
0x71: {  	_ =	swait.ge [sflag:s9], $0x100  }
0x72: {  	[sflag:s9] =	ssyncset.done $0x0  }
0x73: {  	s8 =	sadd.s32 $0xFFFFFFFF, s8;
	[sflag:s9] =	ssyncadd.s32 $0xFFFFFF00  }
0x74: {  	_ =	sfence.sel $0x180000  }
0x75: {  	[bflag:$0x0] =	sbarrier.arrive $0xFFFF  }
0x76: {  	p0 =	sne.s32 s1, $0x0;
	_ =	strace $0x9000004A  }
0x77: {  	s0 =	sadd.s32 @!p0 $0x100000, s0;
	[bflag:$0x2] =	sbarrier.arrive $0xFFFF  }
0x78: {  	[sflag:s0] =	ssyncadd.tile.s32 @!p0 $0x1;
	_ =	shalt  }
.Lfunc_end2:
_tile_overlayer_lowered:
.L_overlay_start_2:
0x79: {  	(tag) =	ssettag $0x2  }
0x7a: {  	s0 =	rddreg [dreg:$0x0];
	s2 =	stileid.u32  }
0x7b: {  	s1 =	rddreg [dreg:$0x1];
	p0 =	sne.s32 s2, $0x0  }
0x7c: {  	s3 =	rddreg [dreg:$0x2];
	[bflag:$0x3] =	sbarrier.arrive $0xFFFF;
	s2 =	simm.s32 @!p0 $0x1C02  }
0x7d: {  	[timem:s3], [sflag:s2] =	dma.local @!p0 [hbm:s0], s1  }
0x7e: {  	s0 =	simm.s32 @!p0 $0x2  }
0x7f: {  	_ =	swait.ge @!p0 [sflag:s0], s1  }
0x80: {  	s1 =	ssub.s32 @!p0 $0x0, s1;
	[sflag:s0] =	ssyncset.done @!p0 $0x0  }
0x81: {  	[sflag:s0] =	ssyncadd.s32 @!p0 s1  }
0x82: {  	[bflag:$0x3] =	sbarrier.arrive $0xFFFF  }
0x83: {  	_ =	shalt  }

// kernel: _run.7.cloned.1.call-start
scs
__scs_entry_jumppad:
0x0: {  	(pc) =	sbr.rel $0x88, $3  }
0x1: {  	(tag) =	ssettag $0x0;
	lr =	simm.s32 $0x1  }
0x2: {  	[smem:$0x3F9C] =	sst lr;
	_ =	strace $0xD0000000  }
0x3: {  	_ = 	snop  }
0x4: {  	_ = 	snop  }
0x5: {  	_ = 	snop  }
0x6: {  	_ = 	snop  }
0x7: {  	_ = 	snop  }
__scs_overlays_trampoline_lowered:
0x8: {  	[smem:$0x3FAB] =	sst s0  }
0x9: {  	[smem:$0x3FAC] =	sst s1  }
0xa: {  	[smem:$0x3FAD] =	sst s2  }
0xb: {  	[smem:$0x3FAE] =	sst s3  }
0xc: {  	[smem:$0x3FAF] =	sst s4  }
0xd: {  	[smem:$0x3FB0] =	sst s5  }
0xe: {  	[smem:$0x3FB1] =	sst s6  }
0xf: {  	[smem:$0x3FB2] =	sst s7  }
0x10: {  	[smem:$0x3FB3] =	sst s8  }
0x11: {  	[smem:$0x3FB4] =	sst s9;
	s0 =	simm.s32 @!p0 $0x0  }
0x12: {  	s1 =	sld [smem:$0x3F9A];
	s0 =	simm.s32 @p0 $0x1  }
0x13: {  	[smem:$0x3FB5] =	sst s0;
	s0 =	simm.s32 @!p1 $0x0  }
0x14: {  	s2 =	sld [smem:$0x3F99];
	s0 =	simm.s32 @p1 $0x1  }
0x15: {  	[smem:$0x3FB6] =	sst s0;
	s0 =	simm.s32 @!p2 $0x0  }
0x16: {  	s3 =	sld [smem:$0x3FDB];
	s0 =	simm.s32 @p2 $0x1  }
0x17: {  	s4 =	simm.s32 $0x1BF5;
	[smem:$0x3FB8] =	sst s0  }
0x18: {  	s0 =	sld [smem:$0x3F9B];
	_ =	swait.ge [sflag:s4], $0x0  }
0x19: {  	s7 =	sld [smem:$0x3F9C]  }
0x1a: {  	s8 =	sadd.s32 $0xFFFFE003, lr  }
0x1b: {  	s9 =	sadd.s32 $0xFFFFFEF7, lr;
	s5 =	simm.s32 $0xFFFFFFFF;
	p2 =	slt.u32 s8, $0xFFFFF086  }
0x1c: {  	p1 =	slt.u32 s9, $0xF7A;
	s5 =	simm.s32 @!p2 $0x0  }
0x1d: {  	s5 =	simm.s32 @p1 $0x1;
	p0 =	seq.s32 s7, s2  }
0x1e: {  	s7 =	smul.u32 @!p0 $0xF7A, s2;
	p2 =	seq.s32 @!p0 s5, $0x0  }
0x1f: {  	s9 =	smul.u32 $0xF7A, s1;
	s8 =	simm.s32 @!p0 $0x1BF5;
	p2 =	por !p2, p0  }
0x20: {  	[sflag:s8] =	ssyncset.s32 @!p0 $0xFFFFF086;
	s6 =	sadd.s32 @!p0 s3, s7;
	s7 =	simm.s32 @!p0 $0x108  }
0x21: {  	s3 =	sadd.s32 s3, s9;
	s6 =	sadd.s32 @!p0 $0x88, s6;
	s7 =	simm.s32 @p2 $0x1082  }
0x22: {  	[simem:s7], [sflag:s8] =	dma.local @!p0 [hbm:s6], $0xF7A  }
0x23: {  	s9 =	sor.u32 $0xD0000000, s2;
	s6 =	simm.s32 $0x108;
	_ =	swait.ge @!p0 [sflag:s8], $0x0  }
0x24: {  	s3 =	sadd.s32 $0x88, s3;
	s6 =	simm.s32 @!p1 $0x1082;
	[sflag:s4] =	ssyncset.s32 $0xFFFFF086  }
0x25: {  	[simem:s6], [sflag:s4] =	dma.local [hbm:s3], $0xF7A  }
0x26: {  	[smem:$0x3F9C] =	sst s1;
	(tag) =	ssettag s2;
	_ =	strace s9  }
0x27: {  	s1 =	sld [smem:$0x3FAC]  }
0x28: {  	s2 =	sld [smem:$0x3FAD]  }
0x29: {  	s4 =	sld [smem:$0x3FAF]  }
0x2a: {  	p0 =	seq.s32 s5, $0x0;
	s5 =	sld [smem:$0x3FB0]  }
0x2b: {  	s6 =	sld [smem:$0x3FB1]  }
0x2c: {  	s7 =	sld [smem:$0x3FB2]  }
0x2d: {  	s3 =	simm.s32 $0x108;
	s8 =	sld [smem:$0x3FB3]  }
0x2e: {  	s3 =	simm.s32 @!p0 $0x1082;
	s9 =	sld [smem:$0x3FB4]  }
0x2f: {  	lr =	sadd.s32 s0, s3;
	s0 =	sld [smem:$0x3FAB]  }
0x30: {  	s3 =	sld [smem:$0x3FAE]  }
0x31: {  	[smem:$0x3FB7] =	sst s10  }
0x32: {  	s10 =	sld [smem:$0x3FB5];
	_ =	sdelay $0x3  }
0x33: {  	p0 =	seq.s32 s10, $0x1;
	s10 =	sld [smem:$0x3FB7];
	_ =	sdelay $0x3  }
0x34: {  	[smem:$0x3FB7] =	sst s10  }
0x35: {  	s10 =	sld [smem:$0x3FB6];
	_ =	sdelay $0x3  }
0x36: {  	p1 =	seq.s32 s10, $0x1;
	s10 =	sld [smem:$0x3FB7];
	_ =	sdelay $0x3  }
0x37: {  	[smem:$0x3FB7] =	sst s10  }
0x38: {  	s10 =	sld [smem:$0x3FB8]  }
0x39: {  	_ = 	snop;
	(pc) =	sbr.ind lr, $3  }
0x3a: {  	_ = 	snop  }
0x3b: {  	_ = 	snop  }
0x3c: {  	p2 =	seq.s32 s10, $0x1;
	s10 =	sld [smem:$0x3FB7]  }
0x3d: {  	_ =	shalt  }
0x3e: {  	_ =	shalt  }
0x3f: {  	_ =	shalt  }
0x40: {  	_ =	shalt  }
0x41: {  	_ =	shalt  }
0x42: {  	_ =	shalt  }
0x43: {  	_ =	shalt  }
0x44: {  	_ =	shalt  }
0x45: {  	_ =	shalt  }
0x46: {  	_ =	shalt  }
0x47: {  	_ =	shalt  }
0x48: {  	_ =	shalt  }
0x49: {  	_ =	shalt  }
0x4a: {  	_ =	shalt  }
0x4b: {  	_ =	shalt  }
0x4c: {  	_ =	shalt  }
0x4d: {  	_ =	shalt  }
0x4e: {  	_ =	shalt  }
0x4f: {  	_ =	shalt  }
0x50: {  	_ =	shalt  }
0x51: {  	_ =	shalt  }
0x52: {  	_ =	shalt  }
0x53: {  	_ =	shalt  }
0x54: {  	_ =	shalt  }
0x55: {  	_ =	shalt  }
0x56: {  	_ =	shalt  }
0x57: {  	_ =	shalt  }
0x58: {  	_ =	shalt  }
0x59: {  	_ =	shalt  }
0x5a: {  	_ =	shalt  }
0x5b: {  	_ =	shalt  }
0x5c: {  	_ =	shalt  }
0x5d: {  	_ =	shalt  }
0x5e: {  	_ =	shalt  }
0x5f: {  	_ =	shalt  }
0x60: {  	_ =	shalt  }
0x61: {  	_ =	shalt  }
0x62: {  	_ =	shalt  }
0x63: {  	_ =	shalt  }
0x64: {  	_ =	shalt  }
0x65: {  	_ =	shalt  }
0x66: {  	_ =	shalt  }
0x67: {  	_ =	shalt  }
0x68: {  	_ =	shalt  }
0x69: {  	_ =	shalt  }
0x6a: {  	_ =	shalt  }
0x6b: {  	_ =	shalt  }
0x6c: {  	_ =	shalt  }
0x6d: {  	_ =	shalt  }
0x6e: {  	_ =	shalt  }
0x6f: {  	_ =	shalt  }
0x70: {  	_ =	shalt  }
0x71: {  	_ =	shalt  }
0x72: {  	_ =	shalt  }
0x73: {  	_ =	shalt  }
0x74: {  	_ =	shalt  }
0x75: {  	_ =	shalt  }
0x76: {  	_ =	shalt  }
0x77: {  	_ =	shalt  }
0x78: {  	_ =	shalt  }
0x79: {  	_ =	shalt  }
0x7a: {  	_ =	shalt  }
0x7b: {  	_ =	shalt  }
0x7c: {  	_ =	shalt  }
0x7d: {  	_ =	shalt  }
0x7e: {  	_ =	shalt  }
0x7f: {  	_ =	shalt  }
0x80: {  	_ =	shalt  }
0x81: {  	_ =	shalt  }
0x82: {  	_ =	shalt  }
0x83: {  	_ =	shalt  }
0x84: {  	_ =	shalt  }
0x85: {  	_ =	shalt  }
0x86: {  	_ =	shalt  }
0x87: {  	_ =	shalt  }
.Lfunc_end0:
.L_simem_size_0:
called_computation_lowered:
.L_overlay_start_0:
0x88: {  	s2 =	sld [smem:$0x3FD9]  }
0x89: {  	s3 =	sld [smem:$0x3FFE];
	_ =	sdelay $0x1  }
0x8a: {  	s1 =	srdreg.scid  }
0x8b: {  	s0 =	sand.u32 $0x1, s1  }
0x8c: {  	s16 =	sshll.u32 s0, $0xA;
	s2 =	sadd.s32 s3, s2  }
0x8d: {  	s2 =	sadd.s32 s2, s16  }
0x8e: {  	[smem:$0x3FC3] =	sst s2  }
0x8f: {  	_ = 	snop  }
0x90: {  	(tm) =	ssettm $0x1  }
0x91: {  	s17 =	sld [smem:$0x3FFB];
	_ =	sdelay $0x3  }
0x92: {  	_ =	strace s17  }
0x93: {  	s2 =	sld [smem:$0x3FFC];
	_ =	sdelay $0x3  }
0x94: {  	_ =	strace s2  }
0x95: {  	s2 =	sld [smem:$0x3FFD];
	_ =	sdelay $0x3  }
0x96: {  	_ =	strace s2  }
0x97: {  	_ =	strace $0x8FFFFFFF  }
0x98: {  	s18 =	sld [smem:$0x3FDB];
	_ =	sdelay $0x1  }
0x99: {  	s19 =	simm.s32 $_scs_section_size  }
0x9a: {  	s4 =	simm.s32 $_size__tile_overlayer_lowered;
	s5 =	simm.s32 $_tile_overlayer_lowered  }
0x9b: {  	s22 =	simm.s32 $0x1BFF;
	s21 =	sshll.u32 s5, $0x1;
	s2 =	sadd.s32 s19, s18  }
0x9c: {  	s6 =	simm.s32 $0x0;
	s20 =	sshll.u32 s4, $0x1;
	s4 =	sadd.s32 s21, s2  }
0x9d: {  	[timem:s6], [sflag:s22] =	dma.local [hbm:s4], s20  }
0x9e: {  	_ =	swait.ge [sflag:s22], s20  }
0x9f: {  	s3 =	ssub.s32 $0x0, s20;
	[sflag:s22] =	ssyncset.done $0x0  }
0xa0: {  	[sflag:s22] =	ssyncadd.s32 s3;
	_ =	sdelay $0x1  }
0xa1: {  	s23 =	simm.s32 $0x1B8B  }
0xa2: {  	_ =	swait.ge [sflag:s23], $0x1  }
0xa3: {  	[sflag:s23] =	ssyncset.done $0x0  }
0xa4: {  	s25 =	simm.s32 $0x1B8E;
	s24 =	sld [smem:$0x3FFE];
	[sflag:s23] =	ssyncadd.s32 $0xFFFFFFFF  }
0xa5: {  	s26 =	simm.s32 $execute0_lowered;
	[smem:$0x3FD2] =	sst s25  }
0xa6: {  	s4 =	sshll.u32 s26, $0x1;
	_ =	strace $0x80000046;
	[dreg:$0x1] =	wrdreg $0xFFFFFFFF  }
0xa7: {  	s28 =	simm.s32 $_size_execute0_lowered;
	s2 =	sadd.s32 s2, s4;
	[dreg:$0x0] =	wrdreg $0x0  }
0xa8: {  	s4 =	sshll.u32 s28, $0x1;
	[dreg:$0x2] =	wrdreg s2  }
0xa9: {  	[dreg:$0x3] =	wrdreg s4  }
0xaa: {  	[dreg:$0x4] =	wrdreg $0xC0  }
0xab: {  	_ =	task [dreg:s6], $0x5FFFF  }
0xac: {  	[dreg:$0x1] =	wrdreg $0xFFFFFFFF  }
0xad: {  	[dreg:$0x0] =	wrdreg $0x60  }
0xae: {  	[dreg:$0x2] =	wrdreg s24  }
0xaf: {  	[dreg:$0x3] =	wrdreg $0x9  }
0xb0: {  	_ =	task.clear_ibuf [dreg:s6], $0x4FFFF;
	_ =	strace $0x90000046  }
0xb1: {  	s29 =	simm.s32 $0x9;
	_ =	strace $0x80000048  }
0xb2: {  	_ =	swait.ge [sflag:s29], $0x1  }
0xb3: {  	[sflag:s29] =	ssyncadd.s32 $0xFFFFFFFF  }
0xb4: {  	_ =	strace $0x90000048  }
0xb5: {  	_ =	sfence  }
0xb6: {  	s30 =	sld [smem:$0x0];
	_ =	sdelay $0x2  }
0xb7: {  	s31 =	sshll.u32 s1, $0xD;
	s1 =	sshrl.u32 s1, $0x2  }
0xb8: {  	s3 =	sand.u32 $0x4000, s31;
	s1 =	sadd.s32 s1, s30  }
0xb9: {  	s0 =	sor.u32 s3, s0;
	s1 =	sshll.u32 s1, $0x11  }
0xba: {  	s0 =	sor.u32 s1, s0  }
0xbb: {  	s0 =	sadd.s32 $0x8F2B, s0  }
0xbc: {  	[sflag:s0] =	ssyncadd.remote.s32 $0x1  }
0xbd: {  	_ =	sfence.sel $0xFFFF  }
0xbe: {  	[dreg:$0x0] =	wrdreg $0xFFFFFFFF;
	(pc) =	sbr.abs _section_cstart, $3  }
0xbf: {  	[dreg:$0x1] =	wrdreg $0xFFFFFFFF  }
0xc0: {  	_ =	task.clear_ibuf [dreg:s6], $0x2FFFF;
	_ =	strace $0x9FFFFFFF  }
0xc1: {  	(tm) =	ssettm $0x7FFFFFFF  }
tec
execute0_lowered:
.L_overlay_start_1:
0x0: {  	(tag) =	ssettag $0x1  }
0x1: {  	s1 =	srdreg.scid;
	s0 =	stileid.u32  }
0x2: {  	s4 =	rddreg [dreg:$0x0];
	s2 =	simm.s32 $0x0;
	s10 =	simm.s32 $0x70  }
0x3: {  	s11 =	simm.s32 $0xE0;
	s3 =	sand.u32 $0x1, s1;
	s31 =	sshll.u32 s0, $0x1  }
0x4: {  	s12 =	simm.s32 $0x1C0;
	s13 =	simm.s32 $0x1;
	s5 =	sor.u32 s3, s31  }
0x5: {  	s14 =	simm.s32 $0x150;
	s1 =	rddreg [dreg:$0x1];
	s5 =	smul.u32 $0xE0, s5  }
0x6: {  	s15 =	simm.s32 $0x230;
	[smem:$0x7FF] =	sst s2;
	s6 =	ssub.s32 $0x2, s3  }
0x7: {  	_ =	strace $0x80000047;
	s7 =	sshrl.u32 s6, $0x1;
	s5 =	sshrl.u32 s5, $0x3  }
0x8: {  	s3 =	sadd.s32 $0x1A00, s4;
	s9 =	ssub.s32 s6, s7;
	s8 =	sadd.s32 s5, s4  }
0x9: {  	s4 =	sadd.s32 $0x2600, s8;
	s5 =	sadd.s32 $0x2A00, s8;
	s6 =	sadd.s32 $0x2D80, s8  }
0xa: {  	s7 =	sadd.s32 $0x3100, s8;
	s8 =	smax.u32 s9, $0x1;
	s9 =	simm.s32 $0x2  }
.LBB2_1:
0xb: {  	[tilespmem:s2], [sflag:$0x2] =	stream.linear.gather [hbm4b:s4+s2], $0xE0, $0x38;
	[tilespmem:$0x2A0] =	vst v63  }
0xc: {  	_ =	swait.ge [sflag:s9], $0xE0  }
0xd: {  	[sflag:s9] =	ssyncset.done $0x0  }
0xe: {  	[sflag:s9] =	ssyncadd.s32 $0xFFFFFF20  }
0xf: {  	v0 =	vld [tilespmem:$0x0]  }
0x10: {  	v1 =	vld [tilespmem:$0x10]  }
0x11: {  	v2 =	vld [tilespmem:$0x20]  }
0x12: {  	v3 =	vld [tilespmem:$0x30]  }
0x13: {  	v4 =	vld [tilespmem:$0x40]  }
0x14: {  	v59 =	vld [tilespmem:$0x50];
	[tilespmem:$0xE0] =	vst v0  }
0x15: {  	v60 =	vld [tilespmem:$0x60];
	[tilespmem:$0xF0] =	vst v1  }
0x16: {  	v61 =	vld [tilespmem:$0x70];
	[tilespmem:$0x100] =	vst v2  }
0x17: {  	v62 =	vld [tilespmem:$0x80];
	[tilespmem:$0x110] =	vst v3  }
0x18: {  	v63 =	vld [tilespmem:$0x90];
	[tilespmem:$0x120] =	vst v4  }
0x19: {  	v7 =	vld [tilespmem:$0xA0];
	[tilespmem:$0x130] =	vst v59  }
0x1a: {  	v8 =	vld [tilespmem:$0xB0];
	[tilespmem:$0x140] =	vst v60  }
0x1b: {  	v9 =	vld [tilespmem:$0xC0];
	[tilespmem:$0x150] =	vst v61  }
0x1c: {  	v10 =	vld [tilespmem:$0xD0];
	[tilespmem:$0x160] =	vst v62  }
0x1d: {  	[tilespmem:$0x170] =	vst v63  }
0x1e: {  	[tilespmem:$0x180] =	vst v7  }
0x1f: {  	[tilespmem:$0x190] =	vst v8  }
0x20: {  	[tilespmem:$0x1A0] =	vst v9  }
0x21: {  	[tilespmem:$0x1B0] =	vst v10  }
0x22: {  	[tilespmem:s12], [sflag:$0x1] =	stream.indirect.gather [hbm4b:s3+s10], $0x1, s11, s10, $0xb8;
	[tilespmem:$0x2A0] =	vst v63  }
0x23: {  	_ =	swait.ge [sflag:s13], $0x70  }
0x24: {  	[sflag:s13] =	ssyncset.done $0x0  }
0x25: {  	[sflag:s13] =	ssyncadd.s32 $0xFFFFFF90  }
0x26: {  	[tilespmem:s15], [sflag:$0x1] =	stream.indirect.gather [hbm4b:s3+s10], $0x1, s14, s10, $0xb8;
	[tilespmem:$0x2A0] =	vst v63  }
0x27: {  	_ =	swait.ge [sflag:s13], $0x70  }
0x28: {  	[sflag:s13] =	ssyncset.done $0x0  }
0x29: {  	[sflag:s13] =	ssyncadd.s32 $0xFFFFFF90  }
0x2a: {  	[hbm4b:s5+s2] =	stream.linear.scatter [tilespmem:s12], [sflag:$0x2], $0xE0, $0x38;
	[tilespmem:$0x2A0] =	vst v63  }
0x2b: {  	_ =	swait.ge [sflag:s9], $0xE0  }
0x2c: {  	[sflag:s9] =	ssyncset.done $0x0  }
0x2d: {  	[sflag:s9] =	ssyncadd.s32 $0xFFFFFF20  }
0x2e: {  	v11 =	vld [tilespmem:$0x0]  }
0x2f: {  	v12 =	vld [tilespmem:$0x10]  }
0x30: {  	v13 =	vld [tilespmem:$0x20]  }
0x31: {  	v14 =	vld [tilespmem:$0x30]  }
0x32: {  	v15 =	vld [tilespmem:$0x40]  }
0x33: {  	v5 =	vld [tilespmem:$0x50];
	v0 =	vadd.s32 $0x2000, v11  }
0x34: {  	v17 =	vld [tilespmem:$0x60];
	v16 =	vadd.s32 $0x2000, v12;
	[tilespmem:$0xE0] =	vst v0  }
0x35: {  	v19 =	vld [tilespmem:$0x70];
	v18 =	vadd.s32 $0x2000, v13;
	[tilespmem:$0xF0] =	vst v16  }
0x36: {  	v21 =	vld [tilespmem:$0x80];
	v20 =	vadd.s32 $0x2000, v14;
	[tilespmem:$0x100] =	vst v18  }
0x37: {  	v23 =	vld [tilespmem:$0x90];
	v22 =	vadd.s32 $0x2000, v15;
	[tilespmem:$0x110] =	vst v20  }
0x38: {  	v25 =	vld [tilespmem:$0xA0];
	v24 =	vadd.s32 $0x2000, v5;
	[tilespmem:$0x120] =	vst v22  }
0x39: {  	v27 =	vld [tilespmem:$0xB0];
	v26 =	vadd.s32 $0x2000, v17;
	[tilespmem:$0x130] =	vst v24  }
0x3a: {  	v29 =	vld [tilespmem:$0xC0];
	v28 =	vadd.s32 $0x2000, v19;
	[tilespmem:$0x140] =	vst v26  }
0x3b: {  	v31 =	vld [tilespmem:$0xD0];
	v30 =	vadd.s32 $0x2000, v21;
	[tilespmem:$0x150] =	vst v28  }
0x3c: {  	v32 =	vadd.s32 $0x2000, v23;
	[tilespmem:$0x160] =	vst v30  }
0x3d: {  	v33 =	vadd.s32 $0x2000, v25;
	[tilespmem:$0x170] =	vst v32  }
0x3e: {  	v34 =	vadd.s32 $0x2000, v27;
	[tilespmem:$0x180] =	vst v33  }
0x3f: {  	v35 =	vadd.s32 $0x2000, v29;
	[tilespmem:$0x190] =	vst v34  }
0x40: {  	v36 =	vadd.s32 $0x2000, v31;
	[tilespmem:$0x1A0] =	vst v35  }
0x41: {  	[tilespmem:$0x1B0] =	vst v36  }
0x42: {  	[tilespmem:s12], [sflag:$0x1] =	stream.indirect.gather [hbm4b:s3+s10], $0x1, s11, s10, $0xb8;
	[tilespmem:$0x2A0] =	vst v63  }
0x43: {  	_ =	swait.ge [sflag:s13], $0x70  }
0x44: {  	[sflag:s13] =	ssyncset.done $0x0  }
0x45: {  	[sflag:s13] =	ssyncadd.s32 $0xFFFFFF90  }
0x46: {  	[tilespmem:s15], [sflag:$0x1] =	stream.indirect.gather [hbm4b:s3+s10], $0x1, s14, s10, $0xb8;
	[tilespmem:$0x2A0] =	vst v63  }
0x47: {  	_ =	swait.ge [sflag:s13], $0x70  }
0x48: {  	[sflag:s13] =	ssyncset.done $0x0  }
0x49: {  	[sflag:s13] =	ssyncadd.s32 $0xFFFFFF90  }
0x4a: {  	[hbm4b:s6+s2] =	stream.linear.scatter [tilespmem:s12], [sflag:$0x2], $0xE0, $0x38;
	[tilespmem:$0x2A0] =	vst v63  }
0x4b: {  	_ =	swait.ge [sflag:s9], $0xE0  }
0x4c: {  	[sflag:s9] =	ssyncset.done $0x0  }
0x4d: {  	[sflag:s9] =	ssyncadd.s32 $0xFFFFFF20  }
0x4e: {  	v37 =	vld [tilespmem:$0x0]  }
0x4f: {  	v38 =	vld [tilespmem:$0x10]  }
0x50: {  	v39 =	vld [tilespmem:$0x20]  }
0x51: {  	v40 =	vld [tilespmem:$0x30]  }
0x52: {  	v41 =	vld [tilespmem:$0x40]  }
0x53: {  	v42 =	vld [tilespmem:$0x50];
	v0 =	vadd.s32 $0x4000, v37  }
0x54: {  	v44 =	vld [tilespmem:$0x60];
	v43 =	vadd.s32 $0x4000, v38;
	[tilespmem:$0xE0] =	vst v0  }
0x55: {  	v46 =	vld [tilespmem:$0x70];
	v45 =	vadd.s32 $0x4000, v39;
	[tilespmem:$0xF0] =	vst v43  }
0x56: {  	v48 =	vld [tilespmem:$0x80];
	v47 =	vadd.s32 $0x4000, v40;
	[tilespmem:$0x100] =	vst v45  }
0x57: {  	v50 =	vld [tilespmem:$0x90];
	v49 =	vadd.s32 $0x4000, v41;
	[tilespmem:$0x110] =	vst v47  }
0x58: {  	v52 =	vld [tilespmem:$0xA0];
	v51 =	vadd.s32 $0x4000, v42;
	[tilespmem:$0x120] =	vst v49  }
0x59: {  	v54 =	vld [tilespmem:$0xB0];
	v53 =	vadd.s32 $0x4000, v44;
	[tilespmem:$0x130] =	vst v51  }
0x5a: {  	v56 =	vld [tilespmem:$0xC0];
	v55 =	vadd.s32 $0x4000, v46;
	[tilespmem:$0x140] =	vst v53  }
0x5b: {  	v58 =	vld [tilespmem:$0xD0];
	v57 =	vadd.s32 $0x4000, v48;
	[tilespmem:$0x150] =	vst v55  }
0x5c: {  	v59 =	vadd.s32 $0x4000, v50;
	[tilespmem:$0x160] =	vst v57  }
0x5d: {  	v60 =	vadd.s32 $0x4000, v52;
	[tilespmem:$0x170] =	vst v59  }
0x5e: {  	v61 =	vadd.s32 $0x4000, v54;
	[tilespmem:$0x180] =	vst v60  }
0x5f: {  	v62 =	vadd.s32 $0x4000, v56;
	[tilespmem:$0x190] =	vst v61  }
0x60: {  	v63 =	vadd.s32 $0x4000, v58;
	[tilespmem:$0x1A0] =	vst v62  }
0x61: {  	[tilespmem:$0x1B0] =	vst v63  }
0x62: {  	[tilespmem:s12], [sflag:$0x1] =	stream.indirect.gather [hbm4b:s3+s10], $0x1, s11, s10, $0xb8;
	[tilespmem:$0x2A0] =	vst v63  }
0x63: {  	_ =	swait.ge [sflag:s13], $0x70  }
0x64: {  	[sflag:s13] =	ssyncset.done $0x0  }
0x65: {  	[sflag:s13] =	ssyncadd.s32 $0xFFFFFF90  }
0x66: {  	[tilespmem:s15], [sflag:$0x1] =	stream.indirect.gather [hbm4b:s3+s10], $0x1, s14, s10, $0xb8;
	[tilespmem:$0x2A0] =	vst v63  }
0x67: {  	_ =	swait.ge [sflag:s13], $0x70  }
0x68: {  	p0 =	sne.s32 s8, $0x1;
	[sflag:s13] =	ssyncset.done $0x0  }
.Ltmp0:
0x69: {  	[sflag:s13] =	ssyncadd.s32 $0xFFFFFF90;
	(pc) =	sbr.rel @p0 .LBB2_1-.Ltmp0, $4  }
0x6a: {  	[hbm4b:s7+s2] =	stream.linear.scatter [tilespmem:s12], [sflag:$0x2], $0xE0, $0x38;
	[tilespmem:$0x2A0] =	vst v63  }
0x6b: {  	_ =	swait.ge [sflag:s9], $0xE0  }
0x6c: {  	[sflag:s9] =	ssyncset.done $0x0  }
0x6d: {  	s8 =	sadd.s32 $0xFFFFFFFF, s8;
	[sflag:s9] =	ssyncadd.s32 $0xFFFFFF20  }
0x6e: {  	_ =	sfence.sel $0x180000  }
0x6f: {  	[bflag:$0x0] =	sbarrier.arrive $0xFFFF  }
0x70: {  	p0 =	sne.s32 s0, $0x0;
	_ =	strace $0x90000047  }
0x71: {  	s0 =	sadd.s32 @!p0 $0x100000, s1;
	[bflag:$0x2] =	sbarrier.arrive $0xFFFF  }
0x72: {  	[sflag:s0] =	ssyncadd.tile.s32 @!p0 $0x1;
	_ =	shalt  }
.Lfunc_end2:
_tile_overlayer_lowered:
.L_overlay_start_2:
0x73: {  	(tag) =	ssettag $0x2  }
0x74: {  	s0 =	rddreg [dreg:$0x0];
	s2 =	stileid.u32  }
0x75: {  	s1 =	rddreg [dreg:$0x1];
	p0 =	sne.s32 s2, $0x0  }
0x76: {  	s3 =	rddreg [dreg:$0x2];
	[bflag:$0x3] =	sbarrier.arrive $0xFFFF;
	s2 =	simm.s32 @!p0 $0x1C02  }
0x77: {  	[timem:s3], [sflag:s2] =	dma.local @!p0 [hbm:s0], s1  }
0x78: {  	s0 =	simm.s32 @!p0 $0x2  }
0x79: {  	_ =	swait.ge @!p0 [sflag:s0], s1  }
0x7a: {  	s1 =	ssub.s32 @!p0 $0x0, s1;
	[sflag:s0] =	ssyncset.done @!p0 $0x0  }
0x7b: {  	[sflag:s0] =	ssyncadd.s32 @!p0 s1  }
0x7c: {  	[bflag:$0x3] =	sbarrier.arrive $0xFFFF  }
0x7d: {  	_ =	shalt  }

</sc_bundles>
